<compile_context>
chip_gen: v7x
topology: tpu7x:2x2x1
jax: 0.10.2.dev20260603
libtpu: 0.0.44.dev20260713+nightly
codegen_flags: <defaults>
</compile_context>

<pallas_src>
import functools

import jax
import jax.numpy as jnp
from jax import lax
from jax.experimental import pallas as pl
from jax.experimental.pallas import tpu as pltpu
from jax.experimental.pallas import tpu_sc as plsc

N = 50000
E = 800000
NUM_NODES = 10000
B = 5
H1, C1 = 4, 8
H2, C2 = 3, 16

_NSUB = 16
_RPT = 3128
_RPT_LAST = N - 15 * _RPT

_K = 256

_L1_CHUNKS = 97
_L1_PER_TILE = _L1_CHUNKS * _K
_L1_EXTRA_BASE = 32 * _L1_PER_TILE
_L1_EXTRA_TILES = (E - 32 * _L1_PER_TILE) // _K

_L2_CHUNKS = 195
_L2_PER_TILE = _L2_CHUNKS * _K
_L2_EXTRA_BASE = 16 * _L2_PER_TILE
_L2_EXTRA_TILES = (E - 16 * _L2_PER_TILE) // _K

_L2_W = 32

_mesh = plsc.VectorSubcoreMesh(core_axis_name="c", subcore_axis_name="s")
_cparams = pltpu.CompilerParams(use_tc_tiling_on_sc=False,
                                needs_layout_passes=False)


def _i16(v):
    return jnp.full((16,), v, jnp.int32)


def _acc_rows_io(s, do_copy):
    @pl.when(s < 15)
    def _():
        do_copy(s * _RPT, _RPT)

    @pl.when(s == 15)
    def _():
        do_copy(15 * _RPT, _RPT_LAST)


def _l1_body(src_hbm, dst_hbm, xf_hbm, cst_hbm, z_hbm, out_hbm,
             xf_v, cst_v, sidx, didx, obuf, acc, sem):
    c = lax.axis_index("c")
    s = lax.axis_index("s")
    w = c * _NSUB + s
    pltpu.sync_copy(xf_hbm, xf_v)
    pltpu.sync_copy(cst_hbm, cst_v)

    def zcp(row0, nrows):
        pltpu.sync_copy(z_hbm.at[pl.ds(0, nrows)], acc.at[pl.ds(row0, nrows)])

    _acc_rows_io(s, zcp)
    plsc.subcore_barrier()

    ji = lax.iota(jnp.int32, 16)

    def edges16(j, _):
        sv = sidx[pl.ds(j * 16, 16)]
        dv = didx[pl.ds(j * 16, 16)]
        xs = plsc.load_gather(xf_v, [sv])
        xd = plsc.load_gather(xf_v, [dv])
        rows = ji + j * 16
        for h in range(H1):
            t = xs * cst_v[0, h] + xd * cst_v[1, h]
            e = jnp.maximum(t, 0.2 * t)
            wgt = jnp.exp(e - cst_v[2, h])
            plsc.store_scatter(obuf, [rows, _i16(h)], wgt)
            plsc.store_scatter(obuf, [rows, _i16(H1 + h)], wgt * xs)
        return None

    def chunk(base):
        d1 = pltpu.async_copy(src_hbm.at[pl.ds(base, _K)], sidx, sem)
        d2 = pltpu.async_copy(dst_hbm.at[pl.ds(base, _K)], didx, sem)
        d1.wait()
        d2.wait()
        lax.fori_loop(0, _K // 16, edges16, None)
        pltpu.sync_copy(obuf, acc.at[didx], add=True)

    def one_chunk(i, _):
        chunk(w * _L1_PER_TILE + i * _K)
        return None

    lax.fori_loop(0, _L1_CHUNKS, one_chunk, None)

    @pl.when(w < _L1_EXTRA_TILES)
    def _():
        chunk(_L1_EXTRA_BASE + w * _K)

    plsc.subcore_barrier()

    def ocp(row0, nrows):
        pltpu.sync_copy(acc.at[pl.ds(row0, nrows)],
                        out_hbm.at[c, pl.ds(row0, nrows)])

    _acc_rows_io(s, ocp)


_l1_call = functools.partial(
    pl.kernel,
    out_type=jax.ShapeDtypeStruct((2, N, 8), jnp.float32),
    mesh=_mesh,
    compiler_params=_cparams,
    scratch_types=[
        pltpu.VMEM((N,), jnp.float32),
        pltpu.VMEM((3, H1, 16), jnp.float32),
        pltpu.VMEM((_K,), jnp.int32),
        pltpu.VMEM((_K,), jnp.int32),
        pltpu.VMEM((_K, 8), jnp.float32),
        pltpu.VMEM_SHARED((N, 8), jnp.float32),
        pltpu.SemaphoreType.DMA,
    ],
)


def _l2_body(src_hbm, dst_hbm, st0_hbm, st1_hbm, ad0_hbm, ad1_hbm, cst_hbm,
             z_hbm, out_hbm, cst_v, sidx, didx, adrows, rows_v, obuf,
             acc, sem):
    c = lax.axis_index("c")
    s = lax.axis_index("s")
    pltpu.sync_copy(cst_hbm.at[c], cst_v)

    def zcp(row0, nrows):
        pltpu.sync_copy(z_hbm.at[pl.ds(0, nrows)], acc.at[pl.ds(row0, nrows)])

    _acc_rows_io(s, zcp)
    plsc.subcore_barrier()

    ji = lax.iota(jnp.int32, 16)
    z16 = _i16(0)
    o16 = _i16(1)

    def edges16(j, _):
        rows = ji + j * 16
        ad_a = plsc.load_gather(adrows, [rows, z16])
        ad_c = plsc.load_gather(adrows, [rows, o16])
        as_a = plsc.load_gather(rows_v, [rows, z16])
        as_c = plsc.load_gather(rows_v, [rows, o16])
        ta = as_a + ad_a
        wa = jnp.exp(jnp.maximum(ta, 0.2 * ta) - cst_v[0])
        tc = as_c + ad_c
        wc = jnp.exp(jnp.maximum(tc, 0.2 * tc) - cst_v[1])
        plsc.store_scatter(obuf, [rows, z16], wa)
        plsc.store_scatter(obuf, [rows, o16], wc)
        for k in range(16):
            hv = plsc.load_gather(rows_v, [rows, _i16(2 + k)])
            plsc.store_scatter(obuf, [rows, _i16(2 + k)], wa * hv)
        for k in range(8):
            hv = plsc.load_gather(rows_v, [rows, _i16(18 + k)])
            plsc.store_scatter(obuf, [rows, _i16(18 + k)], wc * hv)
        return None

    def chunk(base):
        d1 = pltpu.async_copy(src_hbm.at[pl.ds(base, _K)], sidx, sem)
        d2 = pltpu.async_copy(dst_hbm.at[pl.ds(base, _K)], didx, sem)
        d1.wait()
        d2.wait()

        @pl.when(c == 0)
        def _():
            g1 = pltpu.async_copy(st0_hbm.at[sidx], rows_v, sem)
            g2 = pltpu.async_copy(ad0_hbm.at[didx], adrows, sem)
            g1.wait()
            g2.wait()

        @pl.when(c == 1)
        def _():
            g1 = pltpu.async_copy(st1_hbm.at[sidx], rows_v, sem)
            g2 = pltpu.async_copy(ad1_hbm.at[didx], adrows, sem)
            g1.wait()
            g2.wait()
        lax.fori_loop(0, _K // 16, edges16, None)
        pltpu.sync_copy(obuf, acc.at[didx], add=True)

    def one_chunk(i, _):
        chunk(s * _L2_PER_TILE + i * _K)
        return None

    lax.fori_loop(0, _L2_CHUNKS, one_chunk, None)

    @pl.when(s < _L2_EXTRA_TILES)
    def _():
        chunk(_L2_EXTRA_BASE + s * _K)

    plsc.subcore_barrier()

    def ocp(row0, nrows):
        pltpu.sync_copy(acc.at[pl.ds(row0, nrows)],
                        out_hbm.at[c, pl.ds(row0, nrows)])

    _acc_rows_io(s, ocp)


_l2_call = functools.partial(
    pl.kernel,
    out_type=jax.ShapeDtypeStruct((2, N, _L2_W), jnp.float32),
    mesh=_mesh,
    compiler_params=_cparams,
    scratch_types=[
        pltpu.VMEM((2, 16), jnp.float32),
        pltpu.VMEM((_K,), jnp.int32),
        pltpu.VMEM((_K,), jnp.int32),
        pltpu.VMEM((_K, 16), jnp.float32),
        pltpu.VMEM((_K, 32), jnp.float32),
        pltpu.VMEM((_K, _L2_W), jnp.float32),
        pltpu.VMEM_SHARED((N, _L2_W), jnp.float32),
        pltpu.SemaphoreType.DMA,
    ],
)


def _ln(v, g, b, eps=1e-5):
    mu = v.mean(-1, keepdims=True)
    var = ((v - mu) ** 2).mean(-1, keepdims=True)
    return (v - mu) / jnp.sqrt(var + eps) * g + b


def kernel(x, edge_index, W1, a_src1, a_dst1, b1, W2, a_src2, a_dst2, b2,
           p1w, p1b, p2w, p2b, ln0g, ln0b, ln1g, ln1b,
           f1w, f1b, f2w, f2b, f3w, f3b, f4w, f4b, lw, lb):
    src = edge_index[0]
    dst = edge_index[1]
    xf = x[:, 0]

    W1r = W1.reshape(H1, C1)
    cs1 = (W1r * a_src1).sum(-1)
    cd1 = (W1r * a_dst1).sum(-1)
    xmax, xmin = xf.max(), xf.min()
    mx_s = jnp.where(cs1 >= 0, cs1 * xmax, cs1 * xmin)
    mx_d = jnp.where(cd1 >= 0, cd1 * xmax, cd1 * xmin)
    k1 = jax.nn.leaky_relu(mx_s + mx_d, 0.2)
    cst1 = jnp.broadcast_to(
        jnp.stack([cs1, cd1, k1])[:, :, None], (3, H1, 16)).astype(jnp.float32)
    z1 = jnp.zeros((_RPT, 8), jnp.float32)

    l1 = _l1_call(_l1_body)(src, dst, xf, cst1, z1)
    l1 = l1[0] + l1[1]
    sw = l1[:, :H1]
    sv = l1[:, H1:]
    out1 = (sv / (sw + 1e-16))[:, :, None] * W1r[None, :, :]
    h1 = jax.nn.elu(out1.reshape(N, H1 * C1) + b1)

    h2l = (h1 @ W2).reshape(N, H2, C2)
    as2 = (h2l * a_src2[None]).sum(-1)
    ad2 = (h2l * a_dst2[None]).sum(-1)
    k2 = jax.nn.leaky_relu(as2.max(0) + ad2.max(0), 0.2)
    pad6 = jnp.zeros((N, 6), jnp.float32)
    st0 = jnp.concatenate(
        [as2[:, 0:1], as2[:, 2:3], h2l[:, 0, :], h2l[:, 2, 0:8], pad6], 1)
    st1 = jnp.concatenate(
        [as2[:, 1:2], as2[:, 2:3], h2l[:, 1, :], h2l[:, 2, 8:16], pad6], 1)
    padA = jnp.zeros((N, 14), jnp.float32)
    ad0 = jnp.concatenate([ad2[:, 0:1], ad2[:, 2:3], padA], 1)
    ad1 = jnp.concatenate([ad2[:, 1:2], ad2[:, 2:3], padA], 1)
    cst2 = jnp.broadcast_to(
        jnp.stack([jnp.stack([k2[0], k2[2]]),
                   jnp.stack([k2[1], k2[2]])])[:, :, None], (2, 2, 16))
    z2 = jnp.zeros((_RPT, _L2_W), jnp.float32)

    l2 = _l2_call(_l2_body)(src, dst, st0, st1, ad0, ad1, cst2, z2)
    d0 = l2[0, :, 0:1]
    d1 = l2[1, :, 0:1]
    d2 = l2[0, :, 1:2]
    num0 = l2[0, :, 2:18]
    num1 = l2[1, :, 2:18]
    num2 = jnp.concatenate([l2[0, :, 18:26], l2[1, :, 18:26]], 1)
    out2 = jnp.concatenate([num0 / (d0 + 1e-16),
                            num1 / (d1 + 1e-16),
                            num2 / (d2 + 1e-16)], 1)
    h2 = jax.nn.elu(out2 + b2)

    x1 = (h1 @ p1w + p1b)[:, 0].reshape(B, NUM_NODES)
    x2 = (h2 @ p2w + p2b)[:, 0].reshape(B, NUM_NODES)
    x0 = x.reshape(B, NUM_NODES)
    x0 = _ln(x0, ln0g, ln0b)
    x1 = _ln(x1, ln1g, ln1b)
    x2 = _ln(x2, ln0g, ln0b)
    ms = jnp.concatenate([x0, x1, x2], axis=1)
    z = jax.nn.elu(ms @ f1w + f1b)
    z = jax.nn.elu(z @ f2w + f2b)
    z = jax.nn.elu(z @ f3w + f3b)
    enc = jax.nn.elu(z @ f4w + f4b)
    pred = jax.nn.sigmoid(enc @ lw + lb) * 6.0 + (-3.0)
    return (ms, enc, pred)

# --- scband reference (transcript-rebuilt; emitter-appended) ---
"""Pipeline reference for scband-gatv4-32710470926858 (READ-ONLY COPY).

The authoritative reference and input builder live on the scoring server;
editing this copy changes nothing except your own understanding.
"""

import jax, jax.numpy as jnp
import numpy as np

N = 50000
E = 800000
NUM_NODES = 10000
B = 5
H1, C1 = 4, 8
H2, C2 = 3, 16
FC = [128, 96, 64]
OMIC = 32
OUT = 1


def setup_inputs(seed: int = 0):
    key = jax.random.key(seed)
    ks = jax.random.split(key, 30)
    def rn(k, shape, scale=0.1):
        return jax.random.normal(k, shape, dtype=jnp.float32) * scale
    inp = {}
    inp["x"] = jax.random.normal(ks[0], (N, 1), dtype=jnp.float32)
    inp["edge_index"] = jax.random.randint(ks[1], (2, E), 0, N, dtype=jnp.int32)
    inp["W1"] = rn(ks[2], (1, H1 * C1), 1.0)
    inp["a_src1"] = rn(ks[3], (H1, C1))
    inp["a_dst1"] = rn(ks[4], (H1, C1))
    inp["b1"] = jnp.zeros((H1 * C1,), jnp.float32)
    inp["W2"] = rn(ks[5], (H1 * C1, H2 * C2))
    inp["a_src2"] = rn(ks[6], (H2, C2))
    inp["a_dst2"] = rn(ks[7], (H2, C2))
    inp["b2"] = jnp.zeros((H2 * C2,), jnp.float32)
    inp["p1w"] = rn(ks[8], (H1 * C1, 1))
    inp["p1b"] = jnp.zeros((1,), jnp.float32)
    inp["p2w"] = rn(ks[9], (H2 * C2, 1))
    inp["p2b"] = jnp.zeros((1,), jnp.float32)
    inp["ln0g"] = jnp.ones((NUM_NODES,), jnp.float32)
    inp["ln0b"] = jnp.zeros((NUM_NODES,), jnp.float32)
    inp["ln1g"] = jnp.ones((NUM_NODES,), jnp.float32)
    inp["ln1b"] = jnp.zeros((NUM_NODES,), jnp.float32)
    inp["f1w"] = rn(ks[10], (3 * NUM_NODES, FC[0]), 0.01)
    inp["f1b"] = jnp.zeros((FC[0],), jnp.float32)
    inp["f2w"] = rn(ks[11], (FC[0], FC[1]))
    inp["f2b"] = jnp.zeros((FC[1],), jnp.float32)
    inp["f3w"] = rn(ks[12], (FC[1], FC[2]))
    inp["f3b"] = jnp.zeros((FC[2],), jnp.float32)
    inp["f4w"] = rn(ks[13], (FC[2], OMIC))
    inp["f4b"] = jnp.zeros((OMIC,), jnp.float32)
    inp["lw"] = rn(ks[14], (OMIC, OUT))
    inp["lb"] = jnp.zeros((OUT,), jnp.float32)
    return inp


def _gat_conv(x, src, dst, W, a_s, a_d, b, heads, ch):
    # PyG-style GATConv: per-head linear, additive attention, segment softmax over dst
    n = x.shape[0]
    h = (x @ W).reshape(n, heads, ch)
    alpha_src = (h * a_s[None, :, :]).sum(-1)  # [n, H]
    alpha_dst = (h * a_d[None, :, :]).sum(-1)  # [n, H]
    e = alpha_src[src] + alpha_dst[dst]        # gather -> [E, H]
    e = jax.nn.leaky_relu(e, 0.2)
    emax = jax.ops.segment_max(e, dst, num_segments=n)
    emax = jax.lax.stop_gradient(jnp.where(jnp.isfinite(emax), emax, 0.0))
    ex = jnp.exp(e - emax[dst])
    denom = jax.ops.segment_sum(ex, dst, num_segments=n)
    alpha = ex / (denom[dst] + 1e-16)
    msg = h[src] * alpha[:, :, None]           # [E, H, C]
    out = jax.ops.segment_sum(msg, dst, num_segments=n)
    return out.reshape(n, heads * ch) + b


def _ln(v, g, b, eps=1e-5):
    mu = v.mean(-1, keepdims=True)
    var = ((v - mu) ** 2).mean(-1, keepdims=True)
    return (v - mu) / jnp.sqrt(var + eps) * g + b


def reference(x, edge_index, W1, a_src1, a_dst1, b1, W2, a_src2, a_dst2, b2,
              p1w, p1b, p2w, p2b, ln0g, ln0b, ln1g, ln1b,
              f1w, f1b, f2w, f2b, f3w, f3b, f4w, f4b, lw, lb):
    # eval mode: all dropout / alpha-dropout layers are identity
    src, dst = edge_index[0], edge_index[1]
    h1 = jax.nn.elu(_gat_conv(x, src, dst, W1, a_src1, a_dst1, b1, H1, C1))
    x1 = (h1 @ p1w + p1b)[:, 0].reshape(B, NUM_NODES)   # pool1 + to_dense_batch
    h2 = jax.nn.elu(_gat_conv(h1, src, dst, W2, a_src2, a_dst2, b2, H2, C2))
    x2 = (h2 @ p2w + p2b)[:, 0].reshape(B, NUM_NODES)   # pool2 + to_dense_batch
    x0 = x.reshape(B, NUM_NODES)
    x0 = _ln(x0, ln0g, ln0b)
    x1 = _ln(x1, ln1g, ln1b)
    x2 = _ln(x2, ln0g, ln0b)  # faithful to original (layer_norm0 reused on x2)
    ms = jnp.concatenate([x0, x1, x2], axis=1)          # which_layer == 'all'
    z = jax.nn.elu(ms @ f1w + f1b)
    z = jax.nn.elu(z @ f2w + f2b)
    z = jax.nn.elu(z @ f3w + f3b)
    enc = jax.nn.elu(z @ f4w + f4b)
    pred = jax.nn.sigmoid(enc @ lw + lb) * 6.0 + (-3.0)  # output_range / output_shift
    return (ms, enc, pred)

if __name__ == "__main__":
    import jax
    _d = setup_inputs()
    print(jax.jit(kernel)(*tuple(_d.values())))

</pallas_src>

<mosaic_0001>
#map = affine_map<(d0, d1) -> (0)>
#map1 = affine_map<(d0, d1) -> (0, 0, 0)>
#map2 = affine_map<(d0, d1) -> (0, 0)>
module attributes {stable_mosaic.version = 14 : i64} {
  func.func @_l1_body(%arg0: i32, %arg1: i32, %arg2: memref<800000xi32, #tpu.memory_space<hbm>>, %arg3: memref<800000xi32, #tpu.memory_space<hbm>>, %arg4: memref<50000xf32, #tpu.memory_space<hbm>>, %arg5: memref<3x4x16xf32, #tpu.memory_space<hbm>>, %arg6: memref<3128x8xf32, #tpu.memory_space<hbm>>, %arg7: memref<2x50000x8xf32, #tpu.memory_space<hbm>>, %arg8: memref<50000xf32, #tpu.memory_space<vmem>>, %arg9: memref<3x4x16xf32, #tpu.memory_space<vmem>>, %arg10: memref<256xi32, #tpu.memory_space<vmem>>, %arg11: memref<256xi32, #tpu.memory_space<vmem>>, %arg12: memref<256x8xf32, #tpu.memory_space<vmem>>, %arg13: memref<50000x8xf32, #tpu.memory_space<vmem_shared>>, %arg14: memref<!tpu.dma_semaphore, #tpu.memory_space<semaphore_mem>>) attributes {dimension_semantics = [#tpu.dimension_semantics<core_parallel>, #tpu.dimension_semantics<subcore_parallel>], iteration_bounds = array<i64: 2, 16>, scalar_prefetch = 0 : i64, scratch_operands = 7 : i64, tpu.core_type = #tpu.core_type<sc_vector_subcore>, window_params = [{transform_indices = #map}, {transform_indices = #map}, {transform_indices = #map}, {transform_indices = #map1}, {transform_indices = #map2}, {transform_indices = #map1}]} {
    %mul3A = arith.constant 16 : i32
    %mul3A_0 = arith.muli %arg0, %mul3A : i32
    %add3A = arith.addi %mul3A_0, %arg1 : i32
    "tpu.region"() ({
      %run_scoped3A = tpu.sem_alloc : memref<!tpu.dma_semaphore, #tpu.memory_space<semaphore_mem>>
      tpu.enqueue_dma source(%arg4 : memref<50000xf32, #tpu.memory_space<hbm>>) target(%arg8 : memref<50000xf32, #tpu.memory_space<vmem>>) target_semaphore(%run_scoped3A : memref<!tpu.dma_semaphore, #tpu.memory_space<semaphore_mem>>)
      tpu.wait_dma2 semaphore(%run_scoped3A : memref<!tpu.dma_semaphore, #tpu.memory_space<semaphore_mem>>) src(%arg4 : memref<50000xf32, #tpu.memory_space<hbm>>) dst(%arg8 : memref<50000xf32, #tpu.memory_space<vmem>>)
      tpu.yield
    }) : () -> ()
    "tpu.region"() ({
      %run_scoped3A = tpu.sem_alloc : memref<!tpu.dma_semaphore, #tpu.memory_space<semaphore_mem>>
      tpu.enqueue_dma source(%arg5 : memref<3x4x16xf32, #tpu.memory_space<hbm>>) target(%arg9 : memref<3x4x16xf32, #tpu.memory_space<vmem>>) target_semaphore(%run_scoped3A : memref<!tpu.dma_semaphore, #tpu.memory_space<semaphore_mem>>)
      tpu.wait_dma2 semaphore(%run_scoped3A : memref<!tpu.dma_semaphore, #tpu.memory_space<semaphore_mem>>) src(%arg5 : memref<3x4x16xf32, #tpu.memory_space<hbm>>) dst(%arg9 : memref<3x4x16xf32, #tpu.memory_space<vmem>>)
      tpu.yield
    }) : () -> ()
    %lt3A = arith.constant 15 : i32
    %lt3A_1 = arith.cmpi slt, %arg1, %lt3A : i32
    %convert_element_type3A = arith.extui %lt3A_1 : i1 to i32
    %cond3A = arith.constant 0 : i32
    %cond3A_2 = arith.cmpi ne, %convert_element_type3A, %cond3A : i32
    scf.if %cond3A_2 {
      %mul3A_27 = arith.constant 3128 : i32
      %mul3A_28 = arith.muli %arg1, %mul3A_27 : i32
      "tpu.region"() ({
        %run_scoped3A = tpu.sem_alloc : memref<!tpu.dma_semaphore, #tpu.memory_space<semaphore_mem>>
        %dma_start3A = arith.constant 0 : i32
        %dma_start3A_29 = tpu.memref_slice %arg13[%mul3A_28, %dma_start3A] : memref<50000x8xf32, #tpu.memory_space<vmem_shared>> -> memref<3128x8xf32, #tpu.memory_space<vmem_shared>>
        %dma_start3A_30 = arith.constant 0 : i32
        %dma_start3A_31 = arith.constant 0 : i32
        %dma_start3A_32 = tpu.memref_slice %arg6[%dma_start3A_30, %dma_start3A_31] : memref<3128x8xf32, #tpu.memory_space<hbm>> -> memref<3128x8xf32, #tpu.memory_space<hbm>>
        tpu.enqueue_dma source(%dma_start3A_32 : memref<3128x8xf32, #tpu.memory_space<hbm>>) target(%dma_start3A_29 : memref<3128x8xf32, #tpu.memory_space<vmem_shared>>) target_semaphore(%run_scoped3A : memref<!tpu.dma_semaphore, #tpu.memory_space<semaphore_mem>>)
        %dma_wait3A = arith.constant 0 : i32
        %dma_wait3A_33 = tpu.memref_slice %arg13[%mul3A_28, %dma_wait3A] : memref<50000x8xf32, #tpu.memory_space<vmem_shared>> -> memref<3128x8xf32, #tpu.memory_space<vmem_shared>>
        %dma_wait3A_34 = arith.constant 0 : i32
        %dma_wait3A_35 = arith.constant 0 : i32
        %dma_wait3A_36 = tpu.memref_slice %arg6[%dma_wait3A_34, %dma_wait3A_35] : memref<3128x8xf32, #tpu.memory_space<hbm>> -> memref<3128x8xf32, #tpu.memory_space<hbm>>
        tpu.wait_dma2 semaphore(%run_scoped3A : memref<!tpu.dma_semaphore, #tpu.memory_space<semaphore_mem>>) src(%dma_wait3A_36 : memref<3128x8xf32, #tpu.memory_space<hbm>>) dst(%dma_wait3A_33 : memref<3128x8xf32, #tpu.memory_space<vmem_shared>>)
        tpu.yield
      }) : () -> ()
    } else {
    }
    %eq3A = arith.constant 15 : i32
    %eq3A_3 = arith.cmpi eq, %arg1, %eq3A : i32
    %convert_element_type3A_4 = arith.extui %eq3A_3 : i1 to i32
    %cond3A_5 = arith.constant 0 : i32
    %cond3A_6 = arith.cmpi ne, %convert_element_type3A_4, %cond3A_5 : i32
    scf.if %cond3A_6 {
      "tpu.region"() ({
        %run_scoped3A = tpu.sem_alloc : memref<!tpu.dma_semaphore, #tpu.memory_space<semaphore_mem>>
        %dma_start3A = arith.constant 46920 : i32
        %dma_start3A_27 = arith.constant 0 : i32
        %dma_start3A_28 = tpu.memref_slice %arg13[%dma_start3A, %dma_start3A_27] : memref<50000x8xf32, #tpu.memory_space<vmem_shared>> -> memref<3080x8xf32, #tpu.memory_space<vmem_shared>>
        %dma_start3A_29 = arith.constant 0 : i32
        %dma_start3A_30 = arith.constant 0 : i32
        %dma_start3A_31 = tpu.memref_slice %arg6[%dma_start3A_29, %dma_start3A_30] : memref<3128x8xf32, #tpu.memory_space<hbm>> -> memref<3080x8xf32, #tpu.memory_space<hbm>>
        tpu.enqueue_dma source(%dma_start3A_31 : memref<3080x8xf32, #tpu.memory_space<hbm>>) target(%dma_start3A_28 : memref<3080x8xf32, #tpu.memory_space<vmem_shared>>) target_semaphore(%run_scoped3A : memref<!tpu.dma_semaphore, #tpu.memory_space<semaphore_mem>>)
        %dma_wait3A = arith.constant 46920 : i32
        %dma_wait3A_32 = arith.constant 0 : i32
        %dma_wait3A_33 = tpu.memref_slice %arg13[%dma_wait3A, %dma_wait3A_32] : memref<50000x8xf32, #tpu.memory_space<vmem_shared>> -> memref<3080x8xf32, #tpu.memory_space<vmem_shared>>
        %dma_wait3A_34 = arith.constant 0 : i32
        %dma_wait3A_35 = arith.constant 0 : i32
        %dma_wait3A_36 = tpu.memref_slice %arg6[%dma_wait3A_34, %dma_wait3A_35] : memref<3128x8xf32, #tpu.memory_space<hbm>> -> memref<3080x8xf32, #tpu.memory_space<hbm>>
        tpu.wait_dma2 semaphore(%run_scoped3A : memref<!tpu.dma_semaphore, #tpu.memory_space<semaphore_mem>>) src(%dma_wait3A_36 : memref<3080x8xf32, #tpu.memory_space<hbm>>) dst(%dma_wait3A_33 : memref<3080x8xf32, #tpu.memory_space<vmem_shared>>)
        tpu.yield
      }) : () -> ()
    } else {
    }
    %barrier3A = arith.constant 0 : index
    tpu.barrier barrier_id(%barrier3A)
    %iota3A = tpu.iota {dimensions = array<i32: 0>} : vector<16xi32>
    %scan3A = arith.constant 0 : i32
    %scan3A_7 = arith.constant 97 : i32
    %scan3A_8 = arith.addi %scan3A, %scan3A_7 : i32
    %scan3A_9 = arith.constant 1 : i32
    scf.for %scan3A_27 = %scan3A to %scan3A_8 step %scan3A_9  : i32 {
      %mul3A_28 = arith.constant 24832 : i32
      %mul3A_29 = arith.muli %add3A, %mul3A_28 : i32
      %mul3A_30 = arith.constant 256 : i32
      %mul3A_31 = arith.muli %scan3A_27, %mul3A_30 : i32
      %add3A_32 = arith.addi %mul3A_29, %mul3A_31 : i32
      %dma_start3A = tpu.memref_slice %arg2[%add3A_32] : memref<800000xi32, #tpu.memory_space<hbm>> -> memref<256xi32, #tpu.memory_space<hbm>>
      %dma_start3A_33 = tpu.memref_slice %arg2[%add3A_32] : memref<800000xi32, #tpu.memory_space<hbm>> -> memref<256xi32, #tpu.memory_space<hbm>>
      tpu.enqueue_dma source(%dma_start3A_33 : memref<256xi32, #tpu.memory_space<hbm>>) target(%arg10 : memref<256xi32, #tpu.memory_space<vmem>>) target_semaphore(%arg14 : memref<!tpu.dma_semaphore, #tpu.memory_space<semaphore_mem>>)
      %dma_start3A_34 = tpu.memref_slice %arg3[%add3A_32] : memref<800000xi32, #tpu.memory_space<hbm>> -> memref<256xi32, #tpu.memory_space<hbm>>
      %dma_start3A_35 = tpu.memref_slice %arg3[%add3A_32] : memref<800000xi32, #tpu.memory_space<hbm>> -> memref<256xi32, #tpu.memory_space<hbm>>
      tpu.enqueue_dma source(%dma_start3A_35 : memref<256xi32, #tpu.memory_space<hbm>>) target(%arg11 : memref<256xi32, #tpu.memory_space<vmem>>) target_semaphore(%arg14 : memref<!tpu.dma_semaphore, #tpu.memory_space<semaphore_mem>>)
      %dma_wait3A = tpu.memref_slice %arg2[%add3A_32] : memref<800000xi32, #tpu.memory_space<hbm>> -> memref<256xi32, #tpu.memory_space<hbm>>
      %dma_wait3A_36 = tpu.memref_slice %arg2[%add3A_32] : memref<800000xi32, #tpu.memory_space<hbm>> -> memref<256xi32, #tpu.memory_space<hbm>>
      tpu.wait_dma2 semaphore(%arg14 : memref<!tpu.dma_semaphore, #tpu.memory_space<semaphore_mem>>) src(%dma_wait3A_36 : memref<256xi32, #tpu.memory_space<hbm>>) dst(%arg10 : memref<256xi32, #tpu.memory_space<vmem>>)
      %dma_wait3A_37 = tpu.memref_slice %arg3[%add3A_32] : memref<800000xi32, #tpu.memory_space<hbm>> -> memref<256xi32, #tpu.memory_space<hbm>>
      %dma_wait3A_38 = tpu.memref_slice %arg3[%add3A_32] : memref<800000xi32, #tpu.memory_space<hbm>> -> memref<256xi32, #tpu.memory_space<hbm>>
      tpu.wait_dma2 semaphore(%arg14 : memref<!tpu.dma_semaphore, #tpu.memory_space<semaphore_mem>>) src(%dma_wait3A_38 : memref<256xi32, #tpu.memory_space<hbm>>) dst(%arg11 : memref<256xi32, #tpu.memory_space<vmem>>)
      %scan3A_39 = arith.constant 0 : i32
      %scan3A_40 = arith.constant 16 : i32
      %scan3A_41 = arith.addi %scan3A_39, %scan3A_40 : i32
      %scan3A_42 = arith.constant 1 : i32
      scf.for %scan3A_44 = %scan3A_39 to %scan3A_41 step %scan3A_42  : i32 {
        %mul3A_45 = arith.constant 16 : i32
        %mul3A_46 = arith.muli %scan3A_44, %mul3A_45 : i32
        %get3A = arith.index_cast %mul3A_46 : i32 to index
        %get3A_47 = tpu.vector_load %arg10[%get3A] {strides = array<i32>} : memref<256xi32, #tpu.memory_space<vmem>>, vector<16xi32>,
        %mul3A_48 = arith.constant 16 : i32
        %mul3A_49 = arith.muli %scan3A_44, %mul3A_48 : i32
        %get3A_50 = arith.index_cast %mul3A_49 : i32 to index
        %get3A_51 = tpu.vector_load %arg11[%get3A_50] {strides = array<i32>} : memref<256xi32, #tpu.memory_space<vmem>>, vector<16xi32>,
        %gather3A = tpu.vector_load_idx %arg8[%get3A_47] : memref<50000xf32, #tpu.memory_space<vmem>>[vector<16xi32>], vector<16xf32>,
        %gather3A_52 = tpu.vector_load_idx %arg8[%get3A_51] : memref<50000xf32, #tpu.memory_space<vmem>>[vector<16xi32>], vector<16xf32>,
        %mul3A_53 = arith.constant 16 : i32
        %mul3A_54 = arith.muli %scan3A_44, %mul3A_53 : i32
        %add3A_55 = vector.broadcast %mul3A_54 : i32 to vector<16xi32>
        %add3A_56 = arith.addi %iota3A, %add3A_55 : vector<16xi32>
        %get3A_57 = arith.constant 0 : i32
        %get3A_58 = arith.constant 0 : i32
        %get3A_59 = arith.index_cast %get3A_57 : i32 to index
        %get3A_60 = arith.index_cast %get3A_58 : i32 to index
        %get3A_61 = arith.constant 0 : index
        %get3A_62 = tpu.vector_load %arg9[%get3A_59, %get3A_60, %get3A_61] {strides = array<i32>} : memref<3x4x16xf32, #tpu.memory_space<vmem>>, vector<16xf32>,
        %mul3A_63 = arith.mulf %gather3A, %get3A_62 : vector<16xf32>
        %get3A_64 = arith.constant 1 : i32
        %get3A_65 = arith.constant 0 : i32
        %get3A_66 = arith.index_cast %get3A_64 : i32 to index
        %get3A_67 = arith.index_cast %get3A_65 : i32 to index
        %get3A_68 = arith.constant 0 : index
        %get3A_69 = tpu.vector_load %arg9[%get3A_66, %get3A_67, %get3A_68] {strides = array<i32>} : memref<3x4x16xf32, #tpu.memory_space<vmem>>, vector<16xf32>,
        %mul3A_70 = arith.mulf %gather3A_52, %get3A_69 : vector<16xf32>
        %add3A_71 = arith.addf %mul3A_63, %mul3A_70 : vector<16xf32>
        %mul3A_72 = arith.constant 2.000000e-01 : f32
        %mul3A_73 = vector.broadcast %mul3A_72 : f32 to vector<16xf32>
        %mul3A_74 = arith.mulf %mul3A_73, %add3A_71 : vector<16xf32>
        %max3A = arith.maximumf %add3A_71, %mul3A_74 : vector<16xf32>
        %get3A_75 = arith.constant 2 : i32
        %get3A_76 = arith.constant 0 : i32
        %get3A_77 = arith.index_cast %get3A_75 : i32 to index
        %get3A_78 = arith.index_cast %get3A_76 : i32 to index
        %get3A_79 = arith.constant 0 : index
        %get3A_80 = tpu.vector_load %arg9[%get3A_77, %get3A_78, %get3A_79] {strides = array<i32>} : memref<3x4x16xf32, #tpu.memory_space<vmem>>, vector<16xf32>,
        %sub3A = arith.subf %max3A, %get3A_80 : vector<16xf32>
        %exp3A = math.exp %sub3A : vector<16xf32>
        %broadcast_in_dim3A = arith.constant 0 : i32
        %broadcast_in_dim3A_81 = vector.broadcast %broadcast_in_dim3A : i32 to vector<16xi32>
        tpu.vector_store_idx %arg12[%add3A_56, %broadcast_in_dim3A_81], %exp3A : memref<256x8xf32, #tpu.memory_space<vmem>>[vector<16xi32>, vector<16xi32>], vector<16xf32>,
        %broadcast_in_dim3A_82 = arith.constant 4 : i32
        %broadcast_in_dim3A_83 = vector.broadcast %broadcast_in_dim3A_82 : i32 to vector<16xi32>
        %mul3A_84 = arith.mulf %exp3A, %gather3A : vector<16xf32>
        tpu.vector_store_idx %arg12[%add3A_56, %broadcast_in_dim3A_83], %mul3A_84 : memref<256x8xf32, #tpu.memory_space<vmem>>[vector<16xi32>, vector<16xi32>], vector<16xf32>,
        %get3A_85 = arith.constant 0 : i32
        %get3A_86 = arith.constant 1 : i32
        %get3A_87 = arith.index_cast %get3A_85 : i32 to index
        %get3A_88 = arith.index_cast %get3A_86 : i32 to index
        %get3A_89 = arith.constant 0 : index
        %get3A_90 = tpu.vector_load %arg9[%get3A_87, %get3A_88, %get3A_89] {strides = array<i32>} : memref<3x4x16xf32, #tpu.memory_space<vmem>>, vector<16xf32>,
        %mul3A_91 = arith.mulf %gather3A, %get3A_90 : vector<16xf32>
        %get3A_92 = arith.constant 1 : i32
        %get3A_93 = arith.constant 1 : i32
        %get3A_94 = arith.index_cast %get3A_92 : i32 to index
        %get3A_95 = arith.index_cast %get3A_93 : i32 to index
        %get3A_96 = arith.constant 0 : index
        %get3A_97 = tpu.vector_load %arg9[%get3A_94, %get3A_95, %get3A_96] {strides = array<i32>} : memref<3x4x16xf32, #tpu.memory_space<vmem>>, vector<16xf32>,
        %mul3A_98 = arith.mulf %gather3A_52, %get3A_97 : vector<16xf32>
        %add3A_99 = arith.addf %mul3A_91, %mul3A_98 : vector<16xf32>
        %mul3A_100 = arith.constant 2.000000e-01 : f32
        %mul3A_101 = vector.broadcast %mul3A_100 : f32 to vector<16xf32>
        %mul3A_102 = arith.mulf %mul3A_101, %add3A_99 : vector<16xf32>
        %max3A_103 = arith.maximumf %add3A_99, %mul3A_102 : vector<16xf32>
        %get3A_104 = arith.constant 2 : i32
        %get3A_105 = arith.constant 1 : i32
        %get3A_106 = arith.index_cast %get3A_104 : i32 to index
        %get3A_107 = arith.index_cast %get3A_105 : i32 to index
        %get3A_108 = arith.constant 0 : index
        %get3A_109 = tpu.vector_load %arg9[%get3A_106, %get3A_107, %get3A_108] {strides = array<i32>} : memref<3x4x16xf32, #tpu.memory_space<vmem>>, vector<16xf32>,
        %sub3A_110 = arith.subf %max3A_103, %get3A_109 : vector<16xf32>
        %exp3A_111 = math.exp %sub3A_110 : vector<16xf32>
        %broadcast_in_dim3A_112 = arith.constant 1 : i32
        %broadcast_in_dim3A_113 = vector.broadcast %broadcast_in_dim3A_112 : i32 to vector<16xi32>
        tpu.vector_store_idx %arg12[%add3A_56, %broadcast_in_dim3A_113], %exp3A_111 : memref<256x8xf32, #tpu.memory_space<vmem>>[vector<16xi32>, vector<16xi32>], vector<16xf32>,
        %broadcast_in_dim3A_114 = arith.constant 5 : i32
        %broadcast_in_dim3A_115 = vector.broadcast %broadcast_in_dim3A_114 : i32 to vector<16xi32>
        %mul3A_116 = arith.mulf %exp3A_111, %gather3A : vector<16xf32>
        tpu.vector_store_idx %arg12[%add3A_56, %broadcast_in_dim3A_115], %mul3A_116 : memref<256x8xf32, #tpu.memory_space<vmem>>[vector<16xi32>, vector<16xi32>], vector<16xf32>,
        %get3A_117 = arith.constant 0 : i32
        %get3A_118 = arith.constant 2 : i32
        %get3A_119 = arith.index_cast %get3A_117 : i32 to index
        %get3A_120 = arith.index_cast %get3A_118 : i32 to index
        %get3A_121 = arith.constant 0 : index
        %get3A_122 = tpu.vector_load %arg9[%get3A_119, %get3A_120, %get3A_121] {strides = array<i32>} : memref<3x4x16xf32, #tpu.memory_space<vmem>>, vector<16xf32>,
        %mul3A_123 = arith.mulf %gather3A, %get3A_122 : vector<16xf32>
        %get3A_124 = arith.constant 1 : i32
        %get3A_125 = arith.constant 2 : i32
        %get3A_126 = arith.index_cast %get3A_124 : i32 to index
        %get3A_127 = arith.index_cast %get3A_125 : i32 to index
        %get3A_128 = arith.constant 0 : index
        %get3A_129 = tpu.vector_load %arg9[%get3A_126, %get3A_127, %get3A_128] {strides = array<i32>} : memref<3x4x16xf32, #tpu.memory_space<vmem>>, vector<16xf32>,
        %mul3A_130 = arith.mulf %gather3A_52, %get3A_129 : vector<16xf32>
        %add3A_131 = arith.addf %mul3A_123, %mul3A_130 : vector<16xf32>
        %mul3A_132 = arith.constant 2.000000e-01 : f32
        %mul3A_133 = vector.broadcast %mul3A_132 : f32 to vector<16xf32>
        %mul3A_134 = arith.mulf %mul3A_133, %add3A_131 : vector<16xf32>
        %max3A_135 = arith.maximumf %add3A_131, %mul3A_134 : vector<16xf32>
        %get3A_136 = arith.constant 2 : i32
        %get3A_137 = arith.constant 2 : i32
        %get3A_138 = arith.index_cast %get3A_136 : i32 to index
        %get3A_139 = arith.index_cast %get3A_137 : i32 to index
        %get3A_140 = arith.constant 0 : index
        %get3A_141 = tpu.vector_load %arg9[%get3A_138, %get3A_139, %get3A_140] {strides = array<i32>} : memref<3x4x16xf32, #tpu.memory_space<vmem>>, vector<16xf32>,
        %sub3A_142 = arith.subf %max3A_135, %get3A_141 : vector<16xf32>
        %exp3A_143 = math.exp %sub3A_142 : vector<16xf32>
        %broadcast_in_dim3A_144 = arith.constant 2 : i32
        %broadcast_in_dim3A_145 = vector.broadcast %broadcast_in_dim3A_144 : i32 to vector<16xi32>
        tpu.vector_store_idx %arg12[%add3A_56, %broadcast_in_dim3A_145], %exp3A_143 : memref<256x8xf32, #tpu.memory_space<vmem>>[vector<16xi32>, vector<16xi32>], vector<16xf32>,
        %broadcast_in_dim3A_146 = arith.constant 6 : i32
        %broadcast_in_dim3A_147 = vector.broadcast %broadcast_in_dim3A_146 : i32 to vector<16xi32>
        %mul3A_148 = arith.mulf %exp3A_143, %gather3A : vector<16xf32>
        tpu.vector_store_idx %arg12[%add3A_56, %broadcast_in_dim3A_147], %mul3A_148 : memref<256x8xf32, #tpu.memory_space<vmem>>[vector<16xi32>, vector<16xi32>], vector<16xf32>,
        %get3A_149 = arith.constant 0 : i32
        %get3A_150 = arith.constant 3 : i32
        %get3A_151 = arith.index_cast %get3A_149 : i32 to index
        %get3A_152 = arith.index_cast %get3A_150 : i32 to index
        %get3A_153 = arith.constant 0 : index
        %get3A_154 = tpu.vector_load %arg9[%get3A_151, %get3A_152, %get3A_153] {strides = array<i32>} : memref<3x4x16xf32, #tpu.memory_space<vmem>>, vector<16xf32>,
        %mul3A_155 = arith.mulf %gather3A, %get3A_154 : vector<16xf32>
        %get3A_156 = arith.constant 1 : i32
        %get3A_157 = arith.constant 3 : i32
        %get3A_158 = arith.index_cast %get3A_156 : i32 to index
        %get3A_159 = arith.index_cast %get3A_157 : i32 to index
        %get3A_160 = arith.constant 0 : index
        %get3A_161 = tpu.vector_load %arg9[%get3A_158, %get3A_159, %get3A_160] {strides = array<i32>} : memref<3x4x16xf32, #tpu.memory_space<vmem>>, vector<16xf32>,
        %mul3A_162 = arith.mulf %gather3A_52, %get3A_161 : vector<16xf32>
        %add3A_163 = arith.addf %mul3A_155, %mul3A_162 : vector<16xf32>
        %mul3A_164 = arith.constant 2.000000e-01 : f32
        %mul3A_165 = vector.broadcast %mul3A_164 : f32 to vector<16xf32>
        %mul3A_166 = arith.mulf %mul3A_165, %add3A_163 : vector<16xf32>
        %max3A_167 = arith.maximumf %add3A_163, %mul3A_166 : vector<16xf32>
        %get3A_168 = arith.constant 2 : i32
        %get3A_169 = arith.constant 3 : i32
        %get3A_170 = arith.index_cast %get3A_168 : i32 to index
        %get3A_171 = arith.index_cast %get3A_169 : i32 to index
        %get3A_172 = arith.constant 0 : index
        %get3A_173 = tpu.vector_load %arg9[%get3A_170, %get3A_171, %get3A_172] {strides = array<i32>} : memref<3x4x16xf32, #tpu.memory_space<vmem>>, vector<16xf32>,
        %sub3A_174 = arith.subf %max3A_167, %get3A_173 : vector<16xf32>
        %exp3A_175 = math.exp %sub3A_174 : vector<16xf32>
        %broadcast_in_dim3A_176 = arith.constant 3 : i32
        %broadcast_in_dim3A_177 = vector.broadcast %broadcast_in_dim3A_176 : i32 to vector<16xi32>
        tpu.vector_store_idx %arg12[%add3A_56, %broadcast_in_dim3A_177], %exp3A_175 : memref<256x8xf32, #tpu.memory_space<vmem>>[vector<16xi32>, vector<16xi32>], vector<16xf32>,
        %broadcast_in_dim3A_178 = arith.constant 7 : i32
        %broadcast_in_dim3A_179 = vector.broadcast %broadcast_in_dim3A_178 : i32 to vector<16xi32>
        %mul3A_180 = arith.mulf %exp3A_175, %gather3A : vector<16xf32>
        tpu.vector_store_idx %arg12[%add3A_56, %broadcast_in_dim3A_179], %mul3A_180 : memref<256x8xf32, #tpu.memory_space<vmem>>[vector<16xi32>, vector<16xi32>], vector<16xf32>,
      }
      %scan3A_43 = arith.constant 16 : i32
      "tpu.region"() ({
        %run_scoped3A = tpu.sem_alloc : memref<!tpu.dma_semaphore, #tpu.memory_space<semaphore_mem>>
        %dma_start3A_44 = arith.constant 0 : i32
        %dma_start3A_45 = arith.constant 0 : i32
        %dma_start3A_46 = tpu.memref_slice %arg13[%dma_start3A_44, %dma_start3A_45] : memref<50000x8xf32, #tpu.memory_space<vmem_shared>> -> memref<50000x8xf32, #tpu.memory_space<vmem_shared>>
        tpu.enqueue_indirect_dma source(%arg12 : memref<256x8xf32, #tpu.memory_space<vmem>>) target(%dma_start3A_46 : memref<50000x8xf32, #tpu.memory_space<vmem_shared>>) offsets(%arg11 : memref<256xi32, #tpu.memory_space<vmem>>) semaphore(%run_scoped3A : memref<!tpu.dma_semaphore, #tpu.memory_space<semaphore_mem>>) {add = true}
        %dma_wait3A_47 = arith.constant 0 : i32
        %dma_wait3A_48 = arith.constant 0 : i32
        %dma_wait3A_49 = tpu.memref_slice %arg13[%dma_wait3A_47, %dma_wait3A_48] : memref<50000x8xf32, #tpu.memory_space<vmem_shared>> -> memref<50000x8xf32, #tpu.memory_space<vmem_shared>>
        tpu.wait_indirect_dma semaphore(%run_scoped3A : memref<!tpu.dma_semaphore, #tpu.memory_space<semaphore_mem>>) src(%arg12 : memref<256x8xf32, #tpu.memory_space<vmem>>) dst(%dma_wait3A_49 : memref<50000x8xf32, #tpu.memory_space<vmem_shared>>)
        tpu.yield
      }) : () -> ()
    }
    %scan3A_10 = arith.constant 97 : i32
    %lt3A_11 = arith.constant 21 : i32
    %lt3A_12 = arith.cmpi slt, %add3A, %lt3A_11 : i32
    %convert_element_type3A_13 = arith.extui %lt3A_12 : i1 to i32
    %cond3A_14 = arith.constant 0 : i32
    %cond3A_15 = arith.cmpi ne, %convert_element_type3A_13, %cond3A_14 : i32
    scf.if %cond3A_15 {
      %mul3A_27 = arith.constant 256 : i32
      %mul3A_28 = arith.muli %add3A, %mul3A_27 : i32
      %add3A_29 = arith.constant 794624 : i32
      %add3A_30 = arith.addi %add3A_29, %mul3A_28 : i32
      %dma_start3A = tpu.memref_slice %arg2[%add3A_30] : memref<800000xi32, #tpu.memory_space<hbm>> -> memref<256xi32, #tpu.memory_space<hbm>>
      %dma_start3A_31 = tpu.memref_slice %arg2[%add3A_30] : memref<800000xi32, #tpu.memory_space<hbm>> -> memref<256xi32, #tpu.memory_space<hbm>>
      tpu.enqueue_dma source(%dma_start3A_31 : memref<256xi32, #tpu.memory_space<hbm>>) target(%arg10 : memref<256xi32, #tpu.memory_space<vmem>>) target_semaphore(%arg14 : memref<!tpu.dma_semaphore, #tpu.memory_space<semaphore_mem>>)
      %dma_start3A_32 = tpu.memref_slice %arg3[%add3A_30] : memref<800000xi32, #tpu.memory_space<hbm>> -> memref<256xi32, #tpu.memory_space<hbm>>
      %dma_start3A_33 = tpu.memref_slice %arg3[%add3A_30] : memref<800000xi32, #tpu.memory_space<hbm>> -> memref<256xi32, #tpu.memory_space<hbm>>
      tpu.enqueue_dma source(%dma_start3A_33 : memref<256xi32, #tpu.memory_space<hbm>>) target(%arg11 : memref<256xi32, #tpu.memory_space<vmem>>) target_semaphore(%arg14 : memref<!tpu.dma_semaphore, #tpu.memory_space<semaphore_mem>>)
      %dma_wait3A = tpu.memref_slice %arg2[%add3A_30] : memref<800000xi32, #tpu.memory_space<hbm>> -> memref<256xi32, #tpu.memory_space<hbm>>
      %dma_wait3A_34 = tpu.memref_slice %arg2[%add3A_30] : memref<800000xi32, #tpu.memory_space<hbm>> -> memref<256xi32, #tpu.memory_space<hbm>>
      tpu.wait_dma2 semaphore(%arg14 : memref<!tpu.dma_semaphore, #tpu.memory_space<semaphore_mem>>) src(%dma_wait3A_34 : memref<256xi32, #tpu.memory_space<hbm>>) dst(%arg10 : memref<256xi32, #tpu.memory_space<vmem>>)
      %dma_wait3A_35 = tpu.memref_slice %arg3[%add3A_30] : memref<800000xi32, #tpu.memory_space<hbm>> -> memref<256xi32, #tpu.memory_space<hbm>>
      %dma_wait3A_36 = tpu.memref_slice %arg3[%add3A_30] : memref<800000xi32, #tpu.memory_space<hbm>> -> memref<256xi32, #tpu.memory_space<hbm>>
      tpu.wait_dma2 semaphore(%arg14 : memref<!tpu.dma_semaphore, #tpu.memory_space<semaphore_mem>>) src(%dma_wait3A_36 : memref<256xi32, #tpu.memory_space<hbm>>) dst(%arg11 : memref<256xi32, #tpu.memory_space<vmem>>)
      %scan3A_37 = arith.constant 0 : i32
      %scan3A_38 = arith.constant 16 : i32
      %scan3A_39 = arith.addi %scan3A_37, %scan3A_38 : i32
      %scan3A_40 = arith.constant 1 : i32
      scf.for %scan3A_42 = %scan3A_37 to %scan3A_39 step %scan3A_40  : i32 {
        %mul3A_43 = arith.constant 16 : i32
        %mul3A_44 = arith.muli %scan3A_42, %mul3A_43 : i32
        %get3A = arith.index_cast %mul3A_44 : i32 to index
        %get3A_45 = tpu.vector_load %arg10[%get3A] {strides = array<i32>} : memref<256xi32, #tpu.memory_space<vmem>>, vector<16xi32>,
        %mul3A_46 = arith.constant 16 : i32
        %mul3A_47 = arith.muli %scan3A_42, %mul3A_46 : i32
        %get3A_48 = arith.index_cast %mul3A_47 : i32 to index
        %get3A_49 = tpu.vector_load %arg11[%get3A_48] {strides = array<i32>} : memref<256xi32, #tpu.memory_space<vmem>>, vector<16xi32>,
        %gather3A = tpu.vector_load_idx %arg8[%get3A_45] : memref<50000xf32, #tpu.memory_space<vmem>>[vector<16xi32>], vector<16xf32>,
        %gather3A_50 = tpu.vector_load_idx %arg8[%get3A_49] : memref<50000xf32, #tpu.memory_space<vmem>>[vector<16xi32>], vector<16xf32>,
        %mul3A_51 = arith.constant 16 : i32
        %mul3A_52 = arith.muli %scan3A_42, %mul3A_51 : i32
        %add3A_53 = vector.broadcast %mul3A_52 : i32 to vector<16xi32>
        %add3A_54 = arith.addi %iota3A, %add3A_53 : vector<16xi32>
        %get3A_55 = arith.constant 0 : i32
        %get3A_56 = arith.constant 0 : i32
        %get3A_57 = arith.index_cast %get3A_55 : i32 to index
        %get3A_58 = arith.index_cast %get3A_56 : i32 to index
        %get3A_59 = arith.constant 0 : index
        %get3A_60 = tpu.vector_load %arg9[%get3A_57, %get3A_58, %get3A_59] {strides = array<i32>} : memref<3x4x16xf32, #tpu.memory_space<vmem>>, vector<16xf32>,
        %mul3A_61 = arith.mulf %gather3A, %get3A_60 : vector<16xf32>
        %get3A_62 = arith.constant 1 : i32
        %get3A_63 = arith.constant 0 : i32
        %get3A_64 = arith.index_cast %get3A_62 : i32 to index
        %get3A_65 = arith.index_cast %get3A_63 : i32 to index
        %get3A_66 = arith.constant 0 : index
        %get3A_67 = tpu.vector_load %arg9[%get3A_64, %get3A_65, %get3A_66] {strides = array<i32>} : memref<3x4x16xf32, #tpu.memory_space<vmem>>, vector<16xf32>,
        %mul3A_68 = arith.mulf %gather3A_50, %get3A_67 : vector<16xf32>
        %add3A_69 = arith.addf %mul3A_61, %mul3A_68 : vector<16xf32>
        %mul3A_70 = arith.constant 2.000000e-01 : f32
        %mul3A_71 = vector.broadcast %mul3A_70 : f32 to vector<16xf32>
        %mul3A_72 = arith.mulf %mul3A_71, %add3A_69 : vector<16xf32>
        %max3A = arith.maximumf %add3A_69, %mul3A_72 : vector<16xf32>
        %get3A_73 = arith.constant 2 : i32
        %get3A_74 = arith.constant 0 : i32
        %get3A_75 = arith.index_cast %get3A_73 : i32 to index
        %get3A_76 = arith.index_cast %get3A_74 : i32 to index
        %get3A_77 = arith.constant 0 : index
        %get3A_78 = tpu.vector_load %arg9[%get3A_75, %get3A_76, %get3A_77] {strides = array<i32>} : memref<3x4x16xf32, #tpu.memory_space<vmem>>, vector<16xf32>,
        %sub3A = arith.subf %max3A, %get3A_78 : vector<16xf32>
        %exp3A = math.exp %sub3A : vector<16xf32>
        %broadcast_in_dim3A = arith.constant 0 : i32
        %broadcast_in_dim3A_79 = vector.broadcast %broadcast_in_dim3A : i32 to vector<16xi32>
        tpu.vector_store_idx %arg12[%add3A_54, %broadcast_in_dim3A_79], %exp3A : memref<256x8xf32, #tpu.memory_space<vmem>>[vector<16xi32>, vector<16xi32>], vector<16xf32>,
        %broadcast_in_dim3A_80 = arith.constant 4 : i32
        %broadcast_in_dim3A_81 = vector.broadcast %broadcast_in_dim3A_80 : i32 to vector<16xi32>
        %mul3A_82 = arith.mulf %exp3A, %gather3A : vector<16xf32>
        tpu.vector_store_idx %arg12[%add3A_54, %broadcast_in_dim3A_81], %mul3A_82 : memref<256x8xf32, #tpu.memory_space<vmem>>[vector<16xi32>, vector<16xi32>], vector<16xf32>,
        %get3A_83 = arith.constant 0 : i32
        %get3A_84 = arith.constant 1 : i32
        %get3A_85 = arith.index_cast %get3A_83 : i32 to index
        %get3A_86 = arith.index_cast %get3A_84 : i32 to index
        %get3A_87 = arith.constant 0 : index
        %get3A_88 = tpu.vector_load %arg9[%get3A_85, %get3A_86, %get3A_87] {strides = array<i32>} : memref<3x4x16xf32, #tpu.memory_space<vmem>>, vector<16xf32>,
        %mul3A_89 = arith.mulf %gather3A, %get3A_88 : vector<16xf32>
        %get3A_90 = arith.constant 1 : i32
        %get3A_91 = arith.constant 1 : i32
        %get3A_92 = arith.index_cast %get3A_90 : i32 to index
        %get3A_93 = arith.index_cast %get3A_91 : i32 to index
        %get3A_94 = arith.constant 0 : index
        %get3A_95 = tpu.vector_load %arg9[%get3A_92, %get3A_93, %get3A_94] {strides = array<i32>} : memref<3x4x16xf32, #tpu.memory_space<vmem>>, vector<16xf32>,
        %mul3A_96 = arith.mulf %gather3A_50, %get3A_95 : vector<16xf32>
        %add3A_97 = arith.addf %mul3A_89, %mul3A_96 : vector<16xf32>
        %mul3A_98 = arith.constant 2.000000e-01 : f32
        %mul3A_99 = vector.broadcast %mul3A_98 : f32 to vector<16xf32>
        %mul3A_100 = arith.mulf %mul3A_99, %add3A_97 : vector<16xf32>
        %max3A_101 = arith.maximumf %add3A_97, %mul3A_100 : vector<16xf32>
        %get3A_102 = arith.constant 2 : i32
        %get3A_103 = arith.constant 1 : i32
        %get3A_104 = arith.index_cast %get3A_102 : i32 to index
        %get3A_105 = arith.index_cast %get3A_103 : i32 to index
        %get3A_106 = arith.constant 0 : index
        %get3A_107 = tpu.vector_load %arg9[%get3A_104, %get3A_105, %get3A_106] {strides = array<i32>} : memref<3x4x16xf32, #tpu.memory_space<vmem>>, vector<16xf32>,
        %sub3A_108 = arith.subf %max3A_101, %get3A_107 : vector<16xf32>
        %exp3A_109 = math.exp %sub3A_108 : vector<16xf32>
        %broadcast_in_dim3A_110 = arith.constant 1 : i32
        %broadcast_in_dim3A_111 = vector.broadcast %broadcast_in_dim3A_110 : i32 to vector<16xi32>
        tpu.vector_store_idx %arg12[%add3A_54, %broadcast_in_dim3A_111], %exp3A_109 : memref<256x8xf32, #tpu.memory_space<vmem>>[vector<16xi32>, vector<16xi32>], vector<16xf32>,
        %broadcast_in_dim3A_112 = arith.constant 5 : i32
        %broadcast_in_dim3A_113 = vector.broadcast %broadcast_in_dim3A_112 : i32 to vector<16xi32>
        %mul3A_114 = arith.mulf %exp3A_109, %gather3A : vector<16xf32>
        tpu.vector_store_idx %arg12[%add3A_54, %broadcast_in_dim3A_113], %mul3A_114 : memref<256x8xf32, #tpu.memory_space<vmem>>[vector<16xi32>, vector<16xi32>], vector<16xf32>,
        %get3A_115 = arith.constant 0 : i32
        %get3A_116 = arith.constant 2 : i32
        %get3A_117 = arith.index_cast %get3A_115 : i32 to index
        %get3A_118 = arith.index_cast %get3A_116 : i32 to index
        %get3A_119 = arith.constant 0 : index
        %get3A_120 = tpu.vector_load %arg9[%get3A_117, %get3A_118, %get3A_119] {strides = array<i32>} : memref<3x4x16xf32, #tpu.memory_space<vmem>>, vector<16xf32>,
        %mul3A_121 = arith.mulf %gather3A, %get3A_120 : vector<16xf32>
        %get3A_122 = arith.constant 1 : i32
        %get3A_123 = arith.constant 2 : i32
        %get3A_124 = arith.index_cast %get3A_122 : i32 to index
        %get3A_125 = arith.index_cast %get3A_123 : i32 to index
        %get3A_126 = arith.constant 0 : index
        %get3A_127 = tpu.vector_load %arg9[%get3A_124, %get3A_125, %get3A_126] {strides = array<i32>} : memref<3x4x16xf32, #tpu.memory_space<vmem>>, vector<16xf32>,
        %mul3A_128 = arith.mulf %gather3A_50, %get3A_127 : vector<16xf32>
        %add3A_129 = arith.addf %mul3A_121, %mul3A_128 : vector<16xf32>
        %mul3A_130 = arith.constant 2.000000e-01 : f32
        %mul3A_131 = vector.broadcast %mul3A_130 : f32 to vector<16xf32>
        %mul3A_132 = arith.mulf %mul3A_131, %add3A_129 : vector<16xf32>
        %max3A_133 = arith.maximumf %add3A_129, %mul3A_132 : vector<16xf32>
        %get3A_134 = arith.constant 2 : i32
        %get3A_135 = arith.constant 2 : i32
        %get3A_136 = arith.index_cast %get3A_134 : i32 to index
        %get3A_137 = arith.index_cast %get3A_135 : i32 to index
        %get3A_138 = arith.constant 0 : index
        %get3A_139 = tpu.vector_load %arg9[%get3A_136, %get3A_137, %get3A_138] {strides = array<i32>} : memref<3x4x16xf32, #tpu.memory_space<vmem>>, vector<16xf32>,
        %sub3A_140 = arith.subf %max3A_133, %get3A_139 : vector<16xf32>
        %exp3A_141 = math.exp %sub3A_140 : vector<16xf32>
        %broadcast_in_dim3A_142 = arith.constant 2 : i32
        %broadcast_in_dim3A_143 = vector.broadcast %broadcast_in_dim3A_142 : i32 to vector<16xi32>
        tpu.vector_store_idx %arg12[%add3A_54, %broadcast_in_dim3A_143], %exp3A_141 : memref<256x8xf32, #tpu.memory_space<vmem>>[vector<16xi32>, vector<16xi32>], vector<16xf32>,
        %broadcast_in_dim3A_144 = arith.constant 6 : i32
        %broadcast_in_dim3A_145 = vector.broadcast %broadcast_in_dim3A_144 : i32 to vector<16xi32>
        %mul3A_146 = arith.mulf %exp3A_141, %gather3A : vector<16xf32>
        tpu.vector_store_idx %arg12[%add3A_54, %broadcast_in_dim3A_145], %mul3A_146 : memref<256x8xf32, #tpu.memory_space<vmem>>[vector<16xi32>, vector<16xi32>], vector<16xf32>,
        %get3A_147 = arith.constant 0 : i32
        %get3A_148 = arith.constant 3 : i32
        %get3A_149 = arith.index_cast %get3A_147 : i32 to index
        %get3A_150 = arith.index_cast %get3A_148 : i32 to index
        %get3A_151 = arith.constant 0 : index
        %get3A_152 = tpu.vector_load %arg9[%get3A_149, %get3A_150, %get3A_151] {strides = array<i32>} : memref<3x4x16xf32, #tpu.memory_space<vmem>>, vector<16xf32>,
        %mul3A_153 = arith.mulf %gather3A, %get3A_152 : vector<16xf32>
        %get3A_154 = arith.constant 1 : i32
        %get3A_155 = arith.constant 3 : i32
        %get3A_156 = arith.index_cast %get3A_154 : i32 to index
        %get3A_157 = arith.index_cast %get3A_155 : i32 to index
        %get3A_158 = arith.constant 0 : index
        %get3A_159 = tpu.vector_load %arg9[%get3A_156, %get3A_157, %get3A_158] {strides = array<i32>} : memref<3x4x16xf32, #tpu.memory_space<vmem>>, vector<16xf32>,
        %mul3A_160 = arith.mulf %gather3A_50, %get3A_159 : vector<16xf32>
        %add3A_161 = arith.addf %mul3A_153, %mul3A_160 : vector<16xf32>
        %mul3A_162 = arith.constant 2.000000e-01 : f32
        %mul3A_163 = vector.broadcast %mul3A_162 : f32 to vector<16xf32>
        %mul3A_164 = arith.mulf %mul3A_163, %add3A_161 : vector<16xf32>
        %max3A_165 = arith.maximumf %add3A_161, %mul3A_164 : vector<16xf32>
        %get3A_166 = arith.constant 2 : i32
        %get3A_167 = arith.constant 3 : i32
        %get3A_168 = arith.index_cast %get3A_166 : i32 to index
        %get3A_169 = arith.index_cast %get3A_167 : i32 to index
        %get3A_170 = arith.constant 0 : index
        %get3A_171 = tpu.vector_load %arg9[%get3A_168, %get3A_169, %get3A_170] {strides = array<i32>} : memref<3x4x16xf32, #tpu.memory_space<vmem>>, vector<16xf32>,
        %sub3A_172 = arith.subf %max3A_165, %get3A_171 : vector<16xf32>
        %exp3A_173 = math.exp %sub3A_172 : vector<16xf32>
        %broadcast_in_dim3A_174 = arith.constant 3 : i32
        %broadcast_in_dim3A_175 = vector.broadcast %broadcast_in_dim3A_174 : i32 to vector<16xi32>
        tpu.vector_store_idx %arg12[%add3A_54, %broadcast_in_dim3A_175], %exp3A_173 : memref<256x8xf32, #tpu.memory_space<vmem>>[vector<16xi32>, vector<16xi32>], vector<16xf32>,
        %broadcast_in_dim3A_176 = arith.constant 7 : i32
        %broadcast_in_dim3A_177 = vector.broadcast %broadcast_in_dim3A_176 : i32 to vector<16xi32>
        %mul3A_178 = arith.mulf %exp3A_173, %gather3A : vector<16xf32>
        tpu.vector_store_idx %arg12[%add3A_54, %broadcast_in_dim3A_177], %mul3A_178 : memref<256x8xf32, #tpu.memory_space<vmem>>[vector<16xi32>, vector<16xi32>], vector<16xf32>,
      }
      %scan3A_41 = arith.constant 16 : i32
      "tpu.region"() ({
        %run_scoped3A = tpu.sem_alloc : memref<!tpu.dma_semaphore, #tpu.memory_space<semaphore_mem>>
        %dma_start3A_42 = arith.constant 0 : i32
        %dma_start3A_43 = arith.constant 0 : i32
        %dma_start3A_44 = tpu.memref_slice %arg13[%dma_start3A_42, %dma_start3A_43] : memref<50000x8xf32, #tpu.memory_space<vmem_shared>> -> memref<50000x8xf32, #tpu.memory_space<vmem_shared>>
        tpu.enqueue_indirect_dma source(%arg12 : memref<256x8xf32, #tpu.memory_space<vmem>>) target(%dma_start3A_44 : memref<50000x8xf32, #tpu.memory_space<vmem_shared>>) offsets(%arg11 : memref<256xi32, #tpu.memory_space<vmem>>) semaphore(%run_scoped3A : memref<!tpu.dma_semaphore, #tpu.memory_space<semaphore_mem>>) {add = true}
        %dma_wait3A_45 = arith.constant 0 : i32
        %dma_wait3A_46 = arith.constant 0 : i32
        %dma_wait3A_47 = tpu.memref_slice %arg13[%dma_wait3A_45, %dma_wait3A_46] : memref<50000x8xf32, #tpu.memory_space<vmem_shared>> -> memref<50000x8xf32, #tpu.memory_space<vmem_shared>>
        tpu.wait_indirect_dma semaphore(%run_scoped3A : memref<!tpu.dma_semaphore, #tpu.memory_space<semaphore_mem>>) src(%arg12 : memref<256x8xf32, #tpu.memory_space<vmem>>) dst(%dma_wait3A_47 : memref<50000x8xf32, #tpu.memory_space<vmem_shared>>)
        tpu.yield
      }) : () -> ()
    } else {
    }
    %barrier3A_16 = arith.constant 0 : index
    tpu.barrier barrier_id(%barrier3A_16)
    %lt3A_17 = arith.constant 15 : i32
    %lt3A_18 = arith.cmpi slt, %arg1, %lt3A_17 : i32
    %convert_element_type3A_19 = arith.extui %lt3A_18 : i1 to i32
    %cond3A_20 = arith.constant 0 : i32
    %cond3A_21 = arith.cmpi ne, %convert_element_type3A_19, %cond3A_20 : i32
    scf.if %cond3A_21 {
      %mul3A_27 = arith.constant 3128 : i32
      %mul3A_28 = arith.muli %arg1, %mul3A_27 : i32
      "tpu.region"() ({
        %run_scoped3A = tpu.sem_alloc : memref<!tpu.dma_semaphore, #tpu.memory_space<semaphore_mem>>
        %dma_start3A = arith.constant 0 : i32
        %dma_start3A_29 = tpu.memref_slice %arg7[%arg0, %mul3A_28, %dma_start3A] : memref<2x50000x8xf32, #tpu.memory_space<hbm>> -> memref<1x3128x8xf32, #tpu.memory_space<hbm>>
        %dma_start3A_30 = tpu.memref_squeeze %dma_start3A_29 : memref<1x3128x8xf32, #tpu.memory_space<hbm>> -> memref<3128x8xf32, #tpu.memory_space<hbm>>
        %dma_start3A_31 = arith.constant 0 : i32
        %dma_start3A_32 = tpu.memref_slice %arg13[%mul3A_28, %dma_start3A_31] : memref<50000x8xf32, #tpu.memory_space<vmem_shared>> -> memref<3128x8xf32, #tpu.memory_space<vmem_shared>>
        tpu.enqueue_dma source(%dma_start3A_32 : memref<3128x8xf32, #tpu.memory_space<vmem_shared>>) target(%dma_start3A_30 : memref<3128x8xf32, #tpu.memory_space<hbm>>) target_semaphore(%run_scoped3A : memref<!tpu.dma_semaphore, #tpu.memory_space<semaphore_mem>>)
        %dma_wait3A = arith.constant 0 : i32
        %dma_wait3A_33 = tpu.memref_slice %arg7[%arg0, %mul3A_28, %dma_wait3A] : memref<2x50000x8xf32, #tpu.memory_space<hbm>> -> memref<1x3128x8xf32, #tpu.memory_space<hbm>>
        %dma_wait3A_34 = tpu.memref_squeeze %dma_wait3A_33 : memref<1x3128x8xf32, #tpu.memory_space<hbm>> -> memref<3128x8xf32, #tpu.memory_space<hbm>>
        %dma_wait3A_35 = arith.constant 0 : i32
        %dma_wait3A_36 = tpu.memref_slice %arg13[%mul3A_28, %dma_wait3A_35] : memref<50000x8xf32, #tpu.memory_space<vmem_shared>> -> memref<3128x8xf32, #tpu.memory_space<vmem_shared>>
        tpu.wait_dma2 semaphore(%run_scoped3A : memref<!tpu.dma_semaphore, #tpu.memory_space<semaphore_mem>>) src(%dma_wait3A_36 : memref<3128x8xf32, #tpu.memory_space<vmem_shared>>) dst(%dma_wait3A_34 : memref<3128x8xf32, #tpu.memory_space<hbm>>)
        tpu.yield
      }) : () -> ()
    } else {
    }
    %eq3A_22 = arith.constant 15 : i32
    %eq3A_23 = arith.cmpi eq, %arg1, %eq3A_22 : i32
    %convert_element_type3A_24 = arith.extui %eq3A_23 : i1 to i32
    %cond3A_25 = arith.constant 0 : i32
    %cond3A_26 = arith.cmpi ne, %convert_element_type3A_24, %cond3A_25 : i32
    scf.if %cond3A_26 {
      "tpu.region"() ({
        %run_scoped3A = tpu.sem_alloc : memref<!tpu.dma_semaphore, #tpu.memory_space<semaphore_mem>>
        %dma_start3A = arith.constant 46920 : i32
        %dma_start3A_27 = arith.constant 0 : i32
        %dma_start3A_28 = tpu.memref_slice %arg7[%arg0, %dma_start3A, %dma_start3A_27] : memref<2x50000x8xf32, #tpu.memory_space<hbm>> -> memref<1x3080x8xf32, #tpu.memory_space<hbm>>
        %dma_start3A_29 = tpu.memref_squeeze %dma_start3A_28 : memref<1x3080x8xf32, #tpu.memory_space<hbm>> -> memref<3080x8xf32, #tpu.memory_space<hbm>>
        %dma_start3A_30 = arith.constant 46920 : i32
        %dma_start3A_31 = arith.constant 0 : i32
        %dma_start3A_32 = tpu.memref_slice %arg13[%dma_start3A_30, %dma_start3A_31] : memref<50000x8xf32, #tpu.memory_space<vmem_shared>> -> memref<3080x8xf32, #tpu.memory_space<vmem_shared>>
        tpu.enqueue_dma source(%dma_start3A_32 : memref<3080x8xf32, #tpu.memory_space<vmem_shared>>) target(%dma_start3A_29 : memref<3080x8xf32, #tpu.memory_space<hbm>>) target_semaphore(%run_scoped3A : memref<!tpu.dma_semaphore, #tpu.memory_space<semaphore_mem>>)
        %dma_wait3A = arith.constant 46920 : i32
        %dma_wait3A_33 = arith.constant 0 : i32
        %dma_wait3A_34 = tpu.memref_slice %arg7[%arg0, %dma_wait3A, %dma_wait3A_33] : memref<2x50000x8xf32, #tpu.memory_space<hbm>> -> memref<1x3080x8xf32, #tpu.memory_space<hbm>>
        %dma_wait3A_35 = tpu.memref_squeeze %dma_wait3A_34 : memref<1x3080x8xf32, #tpu.memory_space<hbm>> -> memref<3080x8xf32, #tpu.memory_space<hbm>>
        %dma_wait3A_36 = arith.constant 46920 : i32
        %dma_wait3A_37 = arith.constant 0 : i32
        %dma_wait3A_38 = tpu.memref_slice %arg13[%dma_wait3A_36, %dma_wait3A_37] : memref<50000x8xf32, #tpu.memory_space<vmem_shared>> -> memref<3080x8xf32, #tpu.memory_space<vmem_shared>>
        tpu.wait_dma2 semaphore(%run_scoped3A : memref<!tpu.dma_semaphore, #tpu.memory_space<semaphore_mem>>) src(%dma_wait3A_38 : memref<3080x8xf32, #tpu.memory_space<vmem_shared>>) dst(%dma_wait3A_35 : memref<3080x8xf32, #tpu.memory_space<hbm>>)
        tpu.yield
      }) : () -> ()
    } else {
    }
    return
  }
}

#map = affine_map<(d0, d1) -> (0)>
#map1 = affine_map<(d0, d1) -> (0, 0)>
#map2 = affine_map<(d0, d1) -> (0, 0, 0)>
module attributes {stable_mosaic.version = 14 : i64} {
  func.func @_l2_body(%arg0: i32, %arg1: i32, %arg2: memref<800000xi32, #tpu.memory_space<hbm>>, %arg3: memref<800000xi32, #tpu.memory_space<hbm>>, %arg4: memref<50000x32xf32, #tpu.memory_space<hbm>>, %arg5: memref<50000x32xf32, #tpu.memory_space<hbm>>, %arg6: memref<50000x16xf32, #tpu.memory_space<hbm>>, %arg7: memref<50000x16xf32, #tpu.memory_space<hbm>>, %arg8: memref<2x2x16xf32, #tpu.memory_space<hbm>>, %arg9: memref<3128x32xf32, #tpu.memory_space<hbm>>, %arg10: memref<2x50000x32xf32, #tpu.memory_space<hbm>>, %arg11: memref<2x16xf32, #tpu.memory_space<vmem>>, %arg12: memref<256xi32, #tpu.memory_space<vmem>>, %arg13: memref<256xi32, #tpu.memory_space<vmem>>, %arg14: memref<256x16xf32, #tpu.memory_space<vmem>>, %arg15: memref<256x32xf32, #tpu.memory_space<vmem>>, %arg16: memref<256x32xf32, #tpu.memory_space<vmem>>, %arg17: memref<50000x32xf32, #tpu.memory_space<vmem_shared>>, %arg18: memref<!tpu.dma_semaphore, #tpu.memory_space<semaphore_mem>>) attributes {dimension_semantics = [#tpu.dimension_semantics<core_parallel>, #tpu.dimension_semantics<subcore_parallel>], iteration_bounds = array<i64: 2, 16>, scalar_prefetch = 0 : i64, scratch_operands = 8 : i64, tpu.core_type = #tpu.core_type<sc_vector_subcore>, window_params = [{transform_indices = #map}, {transform_indices = #map}, {transform_indices = #map1}, {transform_indices = #map1}, {transform_indices = #map1}, {transform_indices = #map1}, {transform_indices = #map2}, {transform_indices = #map1}, {transform_indices = #map2}]} {
    "tpu.region"() ({
      %run_scoped3A = tpu.sem_alloc : memref<!tpu.dma_semaphore, #tpu.memory_space<semaphore_mem>>
      %dma_start3A = arith.constant 0 : i32
      %dma_start3A_29 = arith.constant 0 : i32
      %dma_start3A_30 = tpu.memref_slice %arg8[%arg0, %dma_start3A, %dma_start3A_29] : memref<2x2x16xf32, #tpu.memory_space<hbm>> -> memref<1x2x16xf32, #tpu.memory_space<hbm>>
      %dma_start3A_31 = tpu.memref_squeeze %dma_start3A_30 : memref<1x2x16xf32, #tpu.memory_space<hbm>> -> memref<2x16xf32, #tpu.memory_space<hbm>>
      %dma_start3A_32 = arith.constant 0 : i32
      %dma_start3A_33 = arith.constant 0 : i32
      %dma_start3A_34 = tpu.memref_slice %arg8[%arg0, %dma_start3A_32, %dma_start3A_33] : memref<2x2x16xf32, #tpu.memory_space<hbm>> -> memref<1x2x16xf32, #tpu.memory_space<hbm>>
      %dma_start3A_35 = tpu.memref_squeeze %dma_start3A_34 : memref<1x2x16xf32, #tpu.memory_space<hbm>> -> memref<2x16xf32, #tpu.memory_space<hbm>>
      tpu.enqueue_dma source(%dma_start3A_35 : memref<2x16xf32, #tpu.memory_space<hbm>>) target(%arg11 : memref<2x16xf32, #tpu.memory_space<vmem>>) target_semaphore(%run_scoped3A : memref<!tpu.dma_semaphore, #tpu.memory_space<semaphore_mem>>)
      %dma_wait3A = arith.constant 0 : i32
      %dma_wait3A_36 = arith.constant 0 : i32
      %dma_wait3A_37 = tpu.memref_slice %arg8[%arg0, %dma_wait3A, %dma_wait3A_36] : memref<2x2x16xf32, #tpu.memory_space<hbm>> -> memref<1x2x16xf32, #tpu.memory_space<hbm>>
      %dma_wait3A_38 = tpu.memref_squeeze %dma_wait3A_37 : memref<1x2x16xf32, #tpu.memory_space<hbm>> -> memref<2x16xf32, #tpu.memory_space<hbm>>
      %dma_wait3A_39 = arith.constant 0 : i32
      %dma_wait3A_40 = arith.constant 0 : i32
      %dma_wait3A_41 = tpu.memref_slice %arg8[%arg0, %dma_wait3A_39, %dma_wait3A_40] : memref<2x2x16xf32, #tpu.memory_space<hbm>> -> memref<1x2x16xf32, #tpu.memory_space<hbm>>
      %dma_wait3A_42 = tpu.memref_squeeze %dma_wait3A_41 : memref<1x2x16xf32, #tpu.memory_space<hbm>> -> memref<2x16xf32, #tpu.memory_space<hbm>>
      tpu.wait_dma2 semaphore(%run_scoped3A : memref<!tpu.dma_semaphore, #tpu.memory_space<semaphore_mem>>) src(%dma_wait3A_42 : memref<2x16xf32, #tpu.memory_space<hbm>>) dst(%arg11 : memref<2x16xf32, #tpu.memory_space<vmem>>)
      tpu.yield
    }) : () -> ()
    %lt3A = arith.constant 15 : i32
    %lt3A_0 = arith.cmpi slt, %arg1, %lt3A : i32
    %convert_element_type3A = arith.extui %lt3A_0 : i1 to i32
    %cond3A = arith.constant 0 : i32
    %cond3A_1 = arith.cmpi ne, %convert_element_type3A, %cond3A : i32
    scf.if %cond3A_1 {
      %mul3A = arith.constant 3128 : i32
      %mul3A_29 = arith.muli %arg1, %mul3A : i32
      "tpu.region"() ({
        %run_scoped3A = tpu.sem_alloc : memref<!tpu.dma_semaphore, #tpu.memory_space<semaphore_mem>>
        %dma_start3A = arith.constant 0 : i32
        %dma_start3A_30 = tpu.memref_slice %arg17[%mul3A_29, %dma_start3A] : memref<50000x32xf32, #tpu.memory_space<vmem_shared>> -> memref<3128x32xf32, #tpu.memory_space<vmem_shared>>
        %dma_start3A_31 = arith.constant 0 : i32
        %dma_start3A_32 = arith.constant 0 : i32
        %dma_start3A_33 = tpu.memref_slice %arg9[%dma_start3A_31, %dma_start3A_32] : memref<3128x32xf32, #tpu.memory_space<hbm>> -> memref<3128x32xf32, #tpu.memory_space<hbm>>
        tpu.enqueue_dma source(%dma_start3A_33 : memref<3128x32xf32, #tpu.memory_space<hbm>>) target(%dma_start3A_30 : memref<3128x32xf32, #tpu.memory_space<vmem_shared>>) target_semaphore(%run_scoped3A : memref<!tpu.dma_semaphore, #tpu.memory_space<semaphore_mem>>)
        %dma_wait3A = arith.constant 0 : i32
        %dma_wait3A_34 = tpu.memref_slice %arg17[%mul3A_29, %dma_wait3A] : memref<50000x32xf32, #tpu.memory_space<vmem_shared>> -> memref<3128x32xf32, #tpu.memory_space<vmem_shared>>
        %dma_wait3A_35 = arith.constant 0 : i32
        %dma_wait3A_36 = arith.constant 0 : i32
        %dma_wait3A_37 = tpu.memref_slice %arg9[%dma_wait3A_35, %dma_wait3A_36] : memref<3128x32xf32, #tpu.memory_space<hbm>> -> memref<3128x32xf32, #tpu.memory_space<hbm>>
        tpu.wait_dma2 semaphore(%run_scoped3A : memref<!tpu.dma_semaphore, #tpu.memory_space<semaphore_mem>>) src(%dma_wait3A_37 : memref<3128x32xf32, #tpu.memory_space<hbm>>) dst(%dma_wait3A_34 : memref<3128x32xf32, #tpu.memory_space<vmem_shared>>)
        tpu.yield
      }) : () -> ()
    } else {
    }
    %eq3A = arith.constant 15 : i32
    %eq3A_2 = arith.cmpi eq, %arg1, %eq3A : i32
    %convert_element_type3A_3 = arith.extui %eq3A_2 : i1 to i32
    %cond3A_4 = arith.constant 0 : i32
    %cond3A_5 = arith.cmpi ne, %convert_element_type3A_3, %cond3A_4 : i32
    scf.if %cond3A_5 {
      "tpu.region"() ({
        %run_scoped3A = tpu.sem_alloc : memref<!tpu.dma_semaphore, #tpu.memory_space<semaphore_mem>>
        %dma_start3A = arith.constant 46920 : i32
        %dma_start3A_29 = arith.constant 0 : i32
        %dma_start3A_30 = tpu.memref_slice %arg17[%dma_start3A, %dma_start3A_29] : memref<50000x32xf32, #tpu.memory_space<vmem_shared>> -> memref<3080x32xf32, #tpu.memory_space<vmem_shared>>
        %dma_start3A_31 = arith.constant 0 : i32
        %dma_start3A_32 = arith.constant 0 : i32
        %dma_start3A_33 = tpu.memref_slice %arg9[%dma_start3A_31, %dma_start3A_32] : memref<3128x32xf32, #tpu.memory_space<hbm>> -> memref<3080x32xf32, #tpu.memory_space<hbm>>
        tpu.enqueue_dma source(%dma_start3A_33 : memref<3080x32xf32, #tpu.memory_space<hbm>>) target(%dma_start3A_30 : memref<3080x32xf32, #tpu.memory_space<vmem_shared>>) target_semaphore(%run_scoped3A : memref<!tpu.dma_semaphore, #tpu.memory_space<semaphore_mem>>)
        %dma_wait3A = arith.constant 46920 : i32
        %dma_wait3A_34 = arith.constant 0 : i32
        %dma_wait3A_35 = tpu.memref_slice %arg17[%dma_wait3A, %dma_wait3A_34] : memref<50000x32xf32, #tpu.memory_space<vmem_shared>> -> memref<3080x32xf32, #tpu.memory_space<vmem_shared>>
        %dma_wait3A_36 = arith.constant 0 : i32
        %dma_wait3A_37 = arith.constant 0 : i32
        %dma_wait3A_38 = tpu.memref_slice %arg9[%dma_wait3A_36, %dma_wait3A_37] : memref<3128x32xf32, #tpu.memory_space<hbm>> -> memref<3080x32xf32, #tpu.memory_space<hbm>>
        tpu.wait_dma2 semaphore(%run_scoped3A : memref<!tpu.dma_semaphore, #tpu.memory_space<semaphore_mem>>) src(%dma_wait3A_38 : memref<3080x32xf32, #tpu.memory_space<hbm>>) dst(%dma_wait3A_35 : memref<3080x32xf32, #tpu.memory_space<vmem_shared>>)
        tpu.yield
      }) : () -> ()
    } else {
    }
    %barrier3A = arith.constant 0 : index
    tpu.barrier barrier_id(%barrier3A)
    %iota3A = tpu.iota {dimensions = array<i32: 0>} : vector<16xi32>
    %broadcast_in_dim3A = arith.constant 0 : i32
    %broadcast_in_dim3A_6 = vector.broadcast %broadcast_in_dim3A : i32 to vector<16xi32>
    %broadcast_in_dim3A_7 = arith.constant 1 : i32
    %broadcast_in_dim3A_8 = vector.broadcast %broadcast_in_dim3A_7 : i32 to vector<16xi32>
    %scan3A = arith.constant 0 : i32
    %scan3A_9 = arith.constant 195 : i32
    %scan3A_10 = arith.addi %scan3A, %scan3A_9 : i32
    %scan3A_11 = arith.constant 1 : i32
    scf.for %scan3A_29 = %scan3A to %scan3A_10 step %scan3A_11  : i32 {
      %mul3A = arith.constant 49920 : i32
      %mul3A_30 = arith.muli %arg1, %mul3A : i32
      %mul3A_31 = arith.constant 256 : i32
      %mul3A_32 = arith.muli %scan3A_29, %mul3A_31 : i32
      %add3A = arith.addi %mul3A_30, %mul3A_32 : i32
      %dma_start3A = tpu.memref_slice %arg2[%add3A] : memref<800000xi32, #tpu.memory_space<hbm>> -> memref<256xi32, #tpu.memory_space<hbm>>
      %dma_start3A_33 = tpu.memref_slice %arg2[%add3A] : memref<800000xi32, #tpu.memory_space<hbm>> -> memref<256xi32, #tpu.memory_space<hbm>>
      tpu.enqueue_dma source(%dma_start3A_33 : memref<256xi32, #tpu.memory_space<hbm>>) target(%arg12 : memref<256xi32, #tpu.memory_space<vmem>>) target_semaphore(%arg18 : memref<!tpu.dma_semaphore, #tpu.memory_space<semaphore_mem>>)
      %dma_start3A_34 = tpu.memref_slice %arg3[%add3A] : memref<800000xi32, #tpu.memory_space<hbm>> -> memref<256xi32, #tpu.memory_space<hbm>>
      %dma_start3A_35 = tpu.memref_slice %arg3[%add3A] : memref<800000xi32, #tpu.memory_space<hbm>> -> memref<256xi32, #tpu.memory_space<hbm>>
      tpu.enqueue_dma source(%dma_start3A_35 : memref<256xi32, #tpu.memory_space<hbm>>) target(%arg13 : memref<256xi32, #tpu.memory_space<vmem>>) target_semaphore(%arg18 : memref<!tpu.dma_semaphore, #tpu.memory_space<semaphore_mem>>)
      %dma_wait3A = tpu.memref_slice %arg2[%add3A] : memref<800000xi32, #tpu.memory_space<hbm>> -> memref<256xi32, #tpu.memory_space<hbm>>
      %dma_wait3A_36 = tpu.memref_slice %arg2[%add3A] : memref<800000xi32, #tpu.memory_space<hbm>> -> memref<256xi32, #tpu.memory_space<hbm>>
      tpu.wait_dma2 semaphore(%arg18 : memref<!tpu.dma_semaphore, #tpu.memory_space<semaphore_mem>>) src(%dma_wait3A_36 : memref<256xi32, #tpu.memory_space<hbm>>) dst(%arg12 : memref<256xi32, #tpu.memory_space<vmem>>)
      %dma_wait3A_37 = tpu.memref_slice %arg3[%add3A] : memref<800000xi32, #tpu.memory_space<hbm>> -> memref<256xi32, #tpu.memory_space<hbm>>
      %dma_wait3A_38 = tpu.memref_slice %arg3[%add3A] : memref<800000xi32, #tpu.memory_space<hbm>> -> memref<256xi32, #tpu.memory_space<hbm>>
      tpu.wait_dma2 semaphore(%arg18 : memref<!tpu.dma_semaphore, #tpu.memory_space<semaphore_mem>>) src(%dma_wait3A_38 : memref<256xi32, #tpu.memory_space<hbm>>) dst(%arg13 : memref<256xi32, #tpu.memory_space<vmem>>)
      %eq3A_39 = arith.constant 0 : i32
      %eq3A_40 = arith.cmpi eq, %arg0, %eq3A_39 : i32
      %convert_element_type3A_41 = arith.extui %eq3A_40 : i1 to i32
      %cond3A_42 = arith.constant 0 : i32
      %cond3A_43 = arith.cmpi ne, %convert_element_type3A_41, %cond3A_42 : i32
      scf.if %cond3A_43 {
        %dma_start3A_54 = arith.constant 0 : i32
        %dma_start3A_55 = arith.constant 0 : i32
        %dma_start3A_56 = tpu.memref_slice %arg4[%dma_start3A_54, %dma_start3A_55] : memref<50000x32xf32, #tpu.memory_space<hbm>> -> memref<50000x32xf32, #tpu.memory_space<hbm>>
        tpu.enqueue_indirect_dma source(%dma_start3A_56 : memref<50000x32xf32, #tpu.memory_space<hbm>>) target(%arg15 : memref<256x32xf32, #tpu.memory_space<vmem>>) offsets(%arg12 : memref<256xi32, #tpu.memory_space<vmem>>) semaphore(%arg18 : memref<!tpu.dma_semaphore, #tpu.memory_space<semaphore_mem>>)
        %dma_start3A_57 = arith.constant 0 : i32
        %dma_start3A_58 = arith.constant 0 : i32
        %dma_start3A_59 = tpu.memref_slice %arg6[%dma_start3A_57, %dma_start3A_58] : memref<50000x16xf32, #tpu.memory_space<hbm>> -> memref<50000x16xf32, #tpu.memory_space<hbm>>
        tpu.enqueue_indirect_dma source(%dma_start3A_59 : memref<50000x16xf32, #tpu.memory_space<hbm>>) target(%arg14 : memref<256x16xf32, #tpu.memory_space<vmem>>) offsets(%arg13 : memref<256xi32, #tpu.memory_space<vmem>>) semaphore(%arg18 : memref<!tpu.dma_semaphore, #tpu.memory_space<semaphore_mem>>)
        %dma_wait3A_60 = arith.constant 0 : i32
        %dma_wait3A_61 = arith.constant 0 : i32
        %dma_wait3A_62 = tpu.memref_slice %arg4[%dma_wait3A_60, %dma_wait3A_61] : memref<50000x32xf32, #tpu.memory_space<hbm>> -> memref<50000x32xf32, #tpu.memory_space<hbm>>
        tpu.wait_indirect_dma semaphore(%arg18 : memref<!tpu.dma_semaphore, #tpu.memory_space<semaphore_mem>>) src(%dma_wait3A_62 : memref<50000x32xf32, #tpu.memory_space<hbm>>) dst(%arg15 : memref<256x32xf32, #tpu.memory_space<vmem>>)
        %dma_wait3A_63 = arith.constant 0 : i32
        %dma_wait3A_64 = arith.constant 0 : i32
        %dma_wait3A_65 = tpu.memref_slice %arg6[%dma_wait3A_63, %dma_wait3A_64] : memref<50000x16xf32, #tpu.memory_space<hbm>> -> memref<50000x16xf32, #tpu.memory_space<hbm>>
        tpu.wait_indirect_dma semaphore(%arg18 : memref<!tpu.dma_semaphore, #tpu.memory_space<semaphore_mem>>) src(%dma_wait3A_65 : memref<50000x16xf32, #tpu.memory_space<hbm>>) dst(%arg14 : memref<256x16xf32, #tpu.memory_space<vmem>>)
      } else {
      }
      %eq3A_44 = arith.constant 1 : i32
      %eq3A_45 = arith.cmpi eq, %arg0, %eq3A_44 : i32
      %convert_element_type3A_46 = arith.extui %eq3A_45 : i1 to i32
      %cond3A_47 = arith.constant 0 : i32
      %cond3A_48 = arith.cmpi ne, %convert_element_type3A_46, %cond3A_47 : i32
      scf.if %cond3A_48 {
        %dma_start3A_54 = arith.constant 0 : i32
        %dma_start3A_55 = arith.constant 0 : i32
        %dma_start3A_56 = tpu.memref_slice %arg5[%dma_start3A_54, %dma_start3A_55] : memref<50000x32xf32, #tpu.memory_space<hbm>> -> memref<50000x32xf32, #tpu.memory_space<hbm>>
        tpu.enqueue_indirect_dma source(%dma_start3A_56 : memref<50000x32xf32, #tpu.memory_space<hbm>>) target(%arg15 : memref<256x32xf32, #tpu.memory_space<vmem>>) offsets(%arg12 : memref<256xi32, #tpu.memory_space<vmem>>) semaphore(%arg18 : memref<!tpu.dma_semaphore, #tpu.memory_space<semaphore_mem>>)
        %dma_start3A_57 = arith.constant 0 : i32
        %dma_start3A_58 = arith.constant 0 : i32
        %dma_start3A_59 = tpu.memref_slice %arg7[%dma_start3A_57, %dma_start3A_58] : memref<50000x16xf32, #tpu.memory_space<hbm>> -> memref<50000x16xf32, #tpu.memory_space<hbm>>
        tpu.enqueue_indirect_dma source(%dma_start3A_59 : memref<50000x16xf32, #tpu.memory_space<hbm>>) target(%arg14 : memref<256x16xf32, #tpu.memory_space<vmem>>) offsets(%arg13 : memref<256xi32, #tpu.memory_space<vmem>>) semaphore(%arg18 : memref<!tpu.dma_semaphore, #tpu.memory_space<semaphore_mem>>)
        %dma_wait3A_60 = arith.constant 0 : i32
        %dma_wait3A_61 = arith.constant 0 : i32
        %dma_wait3A_62 = tpu.memref_slice %arg5[%dma_wait3A_60, %dma_wait3A_61] : memref<50000x32xf32, #tpu.memory_space<hbm>> -> memref<50000x32xf32, #tpu.memory_space<hbm>>
        tpu.wait_indirect_dma semaphore(%arg18 : memref<!tpu.dma_semaphore, #tpu.memory_space<semaphore_mem>>) src(%dma_wait3A_62 : memref<50000x32xf32, #tpu.memory_space<hbm>>) dst(%arg15 : memref<256x32xf32, #tpu.memory_space<vmem>>)
        %dma_wait3A_63 = arith.constant 0 : i32
        %dma_wait3A_64 = arith.constant 0 : i32
        %dma_wait3A_65 = tpu.memref_slice %arg7[%dma_wait3A_63, %dma_wait3A_64] : memref<50000x16xf32, #tpu.memory_space<hbm>> -> memref<50000x16xf32, #tpu.memory_space<hbm>>
        tpu.wait_indirect_dma semaphore(%arg18 : memref<!tpu.dma_semaphore, #tpu.memory_space<semaphore_mem>>) src(%dma_wait3A_65 : memref<50000x16xf32, #tpu.memory_space<hbm>>) dst(%arg14 : memref<256x16xf32, #tpu.memory_space<vmem>>)
      } else {
      }
      %scan3A_49 = arith.constant 0 : i32
      %scan3A_50 = arith.constant 16 : i32
      %scan3A_51 = arith.addi %scan3A_49, %scan3A_50 : i32
      %scan3A_52 = arith.constant 1 : i32
      scf.for %scan3A_54 = %scan3A_49 to %scan3A_51 step %scan3A_52  : i32 {
        %mul3A_55 = arith.constant 16 : i32
        %mul3A_56 = arith.muli %scan3A_54, %mul3A_55 : i32
        %add3A_57 = vector.broadcast %mul3A_56 : i32 to vector<16xi32>
        %add3A_58 = arith.addi %iota3A, %add3A_57 : vector<16xi32>
        %gather3A = tpu.vector_load_idx %arg14[%add3A_58, %broadcast_in_dim3A_6] : memref<256x16xf32, #tpu.memory_space<vmem>>[vector<16xi32>, vector<16xi32>], vector<16xf32>,
        %gather3A_59 = tpu.vector_load_idx %arg14[%add3A_58, %broadcast_in_dim3A_8] : memref<256x16xf32, #tpu.memory_space<vmem>>[vector<16xi32>, vector<16xi32>], vector<16xf32>,
        %gather3A_60 = tpu.vector_load_idx %arg15[%add3A_58, %broadcast_in_dim3A_6] : memref<256x32xf32, #tpu.memory_space<vmem>>[vector<16xi32>, vector<16xi32>], vector<16xf32>,
        %gather3A_61 = tpu.vector_load_idx %arg15[%add3A_58, %broadcast_in_dim3A_8] : memref<256x32xf32, #tpu.memory_space<vmem>>[vector<16xi32>, vector<16xi32>], vector<16xf32>,
        %add3A_62 = arith.addf %gather3A_60, %gather3A : vector<16xf32>
        %mul3A_63 = arith.constant 2.000000e-01 : f32
        %mul3A_64 = vector.broadcast %mul3A_63 : f32 to vector<16xf32>
        %mul3A_65 = arith.mulf %mul3A_64, %add3A_62 : vector<16xf32>
        %max3A = arith.maximumf %add3A_62, %mul3A_65 : vector<16xf32>
        %get3A = arith.constant 0 : i32
        %get3A_66 = arith.index_cast %get3A : i32 to index
        %get3A_67 = arith.constant 0 : index
        %get3A_68 = tpu.vector_load %arg11[%get3A_66, %get3A_67] {strides = array<i32>} : memref<2x16xf32, #tpu.memory_space<vmem>>, vector<16xf32>,
        %sub3A = arith.subf %max3A, %get3A_68 : vector<16xf32>
        %exp3A = math.exp %sub3A : vector<16xf32>
        %add3A_69 = arith.addf %gather3A_61, %gather3A_59 : vector<16xf32>
        %mul3A_70 = arith.constant 2.000000e-01 : f32
        %mul3A_71 = vector.broadcast %mul3A_70 : f32 to vector<16xf32>
        %mul3A_72 = arith.mulf %mul3A_71, %add3A_69 : vector<16xf32>
        %max3A_73 = arith.maximumf %add3A_69, %mul3A_72 : vector<16xf32>
        %get3A_74 = arith.constant 1 : i32
        %get3A_75 = arith.index_cast %get3A_74 : i32 to index
        %get3A_76 = arith.constant 0 : index
        %get3A_77 = tpu.vector_load %arg11[%get3A_75, %get3A_76] {strides = array<i32>} : memref<2x16xf32, #tpu.memory_space<vmem>>, vector<16xf32>,
        %sub3A_78 = arith.subf %max3A_73, %get3A_77 : vector<16xf32>
        %exp3A_79 = math.exp %sub3A_78 : vector<16xf32>
        tpu.vector_store_idx %arg16[%add3A_58, %broadcast_in_dim3A_6], %exp3A : memref<256x32xf32, #tpu.memory_space<vmem>>[vector<16xi32>, vector<16xi32>], vector<16xf32>,
        tpu.vector_store_idx %arg16[%add3A_58, %broadcast_in_dim3A_8], %exp3A_79 : memref<256x32xf32, #tpu.memory_space<vmem>>[vector<16xi32>, vector<16xi32>], vector<16xf32>,
        %broadcast_in_dim3A_80 = arith.constant 2 : i32
        %broadcast_in_dim3A_81 = vector.broadcast %broadcast_in_dim3A_80 : i32 to vector<16xi32>
        %gather3A_82 = tpu.vector_load_idx %arg15[%add3A_58, %broadcast_in_dim3A_81] : memref<256x32xf32, #tpu.memory_space<vmem>>[vector<16xi32>, vector<16xi32>], vector<16xf32>,
        %broadcast_in_dim3A_83 = arith.constant 2 : i32
        %broadcast_in_dim3A_84 = vector.broadcast %broadcast_in_dim3A_83 : i32 to vector<16xi32>
        %mul3A_85 = arith.mulf %exp3A, %gather3A_82 : vector<16xf32>
        tpu.vector_store_idx %arg16[%add3A_58, %broadcast_in_dim3A_84], %mul3A_85 : memref<256x32xf32, #tpu.memory_space<vmem>>[vector<16xi32>, vector<16xi32>], vector<16xf32>,
        %broadcast_in_dim3A_86 = arith.constant 3 : i32
        %broadcast_in_dim3A_87 = vector.broadcast %broadcast_in_dim3A_86 : i32 to vector<16xi32>
        %gather3A_88 = tpu.vector_load_idx %arg15[%add3A_58, %broadcast_in_dim3A_87] : memref<256x32xf32, #tpu.memory_space<vmem>>[vector<16xi32>, vector<16xi32>], vector<16xf32>,
        %broadcast_in_dim3A_89 = arith.constant 3 : i32
        %broadcast_in_dim3A_90 = vector.broadcast %broadcast_in_dim3A_89 : i32 to vector<16xi32>
        %mul3A_91 = arith.mulf %exp3A, %gather3A_88 : vector<16xf32>
        tpu.vector_store_idx %arg16[%add3A_58, %broadcast_in_dim3A_90], %mul3A_91 : memref<256x32xf32, #tpu.memory_space<vmem>>[vector<16xi32>, vector<16xi32>], vector<16xf32>,
        %broadcast_in_dim3A_92 = arith.constant 4 : i32
        %broadcast_in_dim3A_93 = vector.broadcast %broadcast_in_dim3A_92 : i32 to vector<16xi32>
        %gather3A_94 = tpu.vector_load_idx %arg15[%add3A_58, %broadcast_in_dim3A_93] : memref<256x32xf32, #tpu.memory_space<vmem>>[vector<16xi32>, vector<16xi32>], vector<16xf32>,
        %broadcast_in_dim3A_95 = arith.constant 4 : i32
        %broadcast_in_dim3A_96 = vector.broadcast %broadcast_in_dim3A_95 : i32 to vector<16xi32>
        %mul3A_97 = arith.mulf %exp3A, %gather3A_94 : vector<16xf32>
        tpu.vector_store_idx %arg16[%add3A_58, %broadcast_in_dim3A_96], %mul3A_97 : memref<256x32xf32, #tpu.memory_space<vmem>>[vector<16xi32>, vector<16xi32>], vector<16xf32>,
        %broadcast_in_dim3A_98 = arith.constant 5 : i32
        %broadcast_in_dim3A_99 = vector.broadcast %broadcast_in_dim3A_98 : i32 to vector<16xi32>
        %gather3A_100 = tpu.vector_load_idx %arg15[%add3A_58, %broadcast_in_dim3A_99] : memref<256x32xf32, #tpu.memory_space<vmem>>[vector<16xi32>, vector<16xi32>], vector<16xf32>,
        %broadcast_in_dim3A_101 = arith.constant 5 : i32
        %broadcast_in_dim3A_102 = vector.broadcast %broadcast_in_dim3A_101 : i32 to vector<16xi32>
        %mul3A_103 = arith.mulf %exp3A, %gather3A_100 : vector<16xf32>
        tpu.vector_store_idx %arg16[%add3A_58, %broadcast_in_dim3A_102], %mul3A_103 : memref<256x32xf32, #tpu.memory_space<vmem>>[vector<16xi32>, vector<16xi32>], vector<16xf32>,
        %broadcast_in_dim3A_104 = arith.constant 6 : i32
        %broadcast_in_dim3A_105 = vector.broadcast %broadcast_in_dim3A_104 : i32 to vector<16xi32>
        %gather3A_106 = tpu.vector_load_idx %arg15[%add3A_58, %broadcast_in_dim3A_105] : memref<256x32xf32, #tpu.memory_space<vmem>>[vector<16xi32>, vector<16xi32>], vector<16xf32>,
        %broadcast_in_dim3A_107 = arith.constant 6 : i32
        %broadcast_in_dim3A_108 = vector.broadcast %broadcast_in_dim3A_107 : i32 to vector<16xi32>
        %mul3A_109 = arith.mulf %exp3A, %gather3A_106 : vector<16xf32>
        tpu.vector_store_idx %arg16[%add3A_58, %broadcast_in_dim3A_108], %mul3A_109 : memref<256x32xf32, #tpu.memory_space<vmem>>[vector<16xi32>, vector<16xi32>], vector<16xf32>,
        %broadcast_in_dim3A_110 = arith.constant 7 : i32
        %broadcast_in_dim3A_111 = vector.broadcast %broadcast_in_dim3A_110 : i32 to vector<16xi32>
        %gather3A_112 = tpu.vector_load_idx %arg15[%add3A_58, %broadcast_in_dim3A_111] : memref<256x32xf32, #tpu.memory_space<vmem>>[vector<16xi32>, vector<16xi32>], vector<16xf32>,
        %broadcast_in_dim3A_113 = arith.constant 7 : i32
        %broadcast_in_dim3A_114 = vector.broadcast %broadcast_in_dim3A_113 : i32 to vector<16xi32>
        %mul3A_115 = arith.mulf %exp3A, %gather3A_112 : vector<16xf32>
        tpu.vector_store_idx %arg16[%add3A_58, %broadcast_in_dim3A_114], %mul3A_115 : memref<256x32xf32, #tpu.memory_space<vmem>>[vector<16xi32>, vector<16xi32>], vector<16xf32>,
        %broadcast_in_dim3A_116 = arith.constant 8 : i32
        %broadcast_in_dim3A_117 = vector.broadcast %broadcast_in_dim3A_116 : i32 to vector<16xi32>
        %gather3A_118 = tpu.vector_load_idx %arg15[%add3A_58, %broadcast_in_dim3A_117] : memref<256x32xf32, #tpu.memory_space<vmem>>[vector<16xi32>, vector<16xi32>], vector<16xf32>,
        %broadcast_in_dim3A_119 = arith.constant 8 : i32
        %broadcast_in_dim3A_120 = vector.broadcast %broadcast_in_dim3A_119 : i32 to vector<16xi32>
        %mul3A_121 = arith.mulf %exp3A, %gather3A_118 : vector<16xf32>
        tpu.vector_store_idx %arg16[%add3A_58, %broadcast_in_dim3A_120], %mul3A_121 : memref<256x32xf32, #tpu.memory_space<vmem>>[vector<16xi32>, vector<16xi32>], vector<16xf32>,
        %broadcast_in_dim3A_122 = arith.constant 9 : i32
        %broadcast_in_dim3A_123 = vector.broadcast %broadcast_in_dim3A_122 : i32 to vector<16xi32>
        %gather3A_124 = tpu.vector_load_idx %arg15[%add3A_58, %broadcast_in_dim3A_123] : memref<256x32xf32, #tpu.memory_space<vmem>>[vector<16xi32>, vector<16xi32>], vector<16xf32>,
        %broadcast_in_dim3A_125 = arith.constant 9 : i32
        %broadcast_in_dim3A_126 = vector.broadcast %broadcast_in_dim3A_125 : i32 to vector<16xi32>
        %mul3A_127 = arith.mulf %exp3A, %gather3A_124 : vector<16xf32>
        tpu.vector_store_idx %arg16[%add3A_58, %broadcast_in_dim3A_126], %mul3A_127 : memref<256x32xf32, #tpu.memory_space<vmem>>[vector<16xi32>, vector<16xi32>], vector<16xf32>,
        %broadcast_in_dim3A_128 = arith.constant 10 : i32
        %broadcast_in_dim3A_129 = vector.broadcast %broadcast_in_dim3A_128 : i32 to vector<16xi32>
        %gather3A_130 = tpu.vector_load_idx %arg15[%add3A_58, %broadcast_in_dim3A_129] : memref<256x32xf32, #tpu.memory_space<vmem>>[vector<16xi32>, vector<16xi32>], vector<16xf32>,
        %broadcast_in_dim3A_131 = arith.constant 10 : i32
        %broadcast_in_dim3A_132 = vector.broadcast %broadcast_in_dim3A_131 : i32 to vector<16xi32>
        %mul3A_133 = arith.mulf %exp3A, %gather3A_130 : vector<16xf32>
        tpu.vector_store_idx %arg16[%add3A_58, %broadcast_in_dim3A_132], %mul3A_133 : memref<256x32xf32, #tpu.memory_space<vmem>>[vector<16xi32>, vector<16xi32>], vector<16xf32>,
        %broadcast_in_dim3A_134 = arith.constant 11 : i32
        %broadcast_in_dim3A_135 = vector.broadcast %broadcast_in_dim3A_134 : i32 to vector<16xi32>
        %gather3A_136 = tpu.vector_load_idx %arg15[%add3A_58, %broadcast_in_dim3A_135] : memref<256x32xf32, #tpu.memory_space<vmem>>[vector<16xi32>, vector<16xi32>], vector<16xf32>,
        %broadcast_in_dim3A_137 = arith.constant 11 : i32
        %broadcast_in_dim3A_138 = vector.broadcast %broadcast_in_dim3A_137 : i32 to vector<16xi32>
        %mul3A_139 = arith.mulf %exp3A, %gather3A_136 : vector<16xf32>
        tpu.vector_store_idx %arg16[%add3A_58, %broadcast_in_dim3A_138], %mul3A_139 : memref<256x32xf32, #tpu.memory_space<vmem>>[vector<16xi32>, vector<16xi32>], vector<16xf32>,
        %broadcast_in_dim3A_140 = arith.constant 12 : i32
        %broadcast_in_dim3A_141 = vector.broadcast %broadcast_in_dim3A_140 : i32 to vector<16xi32>
        %gather3A_142 = tpu.vector_load_idx %arg15[%add3A_58, %broadcast_in_dim3A_141] : memref<256x32xf32, #tpu.memory_space<vmem>>[vector<16xi32>, vector<16xi32>], vector<16xf32>,
        %broadcast_in_dim3A_143 = arith.constant 12 : i32
        %broadcast_in_dim3A_144 = vector.broadcast %broadcast_in_dim3A_143 : i32 to vector<16xi32>
        %mul3A_145 = arith.mulf %exp3A, %gather3A_142 : vector<16xf32>
        tpu.vector_store_idx %arg16[%add3A_58, %broadcast_in_dim3A_144], %mul3A_145 : memref<256x32xf32, #tpu.memory_space<vmem>>[vector<16xi32>, vector<16xi32>], vector<16xf32>,
        %broadcast_in_dim3A_146 = arith.constant 13 : i32
        %broadcast_in_dim3A_147 = vector.broadcast %broadcast_in_dim3A_146 : i32 to vector<16xi32>
        %gather3A_148 = tpu.vector_load_idx %arg15[%add3A_58, %broadcast_in_dim3A_147] : memref<256x32xf32, #tpu.memory_space<vmem>>[vector<16xi32>, vector<16xi32>], vector<16xf32>,
        %broadcast_in_dim3A_149 = arith.constant 13 : i32
        %broadcast_in_dim3A_150 = vector.broadcast %broadcast_in_dim3A_149 : i32 to vector<16xi32>
        %mul3A_151 = arith.mulf %exp3A, %gather3A_148 : vector<16xf32>
        tpu.vector_store_idx %arg16[%add3A_58, %broadcast_in_dim3A_150], %mul3A_151 : memref<256x32xf32, #tpu.memory_space<vmem>>[vector<16xi32>, vector<16xi32>], vector<16xf32>,
        %broadcast_in_dim3A_152 = arith.constant 14 : i32
        %broadcast_in_dim3A_153 = vector.broadcast %broadcast_in_dim3A_152 : i32 to vector<16xi32>
        %gather3A_154 = tpu.vector_load_idx %arg15[%add3A_58, %broadcast_in_dim3A_153] : memref<256x32xf32, #tpu.memory_space<vmem>>[vector<16xi32>, vector<16xi32>], vector<16xf32>,
        %broadcast_in_dim3A_155 = arith.constant 14 : i32
        %broadcast_in_dim3A_156 = vector.broadcast %broadcast_in_dim3A_155 : i32 to vector<16xi32>
        %mul3A_157 = arith.mulf %exp3A, %gather3A_154 : vector<16xf32>
        tpu.vector_store_idx %arg16[%add3A_58, %broadcast_in_dim3A_156], %mul3A_157 : memref<256x32xf32, #tpu.memory_space<vmem>>[vector<16xi32>, vector<16xi32>], vector<16xf32>,
        %broadcast_in_dim3A_158 = arith.constant 15 : i32
        %broadcast_in_dim3A_159 = vector.broadcast %broadcast_in_dim3A_158 : i32 to vector<16xi32>
        %gather3A_160 = tpu.vector_load_idx %arg15[%add3A_58, %broadcast_in_dim3A_159] : memref<256x32xf32, #tpu.memory_space<vmem>>[vector<16xi32>, vector<16xi32>], vector<16xf32>,
        %broadcast_in_dim3A_161 = arith.constant 15 : i32
        %broadcast_in_dim3A_162 = vector.broadcast %broadcast_in_dim3A_161 : i32 to vector<16xi32>
        %mul3A_163 = arith.mulf %exp3A, %gather3A_160 : vector<16xf32>
        tpu.vector_store_idx %arg16[%add3A_58, %broadcast_in_dim3A_162], %mul3A_163 : memref<256x32xf32, #tpu.memory_space<vmem>>[vector<16xi32>, vector<16xi32>], vector<16xf32>,
        %broadcast_in_dim3A_164 = arith.constant 16 : i32
        %broadcast_in_dim3A_165 = vector.broadcast %broadcast_in_dim3A_164 : i32 to vector<16xi32>
        %gather3A_166 = tpu.vector_load_idx %arg15[%add3A_58, %broadcast_in_dim3A_165] : memref<256x32xf32, #tpu.memory_space<vmem>>[vector<16xi32>, vector<16xi32>], vector<16xf32>,
        %broadcast_in_dim3A_167 = arith.constant 16 : i32
        %broadcast_in_dim3A_168 = vector.broadcast %broadcast_in_dim3A_167 : i32 to vector<16xi32>
        %mul3A_169 = arith.mulf %exp3A, %gather3A_166 : vector<16xf32>
        tpu.vector_store_idx %arg16[%add3A_58, %broadcast_in_dim3A_168], %mul3A_169 : memref<256x32xf32, #tpu.memory_space<vmem>>[vector<16xi32>, vector<16xi32>], vector<16xf32>,
        %broadcast_in_dim3A_170 = arith.constant 17 : i32
        %broadcast_in_dim3A_171 = vector.broadcast %broadcast_in_dim3A_170 : i32 to vector<16xi32>
        %gather3A_172 = tpu.vector_load_idx %arg15[%add3A_58, %broadcast_in_dim3A_171] : memref<256x32xf32, #tpu.memory_space<vmem>>[vector<16xi32>, vector<16xi32>], vector<16xf32>,
        %broadcast_in_dim3A_173 = arith.constant 17 : i32
        %broadcast_in_dim3A_174 = vector.broadcast %broadcast_in_dim3A_173 : i32 to vector<16xi32>
        %mul3A_175 = arith.mulf %exp3A, %gather3A_172 : vector<16xf32>
        tpu.vector_store_idx %arg16[%add3A_58, %broadcast_in_dim3A_174], %mul3A_175 : memref<256x32xf32, #tpu.memory_space<vmem>>[vector<16xi32>, vector<16xi32>], vector<16xf32>,
        %broadcast_in_dim3A_176 = arith.constant 18 : i32
        %broadcast_in_dim3A_177 = vector.broadcast %broadcast_in_dim3A_176 : i32 to vector<16xi32>
        %gather3A_178 = tpu.vector_load_idx %arg15[%add3A_58, %broadcast_in_dim3A_177] : memref<256x32xf32, #tpu.memory_space<vmem>>[vector<16xi32>, vector<16xi32>], vector<16xf32>,
        %broadcast_in_dim3A_179 = arith.constant 18 : i32
        %broadcast_in_dim3A_180 = vector.broadcast %broadcast_in_dim3A_179 : i32 to vector<16xi32>
        %mul3A_181 = arith.mulf %exp3A_79, %gather3A_178 : vector<16xf32>
        tpu.vector_store_idx %arg16[%add3A_58, %broadcast_in_dim3A_180], %mul3A_181 : memref<256x32xf32, #tpu.memory_space<vmem>>[vector<16xi32>, vector<16xi32>], vector<16xf32>,
        %broadcast_in_dim3A_182 = arith.constant 19 : i32
        %broadcast_in_dim3A_183 = vector.broadcast %broadcast_in_dim3A_182 : i32 to vector<16xi32>
        %gather3A_184 = tpu.vector_load_idx %arg15[%add3A_58, %broadcast_in_dim3A_183] : memref<256x32xf32, #tpu.memory_space<vmem>>[vector<16xi32>, vector<16xi32>], vector<16xf32>,
        %broadcast_in_dim3A_185 = arith.constant 19 : i32
        %broadcast_in_dim3A_186 = vector.broadcast %broadcast_in_dim3A_185 : i32 to vector<16xi32>
        %mul3A_187 = arith.mulf %exp3A_79, %gather3A_184 : vector<16xf32>
        tpu.vector_store_idx %arg16[%add3A_58, %broadcast_in_dim3A_186], %mul3A_187 : memref<256x32xf32, #tpu.memory_space<vmem>>[vector<16xi32>, vector<16xi32>], vector<16xf32>,
        %broadcast_in_dim3A_188 = arith.constant 20 : i32
        %broadcast_in_dim3A_189 = vector.broadcast %broadcast_in_dim3A_188 : i32 to vector<16xi32>
        %gather3A_190 = tpu.vector_load_idx %arg15[%add3A_58, %broadcast_in_dim3A_189] : memref<256x32xf32, #tpu.memory_space<vmem>>[vector<16xi32>, vector<16xi32>], vector<16xf32>,
        %broadcast_in_dim3A_191 = arith.constant 20 : i32
        %broadcast_in_dim3A_192 = vector.broadcast %broadcast_in_dim3A_191 : i32 to vector<16xi32>
        %mul3A_193 = arith.mulf %exp3A_79, %gather3A_190 : vector<16xf32>
        tpu.vector_store_idx %arg16[%add3A_58, %broadcast_in_dim3A_192], %mul3A_193 : memref<256x32xf32, #tpu.memory_space<vmem>>[vector<16xi32>, vector<16xi32>], vector<16xf32>,
        %broadcast_in_dim3A_194 = arith.constant 21 : i32
        %broadcast_in_dim3A_195 = vector.broadcast %broadcast_in_dim3A_194 : i32 to vector<16xi32>
        %gather3A_196 = tpu.vector_load_idx %arg15[%add3A_58, %broadcast_in_dim3A_195] : memref<256x32xf32, #tpu.memory_space<vmem>>[vector<16xi32>, vector<16xi32>], vector<16xf32>,
        %broadcast_in_dim3A_197 = arith.constant 21 : i32
        %broadcast_in_dim3A_198 = vector.broadcast %broadcast_in_dim3A_197 : i32 to vector<16xi32>
        %mul3A_199 = arith.mulf %exp3A_79, %gather3A_196 : vector<16xf32>
        tpu.vector_store_idx %arg16[%add3A_58, %broadcast_in_dim3A_198], %mul3A_199 : memref<256x32xf32, #tpu.memory_space<vmem>>[vector<16xi32>, vector<16xi32>], vector<16xf32>,
        %broadcast_in_dim3A_200 = arith.constant 22 : i32
        %broadcast_in_dim3A_201 = vector.broadcast %broadcast_in_dim3A_200 : i32 to vector<16xi32>
        %gather3A_202 = tpu.vector_load_idx %arg15[%add3A_58, %broadcast_in_dim3A_201] : memref<256x32xf32, #tpu.memory_space<vmem>>[vector<16xi32>, vector<16xi32>], vector<16xf32>,
        %broadcast_in_dim3A_203 = arith.constant 22 : i32
        %broadcast_in_dim3A_204 = vector.broadcast %broadcast_in_dim3A_203 : i32 to vector<16xi32>
        %mul3A_205 = arith.mulf %exp3A_79, %gather3A_202 : vector<16xf32>
        tpu.vector_store_idx %arg16[%add3A_58, %broadcast_in_dim3A_204], %mul3A_205 : memref<256x32xf32, #tpu.memory_space<vmem>>[vector<16xi32>, vector<16xi32>], vector<16xf32>,
        %broadcast_in_dim3A_206 = arith.constant 23 : i32
        %broadcast_in_dim3A_207 = vector.broadcast %broadcast_in_dim3A_206 : i32 to vector<16xi32>
        %gather3A_208 = tpu.vector_load_idx %arg15[%add3A_58, %broadcast_in_dim3A_207] : memref<256x32xf32, #tpu.memory_space<vmem>>[vector<16xi32>, vector<16xi32>], vector<16xf32>,
        %broadcast_in_dim3A_209 = arith.constant 23 : i32
        %broadcast_in_dim3A_210 = vector.broadcast %broadcast_in_dim3A_209 : i32 to vector<16xi32>
        %mul3A_211 = arith.mulf %exp3A_79, %gather3A_208 : vector<16xf32>
        tpu.vector_store_idx %arg16[%add3A_58, %broadcast_in_dim3A_210], %mul3A_211 : memref<256x32xf32, #tpu.memory_space<vmem>>[vector<16xi32>, vector<16xi32>], vector<16xf32>,
        %broadcast_in_dim3A_212 = arith.constant 24 : i32
        %broadcast_in_dim3A_213 = vector.broadcast %broadcast_in_dim3A_212 : i32 to vector<16xi32>
        %gather3A_214 = tpu.vector_load_idx %arg15[%add3A_58, %broadcast_in_dim3A_213] : memref<256x32xf32, #tpu.memory_space<vmem>>[vector<16xi32>, vector<16xi32>], vector<16xf32>,
        %broadcast_in_dim3A_215 = arith.constant 24 : i32
        %broadcast_in_dim3A_216 = vector.broadcast %broadcast_in_dim3A_215 : i32 to vector<16xi32>
        %mul3A_217 = arith.mulf %exp3A_79, %gather3A_214 : vector<16xf32>
        tpu.vector_store_idx %arg16[%add3A_58, %broadcast_in_dim3A_216], %mul3A_217 : memref<256x32xf32, #tpu.memory_space<vmem>>[vector<16xi32>, vector<16xi32>], vector<16xf32>,
        %broadcast_in_dim3A_218 = arith.constant 25 : i32
        %broadcast_in_dim3A_219 = vector.broadcast %broadcast_in_dim3A_218 : i32 to vector<16xi32>
        %gather3A_220 = tpu.vector_load_idx %arg15[%add3A_58, %broadcast_in_dim3A_219] : memref<256x32xf32, #tpu.memory_space<vmem>>[vector<16xi32>, vector<16xi32>], vector<16xf32>,
        %broadcast_in_dim3A_221 = arith.constant 25 : i32
        %broadcast_in_dim3A_222 = vector.broadcast %broadcast_in_dim3A_221 : i32 to vector<16xi32>
        %mul3A_223 = arith.mulf %exp3A_79, %gather3A_220 : vector<16xf32>
        tpu.vector_store_idx %arg16[%add3A_58, %broadcast_in_dim3A_222], %mul3A_223 : memref<256x32xf32, #tpu.memory_space<vmem>>[vector<16xi32>, vector<16xi32>], vector<16xf32>,
      }
      %scan3A_53 = arith.constant 16 : i32
      "tpu.region"() ({
        %run_scoped3A = tpu.sem_alloc : memref<!tpu.dma_semaphore, #tpu.memory_space<semaphore_mem>>
        %dma_start3A_54 = arith.constant 0 : i32
        %dma_start3A_55 = arith.constant 0 : i32
        %dma_start3A_56 = tpu.memref_slice %arg17[%dma_start3A_54, %dma_start3A_55] : memref<50000x32xf32, #tpu.memory_space<vmem_shared>> -> memref<50000x32xf32, #tpu.memory_space<vmem_shared>>
        tpu.enqueue_indirect_dma source(%arg16 : memref<256x32xf32, #tpu.memory_space<vmem>>) target(%dma_start3A_56 : memref<50000x32xf32, #tpu.memory_space<vmem_shared>>) offsets(%arg13 : memref<256xi32, #tpu.memory_space<vmem>>) semaphore(%run_scoped3A : memref<!tpu.dma_semaphore, #tpu.memory_space<semaphore_mem>>) {add = true}
        %dma_wait3A_57 = arith.constant 0 : i32
        %dma_wait3A_58 = arith.constant 0 : i32
        %dma_wait3A_59 = tpu.memref_slice %arg17[%dma_wait3A_57, %dma_wait3A_58] : memref<50000x32xf32, #tpu.memory_space<vmem_shared>> -> memref<50000x32xf32, #tpu.memory_space<vmem_shared>>
        tpu.wait_indirect_dma semaphore(%run_scoped3A : memref<!tpu.dma_semaphore, #tpu.memory_space<semaphore_mem>>) src(%arg16 : memref<256x32xf32, #tpu.memory_space<vmem>>) dst(%dma_wait3A_59 : memref<50000x32xf32, #tpu.memory_space<vmem_shared>>)
        tpu.yield
      }) : () -> ()
    }
    %scan3A_12 = arith.constant 195 : i32
    %lt3A_13 = arith.constant 5 : i32
    %lt3A_14 = arith.cmpi slt, %arg1, %lt3A_13 : i32
    %convert_element_type3A_15 = arith.extui %lt3A_14 : i1 to i32
    %cond3A_16 = arith.constant 0 : i32
    %cond3A_17 = arith.cmpi ne, %convert_element_type3A_15, %cond3A_16 : i32
    scf.if %cond3A_17 {
      %mul3A = arith.constant 256 : i32
      %mul3A_29 = arith.muli %arg1, %mul3A : i32
      %add3A = arith.constant 798720 : i32
      %add3A_30 = arith.addi %add3A, %mul3A_29 : i32
      %dma_start3A = tpu.memref_slice %arg2[%add3A_30] : memref<800000xi32, #tpu.memory_space<hbm>> -> memref<256xi32, #tpu.memory_space<hbm>>
      %dma_start3A_31 = tpu.memref_slice %arg2[%add3A_30] : memref<800000xi32, #tpu.memory_space<hbm>> -> memref<256xi32, #tpu.memory_space<hbm>>
      tpu.enqueue_dma source(%dma_start3A_31 : memref<256xi32, #tpu.memory_space<hbm>>) target(%arg12 : memref<256xi32, #tpu.memory_space<vmem>>) target_semaphore(%arg18 : memref<!tpu.dma_semaphore, #tpu.memory_space<semaphore_mem>>)
      %dma_start3A_32 = tpu.memref_slice %arg3[%add3A_30] : memref<800000xi32, #tpu.memory_space<hbm>> -> memref<256xi32, #tpu.memory_space<hbm>>
      %dma_start3A_33 = tpu.memref_slice %arg3[%add3A_30] : memref<800000xi32, #tpu.memory_space<hbm>> -> memref<256xi32, #tpu.memory_space<hbm>>
      tpu.enqueue_dma source(%dma_start3A_33 : memref<256xi32, #tpu.memory_space<hbm>>) target(%arg13 : memref<256xi32, #tpu.memory_space<vmem>>) target_semaphore(%arg18 : memref<!tpu.dma_semaphore, #tpu.memory_space<semaphore_mem>>)
      %dma_wait3A = tpu.memref_slice %arg2[%add3A_30] : memref<800000xi32, #tpu.memory_space<hbm>> -> memref<256xi32, #tpu.memory_space<hbm>>
      %dma_wait3A_34 = tpu.memref_slice %arg2[%add3A_30] : memref<800000xi32, #tpu.memory_space<hbm>> -> memref<256xi32, #tpu.memory_space<hbm>>
      tpu.wait_dma2 semaphore(%arg18 : memref<!tpu.dma_semaphore, #tpu.memory_space<semaphore_mem>>) src(%dma_wait3A_34 : memref<256xi32, #tpu.memory_space<hbm>>) dst(%arg12 : memref<256xi32, #tpu.memory_space<vmem>>)
      %dma_wait3A_35 = tpu.memref_slice %arg3[%add3A_30] : memref<800000xi32, #tpu.memory_space<hbm>> -> memref<256xi32, #tpu.memory_space<hbm>>
      %dma_wait3A_36 = tpu.memref_slice %arg3[%add3A_30] : memref<800000xi32, #tpu.memory_space<hbm>> -> memref<256xi32, #tpu.memory_space<hbm>>
      tpu.wait_dma2 semaphore(%arg18 : memref<!tpu.dma_semaphore, #tpu.memory_space<semaphore_mem>>) src(%dma_wait3A_36 : memref<256xi32, #tpu.memory_space<hbm>>) dst(%arg13 : memref<256xi32, #tpu.memory_space<vmem>>)
      %eq3A_37 = arith.constant 0 : i32
      %eq3A_38 = arith.cmpi eq, %arg0, %eq3A_37 : i32
      %convert_element_type3A_39 = arith.extui %eq3A_38 : i1 to i32
      %cond3A_40 = arith.constant 0 : i32
      %cond3A_41 = arith.cmpi ne, %convert_element_type3A_39, %cond3A_40 : i32
      scf.if %cond3A_41 {
        %dma_start3A_52 = arith.constant 0 : i32
        %dma_start3A_53 = arith.constant 0 : i32
        %dma_start3A_54 = tpu.memref_slice %arg4[%dma_start3A_52, %dma_start3A_53] : memref<50000x32xf32, #tpu.memory_space<hbm>> -> memref<50000x32xf32, #tpu.memory_space<hbm>>
        tpu.enqueue_indirect_dma source(%dma_start3A_54 : memref<50000x32xf32, #tpu.memory_space<hbm>>) target(%arg15 : memref<256x32xf32, #tpu.memory_space<vmem>>) offsets(%arg12 : memref<256xi32, #tpu.memory_space<vmem>>) semaphore(%arg18 : memref<!tpu.dma_semaphore, #tpu.memory_space<semaphore_mem>>)
        %dma_start3A_55 = arith.constant 0 : i32
        %dma_start3A_56 = arith.constant 0 : i32
        %dma_start3A_57 = tpu.memref_slice %arg6[%dma_start3A_55, %dma_start3A_56] : memref<50000x16xf32, #tpu.memory_space<hbm>> -> memref<50000x16xf32, #tpu.memory_space<hbm>>
        tpu.enqueue_indirect_dma source(%dma_start3A_57 : memref<50000x16xf32, #tpu.memory_space<hbm>>) target(%arg14 : memref<256x16xf32, #tpu.memory_space<vmem>>) offsets(%arg13 : memref<256xi32, #tpu.memory_space<vmem>>) semaphore(%arg18 : memref<!tpu.dma_semaphore, #tpu.memory_space<semaphore_mem>>)
        %dma_wait3A_58 = arith.constant 0 : i32
        %dma_wait3A_59 = arith.constant 0 : i32
        %dma_wait3A_60 = tpu.memref_slice %arg4[%dma_wait3A_58, %dma_wait3A_59] : memref<50000x32xf32, #tpu.memory_space<hbm>> -> memref<50000x32xf32, #tpu.memory_space<hbm>>
        tpu.wait_indirect_dma semaphore(%arg18 : memref<!tpu.dma_semaphore, #tpu.memory_space<semaphore_mem>>) src(%dma_wait3A_60 : memref<50000x32xf32, #tpu.memory_space<hbm>>) dst(%arg15 : memref<256x32xf32, #tpu.memory_space<vmem>>)
        %dma_wait3A_61 = arith.constant 0 : i32
        %dma_wait3A_62 = arith.constant 0 : i32
        %dma_wait3A_63 = tpu.memref_slice %arg6[%dma_wait3A_61, %dma_wait3A_62] : memref<50000x16xf32, #tpu.memory_space<hbm>> -> memref<50000x16xf32, #tpu.memory_space<hbm>>
        tpu.wait_indirect_dma semaphore(%arg18 : memref<!tpu.dma_semaphore, #tpu.memory_space<semaphore_mem>>) src(%dma_wait3A_63 : memref<50000x16xf32, #tpu.memory_space<hbm>>) dst(%arg14 : memref<256x16xf32, #tpu.memory_space<vmem>>)
      } else {
      }
      %eq3A_42 = arith.constant 1 : i32
      %eq3A_43 = arith.cmpi eq, %arg0, %eq3A_42 : i32
      %convert_element_type3A_44 = arith.extui %eq3A_43 : i1 to i32
      %cond3A_45 = arith.constant 0 : i32
      %cond3A_46 = arith.cmpi ne, %convert_element_type3A_44, %cond3A_45 : i32
      scf.if %cond3A_46 {
        %dma_start3A_52 = arith.constant 0 : i32
        %dma_start3A_53 = arith.constant 0 : i32
        %dma_start3A_54 = tpu.memref_slice %arg5[%dma_start3A_52, %dma_start3A_53] : memref<50000x32xf32, #tpu.memory_space<hbm>> -> memref<50000x32xf32, #tpu.memory_space<hbm>>
        tpu.enqueue_indirect_dma source(%dma_start3A_54 : memref<50000x32xf32, #tpu.memory_space<hbm>>) target(%arg15 : memref<256x32xf32, #tpu.memory_space<vmem>>) offsets(%arg12 : memref<256xi32, #tpu.memory_space<vmem>>) semaphore(%arg18 : memref<!tpu.dma_semaphore, #tpu.memory_space<semaphore_mem>>)
        %dma_start3A_55 = arith.constant 0 : i32
        %dma_start3A_56 = arith.constant 0 : i32
        %dma_start3A_57 = tpu.memref_slice %arg7[%dma_start3A_55, %dma_start3A_56] : memref<50000x16xf32, #tpu.memory_space<hbm>> -> memref<50000x16xf32, #tpu.memory_space<hbm>>
        tpu.enqueue_indirect_dma source(%dma_start3A_57 : memref<50000x16xf32, #tpu.memory_space<hbm>>) target(%arg14 : memref<256x16xf32, #tpu.memory_space<vmem>>) offsets(%arg13 : memref<256xi32, #tpu.memory_space<vmem>>) semaphore(%arg18 : memref<!tpu.dma_semaphore, #tpu.memory_space<semaphore_mem>>)
        %dma_wait3A_58 = arith.constant 0 : i32
        %dma_wait3A_59 = arith.constant 0 : i32
        %dma_wait3A_60 = tpu.memref_slice %arg5[%dma_wait3A_58, %dma_wait3A_59] : memref<50000x32xf32, #tpu.memory_space<hbm>> -> memref<50000x32xf32, #tpu.memory_space<hbm>>
        tpu.wait_indirect_dma semaphore(%arg18 : memref<!tpu.dma_semaphore, #tpu.memory_space<semaphore_mem>>) src(%dma_wait3A_60 : memref<50000x32xf32, #tpu.memory_space<hbm>>) dst(%arg15 : memref<256x32xf32, #tpu.memory_space<vmem>>)
        %dma_wait3A_61 = arith.constant 0 : i32
        %dma_wait3A_62 = arith.constant 0 : i32
        %dma_wait3A_63 = tpu.memref_slice %arg7[%dma_wait3A_61, %dma_wait3A_62] : memref<50000x16xf32, #tpu.memory_space<hbm>> -> memref<50000x16xf32, #tpu.memory_space<hbm>>
        tpu.wait_indirect_dma semaphore(%arg18 : memref<!tpu.dma_semaphore, #tpu.memory_space<semaphore_mem>>) src(%dma_wait3A_63 : memref<50000x16xf32, #tpu.memory_space<hbm>>) dst(%arg14 : memref<256x16xf32, #tpu.memory_space<vmem>>)
      } else {
      }
      %scan3A_47 = arith.constant 0 : i32
      %scan3A_48 = arith.constant 16 : i32
      %scan3A_49 = arith.addi %scan3A_47, %scan3A_48 : i32
      %scan3A_50 = arith.constant 1 : i32
      scf.for %scan3A_52 = %scan3A_47 to %scan3A_49 step %scan3A_50  : i32 {
        %mul3A_53 = arith.constant 16 : i32
        %mul3A_54 = arith.muli %scan3A_52, %mul3A_53 : i32
        %add3A_55 = vector.broadcast %mul3A_54 : i32 to vector<16xi32>
        %add3A_56 = arith.addi %iota3A, %add3A_55 : vector<16xi32>
        %gather3A = tpu.vector_load_idx %arg14[%add3A_56, %broadcast_in_dim3A_6] : memref<256x16xf32, #tpu.memory_space<vmem>>[vector<16xi32>, vector<16xi32>], vector<16xf32>,
        %gather3A_57 = tpu.vector_load_idx %arg14[%add3A_56, %broadcast_in_dim3A_8] : memref<256x16xf32, #tpu.memory_space<vmem>>[vector<16xi32>, vector<16xi32>], vector<16xf32>,
        %gather3A_58 = tpu.vector_load_idx %arg15[%add3A_56, %broadcast_in_dim3A_6] : memref<256x32xf32, #tpu.memory_space<vmem>>[vector<16xi32>, vector<16xi32>], vector<16xf32>,
        %gather3A_59 = tpu.vector_load_idx %arg15[%add3A_56, %broadcast_in_dim3A_8] : memref<256x32xf32, #tpu.memory_space<vmem>>[vector<16xi32>, vector<16xi32>], vector<16xf32>,
        %add3A_60 = arith.addf %gather3A_58, %gather3A : vector<16xf32>
        %mul3A_61 = arith.constant 2.000000e-01 : f32
        %mul3A_62 = vector.broadcast %mul3A_61 : f32 to vector<16xf32>
        %mul3A_63 = arith.mulf %mul3A_62, %add3A_60 : vector<16xf32>
        %max3A = arith.maximumf %add3A_60, %mul3A_63 : vector<16xf32>
        %get3A = arith.constant 0 : i32
        %get3A_64 = arith.index_cast %get3A : i32 to index
        %get3A_65 = arith.constant 0 : index
        %get3A_66 = tpu.vector_load %arg11[%get3A_64, %get3A_65] {strides = array<i32>} : memref<2x16xf32, #tpu.memory_space<vmem>>, vector<16xf32>,
        %sub3A = arith.subf %max3A, %get3A_66 : vector<16xf32>
        %exp3A = math.exp %sub3A : vector<16xf32>
        %add3A_67 = arith.addf %gather3A_59, %gather3A_57 : vector<16xf32>
        %mul3A_68 = arith.constant 2.000000e-01 : f32
        %mul3A_69 = vector.broadcast %mul3A_68 : f32 to vector<16xf32>
        %mul3A_70 = arith.mulf %mul3A_69, %add3A_67 : vector<16xf32>
        %max3A_71 = arith.maximumf %add3A_67, %mul3A_70 : vector<16xf32>
        %get3A_72 = arith.constant 1 : i32
        %get3A_73 = arith.index_cast %get3A_72 : i32 to index
        %get3A_74 = arith.constant 0 : index
        %get3A_75 = tpu.vector_load %arg11[%get3A_73, %get3A_74] {strides = array<i32>} : memref<2x16xf32, #tpu.memory_space<vmem>>, vector<16xf32>,
        %sub3A_76 = arith.subf %max3A_71, %get3A_75 : vector<16xf32>
        %exp3A_77 = math.exp %sub3A_76 : vector<16xf32>
        tpu.vector_store_idx %arg16[%add3A_56, %broadcast_in_dim3A_6], %exp3A : memref<256x32xf32, #tpu.memory_space<vmem>>[vector<16xi32>, vector<16xi32>], vector<16xf32>,
        tpu.vector_store_idx %arg16[%add3A_56, %broadcast_in_dim3A_8], %exp3A_77 : memref<256x32xf32, #tpu.memory_space<vmem>>[vector<16xi32>, vector<16xi32>], vector<16xf32>,
        %broadcast_in_dim3A_78 = arith.constant 2 : i32
        %broadcast_in_dim3A_79 = vector.broadcast %broadcast_in_dim3A_78 : i32 to vector<16xi32>
        %gather3A_80 = tpu.vector_load_idx %arg15[%add3A_56, %broadcast_in_dim3A_79] : memref<256x32xf32, #tpu.memory_space<vmem>>[vector<16xi32>, vector<16xi32>], vector<16xf32>,
        %broadcast_in_dim3A_81 = arith.constant 2 : i32
        %broadcast_in_dim3A_82 = vector.broadcast %broadcast_in_dim3A_81 : i32 to vector<16xi32>
        %mul3A_83 = arith.mulf %exp3A, %gather3A_80 : vector<16xf32>
        tpu.vector_store_idx %arg16[%add3A_56, %broadcast_in_dim3A_82], %mul3A_83 : memref<256x32xf32, #tpu.memory_space<vmem>>[vector<16xi32>, vector<16xi32>], vector<16xf32>,
        %broadcast_in_dim3A_84 = arith.constant 3 : i32
        %broadcast_in_dim3A_85 = vector.broadcast %broadcast_in_dim3A_84 : i32 to vector<16xi32>
        %gather3A_86 = tpu.vector_load_idx %arg15[%add3A_56, %broadcast_in_dim3A_85] : memref<256x32xf32, #tpu.memory_space<vmem>>[vector<16xi32>, vector<16xi32>], vector<16xf32>,
        %broadcast_in_dim3A_87 = arith.constant 3 : i32
        %broadcast_in_dim3A_88 = vector.broadcast %broadcast_in_dim3A_87 : i32 to vector<16xi32>
        %mul3A_89 = arith.mulf %exp3A, %gather3A_86 : vector<16xf32>
        tpu.vector_store_idx %arg16[%add3A_56, %broadcast_in_dim3A_88], %mul3A_89 : memref<256x32xf32, #tpu.memory_space<vmem>>[vector<16xi32>, vector<16xi32>], vector<16xf32>,
        %broadcast_in_dim3A_90 = arith.constant 4 : i32
        %broadcast_in_dim3A_91 = vector.broadcast %broadcast_in_dim3A_90 : i32 to vector<16xi32>
        %gather3A_92 = tpu.vector_load_idx %arg15[%add3A_56, %broadcast_in_dim3A_91] : memref<256x32xf32, #tpu.memory_space<vmem>>[vector<16xi32>, vector<16xi32>], vector<16xf32>,
        %broadcast_in_dim3A_93 = arith.constant 4 : i32
        %broadcast_in_dim3A_94 = vector.broadcast %broadcast_in_dim3A_93 : i32 to vector<16xi32>
        %mul3A_95 = arith.mulf %exp3A, %gather3A_92 : vector<16xf32>
        tpu.vector_store_idx %arg16[%add3A_56, %broadcast_in_dim3A_94], %mul3A_95 : memref<256x32xf32, #tpu.memory_space<vmem>>[vector<16xi32>, vector<16xi32>], vector<16xf32>,
        %broadcast_in_dim3A_96 = arith.constant 5 : i32
        %broadcast_in_dim3A_97 = vector.broadcast %broadcast_in_dim3A_96 : i32 to vector<16xi32>
        %gather3A_98 = tpu.vector_load_idx %arg15[%add3A_56, %broadcast_in_dim3A_97] : memref<256x32xf32, #tpu.memory_space<vmem>>[vector<16xi32>, vector<16xi32>], vector<16xf32>,
        %broadcast_in_dim3A_99 = arith.constant 5 : i32
        %broadcast_in_dim3A_100 = vector.broadcast %broadcast_in_dim3A_99 : i32 to vector<16xi32>
        %mul3A_101 = arith.mulf %exp3A, %gather3A_98 : vector<16xf32>
        tpu.vector_store_idx %arg16[%add3A_56, %broadcast_in_dim3A_100], %mul3A_101 : memref<256x32xf32, #tpu.memory_space<vmem>>[vector<16xi32>, vector<16xi32>], vector<16xf32>,
        %broadcast_in_dim3A_102 = arith.constant 6 : i32
        %broadcast_in_dim3A_103 = vector.broadcast %broadcast_in_dim3A_102 : i32 to vector<16xi32>
        %gather3A_104 = tpu.vector_load_idx %arg15[%add3A_56, %broadcast_in_dim3A_103] : memref<256x32xf32, #tpu.memory_space<vmem>>[vector<16xi32>, vector<16xi32>], vector<16xf32>,
        %broadcast_in_dim3A_105 = arith.constant 6 : i32
        %broadcast_in_dim3A_106 = vector.broadcast %broadcast_in_dim3A_105 : i32 to vector<16xi32>
        %mul3A_107 = arith.mulf %exp3A, %gather3A_104 : vector<16xf32>
        tpu.vector_store_idx %arg16[%add3A_56, %broadcast_in_dim3A_106], %mul3A_107 : memref<256x32xf32, #tpu.memory_space<vmem>>[vector<16xi32>, vector<16xi32>], vector<16xf32>,
        %broadcast_in_dim3A_108 = arith.constant 7 : i32
        %broadcast_in_dim3A_109 = vector.broadcast %broadcast_in_dim3A_108 : i32 to vector<16xi32>
        %gather3A_110 = tpu.vector_load_idx %arg15[%add3A_56, %broadcast_in_dim3A_109] : memref<256x32xf32, #tpu.memory_space<vmem>>[vector<16xi32>, vector<16xi32>], vector<16xf32>,
        %broadcast_in_dim3A_111 = arith.constant 7 : i32
        %broadcast_in_dim3A_112 = vector.broadcast %broadcast_in_dim3A_111 : i32 to vector<16xi32>
        %mul3A_113 = arith.mulf %exp3A, %gather3A_110 : vector<16xf32>
        tpu.vector_store_idx %arg16[%add3A_56, %broadcast_in_dim3A_112], %mul3A_113 : memref<256x32xf32, #tpu.memory_space<vmem>>[vector<16xi32>, vector<16xi32>], vector<16xf32>,
        %broadcast_in_dim3A_114 = arith.constant 8 : i32
        %broadcast_in_dim3A_115 = vector.broadcast %broadcast_in_dim3A_114 : i32 to vector<16xi32>
        %gather3A_116 = tpu.vector_load_idx %arg15[%add3A_56, %broadcast_in_dim3A_115] : memref<256x32xf32, #tpu.memory_space<vmem>>[vector<16xi32>, vector<16xi32>], vector<16xf32>,
        %broadcast_in_dim3A_117 = arith.constant 8 : i32
        %broadcast_in_dim3A_118 = vector.broadcast %broadcast_in_dim3A_117 : i32 to vector<16xi32>
        %mul3A_119 = arith.mulf %exp3A, %gather3A_116 : vector<16xf32>
        tpu.vector_store_idx %arg16[%add3A_56, %broadcast_in_dim3A_118], %mul3A_119 : memref<256x32xf32, #tpu.memory_space<vmem>>[vector<16xi32>, vector<16xi32>], vector<16xf32>,
        %broadcast_in_dim3A_120 = arith.constant 9 : i32
        %broadcast_in_dim3A_121 = vector.broadcast %broadcast_in_dim3A_120 : i32 to vector<16xi32>
        %gather3A_122 = tpu.vector_load_idx %arg15[%add3A_56, %broadcast_in_dim3A_121] : memref<256x32xf32, #tpu.memory_space<vmem>>[vector<16xi32>, vector<16xi32>], vector<16xf32>,
        %broadcast_in_dim3A_123 = arith.constant 9 : i32
        %broadcast_in_dim3A_124 = vector.broadcast %broadcast_in_dim3A_123 : i32 to vector<16xi32>
        %mul3A_125 = arith.mulf %exp3A, %gather3A_122 : vector<16xf32>
        tpu.vector_store_idx %arg16[%add3A_56, %broadcast_in_dim3A_124], %mul3A_125 : memref<256x32xf32, #tpu.memory_space<vmem>>[vector<16xi32>, vector<16xi32>], vector<16xf32>,
        %broadcast_in_dim3A_126 = arith.constant 10 : i32
        %broadcast_in_dim3A_127 = vector.broadcast %broadcast_in_dim3A_126 : i32 to vector<16xi32>
        %gather3A_128 = tpu.vector_load_idx %arg15[%add3A_56, %broadcast_in_dim3A_127] : memref<256x32xf32, #tpu.memory_space<vmem>>[vector<16xi32>, vector<16xi32>], vector<16xf32>,
        %broadcast_in_dim3A_129 = arith.constant 10 : i32
        %broadcast_in_dim3A_130 = vector.broadcast %broadcast_in_dim3A_129 : i32 to vector<16xi32>
        %mul3A_131 = arith.mulf %exp3A, %gather3A_128 : vector<16xf32>
        tpu.vector_store_idx %arg16[%add3A_56, %broadcast_in_dim3A_130], %mul3A_131 : memref<256x32xf32, #tpu.memory_space<vmem>>[vector<16xi32>, vector<16xi32>], vector<16xf32>,
        %broadcast_in_dim3A_132 = arith.constant 11 : i32
        %broadcast_in_dim3A_133 = vector.broadcast %broadcast_in_dim3A_132 : i32 to vector<16xi32>
        %gather3A_134 = tpu.vector_load_idx %arg15[%add3A_56, %broadcast_in_dim3A_133] : memref<256x32xf32, #tpu.memory_space<vmem>>[vector<16xi32>, vector<16xi32>], vector<16xf32>,
        %broadcast_in_dim3A_135 = arith.constant 11 : i32
        %broadcast_in_dim3A_136 = vector.broadcast %broadcast_in_dim3A_135 : i32 to vector<16xi32>
        %mul3A_137 = arith.mulf %exp3A, %gather3A_134 : vector<16xf32>
        tpu.vector_store_idx %arg16[%add3A_56, %broadcast_in_dim3A_136], %mul3A_137 : memref<256x32xf32, #tpu.memory_space<vmem>>[vector<16xi32>, vector<16xi32>], vector<16xf32>,
        %broadcast_in_dim3A_138 = arith.constant 12 : i32
        %broadcast_in_dim3A_139 = vector.broadcast %broadcast_in_dim3A_138 : i32 to vector<16xi32>
        %gather3A_140 = tpu.vector_load_idx %arg15[%add3A_56, %broadcast_in_dim3A_139] : memref<256x32xf32, #tpu.memory_space<vmem>>[vector<16xi32>, vector<16xi32>], vector<16xf32>,
        %broadcast_in_dim3A_141 = arith.constant 12 : i32
        %broadcast_in_dim3A_142 = vector.broadcast %broadcast_in_dim3A_141 : i32 to vector<16xi32>
        %mul3A_143 = arith.mulf %exp3A, %gather3A_140 : vector<16xf32>
        tpu.vector_store_idx %arg16[%add3A_56, %broadcast_in_dim3A_142], %mul3A_143 : memref<256x32xf32, #tpu.memory_space<vmem>>[vector<16xi32>, vector<16xi32>], vector<16xf32>,
        %broadcast_in_dim3A_144 = arith.constant 13 : i32
        %broadcast_in_dim3A_145 = vector.broadcast %broadcast_in_dim3A_144 : i32 to vector<16xi32>
        %gather3A_146 = tpu.vector_load_idx %arg15[%add3A_56, %broadcast_in_dim3A_145] : memref<256x32xf32, #tpu.memory_space<vmem>>[vector<16xi32>, vector<16xi32>], vector<16xf32>,
        %broadcast_in_dim3A_147 = arith.constant 13 : i32
        %broadcast_in_dim3A_148 = vector.broadcast %broadcast_in_dim3A_147 : i32 to vector<16xi32>
        %mul3A_149 = arith.mulf %exp3A, %gather3A_146 : vector<16xf32>
        tpu.vector_store_idx %arg16[%add3A_56, %broadcast_in_dim3A_148], %mul3A_149 : memref<256x32xf32, #tpu.memory_space<vmem>>[vector<16xi32>, vector<16xi32>], vector<16xf32>,
        %broadcast_in_dim3A_150 = arith.constant 14 : i32
        %broadcast_in_dim3A_151 = vector.broadcast %broadcast_in_dim3A_150 : i32 to vector<16xi32>
        %gather3A_152 = tpu.vector_load_idx %arg15[%add3A_56, %broadcast_in_dim3A_151] : memref<256x32xf32, #tpu.memory_space<vmem>>[vector<16xi32>, vector<16xi32>], vector<16xf32>,
        %broadcast_in_dim3A_153 = arith.constant 14 : i32
        %broadcast_in_dim3A_154 = vector.broadcast %broadcast_in_dim3A_153 : i32 to vector<16xi32>
        %mul3A_155 = arith.mulf %exp3A, %gather3A_152 : vector<16xf32>
        tpu.vector_store_idx %arg16[%add3A_56, %broadcast_in_dim3A_154], %mul3A_155 : memref<256x32xf32, #tpu.memory_space<vmem>>[vector<16xi32>, vector<16xi32>], vector<16xf32>,
        %broadcast_in_dim3A_156 = arith.constant 15 : i32
        %broadcast_in_dim3A_157 = vector.broadcast %broadcast_in_dim3A_156 : i32 to vector<16xi32>
        %gather3A_158 = tpu.vector_load_idx %arg15[%add3A_56, %broadcast_in_dim3A_157] : memref<256x32xf32, #tpu.memory_space<vmem>>[vector<16xi32>, vector<16xi32>], vector<16xf32>,
        %broadcast_in_dim3A_159 = arith.constant 15 : i32
        %broadcast_in_dim3A_160 = vector.broadcast %broadcast_in_dim3A_159 : i32 to vector<16xi32>
        %mul3A_161 = arith.mulf %exp3A, %gather3A_158 : vector<16xf32>
        tpu.vector_store_idx %arg16[%add3A_56, %broadcast_in_dim3A_160], %mul3A_161 : memref<256x32xf32, #tpu.memory_space<vmem>>[vector<16xi32>, vector<16xi32>], vector<16xf32>,
        %broadcast_in_dim3A_162 = arith.constant 16 : i32
        %broadcast_in_dim3A_163 = vector.broadcast %broadcast_in_dim3A_162 : i32 to vector<16xi32>
        %gather3A_164 = tpu.vector_load_idx %arg15[%add3A_56, %broadcast_in_dim3A_163] : memref<256x32xf32, #tpu.memory_space<vmem>>[vector<16xi32>, vector<16xi32>], vector<16xf32>,
        %broadcast_in_dim3A_165 = arith.constant 16 : i32
        %broadcast_in_dim3A_166 = vector.broadcast %broadcast_in_dim3A_165 : i32 to vector<16xi32>
        %mul3A_167 = arith.mulf %exp3A, %gather3A_164 : vector<16xf32>
        tpu.vector_store_idx %arg16[%add3A_56, %broadcast_in_dim3A_166], %mul3A_167 : memref<256x32xf32, #tpu.memory_space<vmem>>[vector<16xi32>, vector<16xi32>], vector<16xf32>,
        %broadcast_in_dim3A_168 = arith.constant 17 : i32
        %broadcast_in_dim3A_169 = vector.broadcast %broadcast_in_dim3A_168 : i32 to vector<16xi32>
        %gather3A_170 = tpu.vector_load_idx %arg15[%add3A_56, %broadcast_in_dim3A_169] : memref<256x32xf32, #tpu.memory_space<vmem>>[vector<16xi32>, vector<16xi32>], vector<16xf32>,
        %broadcast_in_dim3A_171 = arith.constant 17 : i32
        %broadcast_in_dim3A_172 = vector.broadcast %broadcast_in_dim3A_171 : i32 to vector<16xi32>
        %mul3A_173 = arith.mulf %exp3A, %gather3A_170 : vector<16xf32>
        tpu.vector_store_idx %arg16[%add3A_56, %broadcast_in_dim3A_172], %mul3A_173 : memref<256x32xf32, #tpu.memory_space<vmem>>[vector<16xi32>, vector<16xi32>], vector<16xf32>,
        %broadcast_in_dim3A_174 = arith.constant 18 : i32
        %broadcast_in_dim3A_175 = vector.broadcast %broadcast_in_dim3A_174 : i32 to vector<16xi32>
        %gather3A_176 = tpu.vector_load_idx %arg15[%add3A_56, %broadcast_in_dim3A_175] : memref<256x32xf32, #tpu.memory_space<vmem>>[vector<16xi32>, vector<16xi32>], vector<16xf32>,
        %broadcast_in_dim3A_177 = arith.constant 18 : i32
        %broadcast_in_dim3A_178 = vector.broadcast %broadcast_in_dim3A_177 : i32 to vector<16xi32>
        %mul3A_179 = arith.mulf %exp3A_77, %gather3A_176 : vector<16xf32>
        tpu.vector_store_idx %arg16[%add3A_56, %broadcast_in_dim3A_178], %mul3A_179 : memref<256x32xf32, #tpu.memory_space<vmem>>[vector<16xi32>, vector<16xi32>], vector<16xf32>,
        %broadcast_in_dim3A_180 = arith.constant 19 : i32
        %broadcast_in_dim3A_181 = vector.broadcast %broadcast_in_dim3A_180 : i32 to vector<16xi32>
        %gather3A_182 = tpu.vector_load_idx %arg15[%add3A_56, %broadcast_in_dim3A_181] : memref<256x32xf32, #tpu.memory_space<vmem>>[vector<16xi32>, vector<16xi32>], vector<16xf32>,
        %broadcast_in_dim3A_183 = arith.constant 19 : i32
        %broadcast_in_dim3A_184 = vector.broadcast %broadcast_in_dim3A_183 : i32 to vector<16xi32>
        %mul3A_185 = arith.mulf %exp3A_77, %gather3A_182 : vector<16xf32>
        tpu.vector_store_idx %arg16[%add3A_56, %broadcast_in_dim3A_184], %mul3A_185 : memref<256x32xf32, #tpu.memory_space<vmem>>[vector<16xi32>, vector<16xi32>], vector<16xf32>,
        %broadcast_in_dim3A_186 = arith.constant 20 : i32
        %broadcast_in_dim3A_187 = vector.broadcast %broadcast_in_dim3A_186 : i32 to vector<16xi32>
        %gather3A_188 = tpu.vector_load_idx %arg15[%add3A_56, %broadcast_in_dim3A_187] : memref<256x32xf32, #tpu.memory_space<vmem>>[vector<16xi32>, vector<16xi32>], vector<16xf32>,
        %broadcast_in_dim3A_189 = arith.constant 20 : i32
        %broadcast_in_dim3A_190 = vector.broadcast %broadcast_in_dim3A_189 : i32 to vector<16xi32>
        %mul3A_191 = arith.mulf %exp3A_77, %gather3A_188 : vector<16xf32>
        tpu.vector_store_idx %arg16[%add3A_56, %broadcast_in_dim3A_190], %mul3A_191 : memref<256x32xf32, #tpu.memory_space<vmem>>[vector<16xi32>, vector<16xi32>], vector<16xf32>,
        %broadcast_in_dim3A_192 = arith.constant 21 : i32
        %broadcast_in_dim3A_193 = vector.broadcast %broadcast_in_dim3A_192 : i32 to vector<16xi32>
        %gather3A_194 = tpu.vector_load_idx %arg15[%add3A_56, %broadcast_in_dim3A_193] : memref<256x32xf32, #tpu.memory_space<vmem>>[vector<16xi32>, vector<16xi32>], vector<16xf32>,
        %broadcast_in_dim3A_195 = arith.constant 21 : i32
        %broadcast_in_dim3A_196 = vector.broadcast %broadcast_in_dim3A_195 : i32 to vector<16xi32>
        %mul3A_197 = arith.mulf %exp3A_77, %gather3A_194 : vector<16xf32>
        tpu.vector_store_idx %arg16[%add3A_56, %broadcast_in_dim3A_196], %mul3A_197 : memref<256x32xf32, #tpu.memory_space<vmem>>[vector<16xi32>, vector<16xi32>], vector<16xf32>,
        %broadcast_in_dim3A_198 = arith.constant 22 : i32
        %broadcast_in_dim3A_199 = vector.broadcast %broadcast_in_dim3A_198 : i32 to vector<16xi32>
        %gather3A_200 = tpu.vector_load_idx %arg15[%add3A_56, %broadcast_in_dim3A_199] : memref<256x32xf32, #tpu.memory_space<vmem>>[vector<16xi32>, vector<16xi32>], vector<16xf32>,
        %broadcast_in_dim3A_201 = arith.constant 22 : i32
        %broadcast_in_dim3A_202 = vector.broadcast %broadcast_in_dim3A_201 : i32 to vector<16xi32>
        %mul3A_203 = arith.mulf %exp3A_77, %gather3A_200 : vector<16xf32>
        tpu.vector_store_idx %arg16[%add3A_56, %broadcast_in_dim3A_202], %mul3A_203 : memref<256x32xf32, #tpu.memory_space<vmem>>[vector<16xi32>, vector<16xi32>], vector<16xf32>,
        %broadcast_in_dim3A_204 = arith.constant 23 : i32
        %broadcast_in_dim3A_205 = vector.broadcast %broadcast_in_dim3A_204 : i32 to vector<16xi32>
        %gather3A_206 = tpu.vector_load_idx %arg15[%add3A_56, %broadcast_in_dim3A_205] : memref<256x32xf32, #tpu.memory_space<vmem>>[vector<16xi32>, vector<16xi32>], vector<16xf32>,
        %broadcast_in_dim3A_207 = arith.constant 23 : i32
        %broadcast_in_dim3A_208 = vector.broadcast %broadcast_in_dim3A_207 : i32 to vector<16xi32>
        %mul3A_209 = arith.mulf %exp3A_77, %gather3A_206 : vector<16xf32>
        tpu.vector_store_idx %arg16[%add3A_56, %broadcast_in_dim3A_208], %mul3A_209 : memref<256x32xf32, #tpu.memory_space<vmem>>[vector<16xi32>, vector<16xi32>], vector<16xf32>,
        %broadcast_in_dim3A_210 = arith.constant 24 : i32
        %broadcast_in_dim3A_211 = vector.broadcast %broadcast_in_dim3A_210 : i32 to vector<16xi32>
        %gather3A_212 = tpu.vector_load_idx %arg15[%add3A_56, %broadcast_in_dim3A_211] : memref<256x32xf32, #tpu.memory_space<vmem>>[vector<16xi32>, vector<16xi32>], vector<16xf32>,
        %broadcast_in_dim3A_213 = arith.constant 24 : i32
        %broadcast_in_dim3A_214 = vector.broadcast %broadcast_in_dim3A_213 : i32 to vector<16xi32>
        %mul3A_215 = arith.mulf %exp3A_77, %gather3A_212 : vector<16xf32>
        tpu.vector_store_idx %arg16[%add3A_56, %broadcast_in_dim3A_214], %mul3A_215 : memref<256x32xf32, #tpu.memory_space<vmem>>[vector<16xi32>, vector<16xi32>], vector<16xf32>,
        %broadcast_in_dim3A_216 = arith.constant 25 : i32
        %broadcast_in_dim3A_217 = vector.broadcast %broadcast_in_dim3A_216 : i32 to vector<16xi32>
        %gather3A_218 = tpu.vector_load_idx %arg15[%add3A_56, %broadcast_in_dim3A_217] : memref<256x32xf32, #tpu.memory_space<vmem>>[vector<16xi32>, vector<16xi32>], vector<16xf32>,
        %broadcast_in_dim3A_219 = arith.constant 25 : i32
        %broadcast_in_dim3A_220 = vector.broadcast %broadcast_in_dim3A_219 : i32 to vector<16xi32>
        %mul3A_221 = arith.mulf %exp3A_77, %gather3A_218 : vector<16xf32>
        tpu.vector_store_idx %arg16[%add3A_56, %broadcast_in_dim3A_220], %mul3A_221 : memref<256x32xf32, #tpu.memory_space<vmem>>[vector<16xi32>, vector<16xi32>], vector<16xf32>,
      }
      %scan3A_51 = arith.constant 16 : i32
      "tpu.region"() ({
        %run_scoped3A = tpu.sem_alloc : memref<!tpu.dma_semaphore, #tpu.memory_space<semaphore_mem>>
        %dma_start3A_52 = arith.constant 0 : i32
        %dma_start3A_53 = arith.constant 0 : i32
        %dma_start3A_54 = tpu.memref_slice %arg17[%dma_start3A_52, %dma_start3A_53] : memref<50000x32xf32, #tpu.memory_space<vmem_shared>> -> memref<50000x32xf32, #tpu.memory_space<vmem_shared>>
        tpu.enqueue_indirect_dma source(%arg16 : memref<256x32xf32, #tpu.memory_space<vmem>>) target(%dma_start3A_54 : memref<50000x32xf32, #tpu.memory_space<vmem_shared>>) offsets(%arg13 : memref<256xi32, #tpu.memory_space<vmem>>) semaphore(%run_scoped3A : memref<!tpu.dma_semaphore, #tpu.memory_space<semaphore_mem>>) {add = true}
        %dma_wait3A_55 = arith.constant 0 : i32
        %dma_wait3A_56 = arith.constant 0 : i32
        %dma_wait3A_57 = tpu.memref_slice %arg17[%dma_wait3A_55, %dma_wait3A_56] : memref<50000x32xf32, #tpu.memory_space<vmem_shared>> -> memref<50000x32xf32, #tpu.memory_space<vmem_shared>>
        tpu.wait_indirect_dma semaphore(%run_scoped3A : memref<!tpu.dma_semaphore, #tpu.memory_space<semaphore_mem>>) src(%arg16 : memref<256x32xf32, #tpu.memory_space<vmem>>) dst(%dma_wait3A_57 : memref<50000x32xf32, #tpu.memory_space<vmem_shared>>)
        tpu.yield
      }) : () -> ()
    } else {
    }
    %barrier3A_18 = arith.constant 0 : index
    tpu.barrier barrier_id(%barrier3A_18)
    %lt3A_19 = arith.constant 15 : i32
    %lt3A_20 = arith.cmpi slt, %arg1, %lt3A_19 : i32
    %convert_element_type3A_21 = arith.extui %lt3A_20 : i1 to i32
    %cond3A_22 = arith.constant 0 : i32
    %cond3A_23 = arith.cmpi ne, %convert_element_type3A_21, %cond3A_22 : i32
    scf.if %cond3A_23 {
      %mul3A = arith.constant 3128 : i32
      %mul3A_29 = arith.muli %arg1, %mul3A : i32
      "tpu.region"() ({
        %run_scoped3A = tpu.sem_alloc : memref<!tpu.dma_semaphore, #tpu.memory_space<semaphore_mem>>
        %dma_start3A = arith.constant 0 : i32
        %dma_start3A_30 = tpu.memref_slice %arg10[%arg0, %mul3A_29, %dma_start3A] : memref<2x50000x32xf32, #tpu.memory_space<hbm>> -> memref<1x3128x32xf32, #tpu.memory_space<hbm>>
        %dma_start3A_31 = tpu.memref_squeeze %dma_start3A_30 : memref<1x3128x32xf32, #tpu.memory_space<hbm>> -> memref<3128x32xf32, #tpu.memory_space<hbm>>
        %dma_start3A_32 = arith.constant 0 : i32
        %dma_start3A_33 = tpu.memref_slice %arg17[%mul3A_29, %dma_start3A_32] : memref<50000x32xf32, #tpu.memory_space<vmem_shared>> -> memref<3128x32xf32, #tpu.memory_space<vmem_shared>>
        tpu.enqueue_dma source(%dma_start3A_33 : memref<3128x32xf32, #tpu.memory_space<vmem_shared>>) target(%dma_start3A_31 : memref<3128x32xf32, #tpu.memory_space<hbm>>) target_semaphore(%run_scoped3A : memref<!tpu.dma_semaphore, #tpu.memory_space<semaphore_mem>>)
        %dma_wait3A = arith.constant 0 : i32
        %dma_wait3A_34 = tpu.memref_slice %arg10[%arg0, %mul3A_29, %dma_wait3A] : memref<2x50000x32xf32, #tpu.memory_space<hbm>> -> memref<1x3128x32xf32, #tpu.memory_space<hbm>>
        %dma_wait3A_35 = tpu.memref_squeeze %dma_wait3A_34 : memref<1x3128x32xf32, #tpu.memory_space<hbm>> -> memref<3128x32xf32, #tpu.memory_space<hbm>>
        %dma_wait3A_36 = arith.constant 0 : i32
        %dma_wait3A_37 = tpu.memref_slice %arg17[%mul3A_29, %dma_wait3A_36] : memref<50000x32xf32, #tpu.memory_space<vmem_shared>> -> memref<3128x32xf32, #tpu.memory_space<vmem_shared>>
        tpu.wait_dma2 semaphore(%run_scoped3A : memref<!tpu.dma_semaphore, #tpu.memory_space<semaphore_mem>>) src(%dma_wait3A_37 : memref<3128x32xf32, #tpu.memory_space<vmem_shared>>) dst(%dma_wait3A_35 : memref<3128x32xf32, #tpu.memory_space<hbm>>)
        tpu.yield
      }) : () -> ()
    } else {
    }
    %eq3A_24 = arith.constant 15 : i32
    %eq3A_25 = arith.cmpi eq, %arg1, %eq3A_24 : i32
    %convert_element_type3A_26 = arith.extui %eq3A_25 : i1 to i32
    %cond3A_27 = arith.constant 0 : i32
    %cond3A_28 = arith.cmpi ne, %convert_element_type3A_26, %cond3A_27 : i32
    scf.if %cond3A_28 {
      "tpu.region"() ({
        %run_scoped3A = tpu.sem_alloc : memref<!tpu.dma_semaphore, #tpu.memory_space<semaphore_mem>>
        %dma_start3A = arith.constant 46920 : i32
        %dma_start3A_29 = arith.constant 0 : i32
        %dma_start3A_30 = tpu.memref_slice %arg10[%arg0, %dma_start3A, %dma_start3A_29] : memref<2x50000x32xf32, #tpu.memory_space<hbm>> -> memref<1x3080x32xf32, #tpu.memory_space<hbm>>
        %dma_start3A_31 = tpu.memref_squeeze %dma_start3A_30 : memref<1x3080x32xf32, #tpu.memory_space<hbm>> -> memref<3080x32xf32, #tpu.memory_space<hbm>>
        %dma_start3A_32 = arith.constant 46920 : i32
        %dma_start3A_33 = arith.constant 0 : i32
        %dma_start3A_34 = tpu.memref_slice %arg17[%dma_start3A_32, %dma_start3A_33] : memref<50000x32xf32, #tpu.memory_space<vmem_shared>> -> memref<3080x32xf32, #tpu.memory_space<vmem_shared>>
        tpu.enqueue_dma source(%dma_start3A_34 : memref<3080x32xf32, #tpu.memory_space<vmem_shared>>) target(%dma_start3A_31 : memref<3080x32xf32, #tpu.memory_space<hbm>>) target_semaphore(%run_scoped3A : memref<!tpu.dma_semaphore, #tpu.memory_space<semaphore_mem>>)
        %dma_wait3A = arith.constant 46920 : i32
        %dma_wait3A_35 = arith.constant 0 : i32
        %dma_wait3A_36 = tpu.memref_slice %arg10[%arg0, %dma_wait3A, %dma_wait3A_35] : memref<2x50000x32xf32, #tpu.memory_space<hbm>> -> memref<1x3080x32xf32, #tpu.memory_space<hbm>>
        %dma_wait3A_37 = tpu.memref_squeeze %dma_wait3A_36 : memref<1x3080x32xf32, #tpu.memory_space<hbm>> -> memref<3080x32xf32, #tpu.memory_space<hbm>>
        %dma_wait3A_38 = arith.constant 46920 : i32
        %dma_wait3A_39 = arith.constant 0 : i32
        %dma_wait3A_40 = tpu.memref_slice %arg17[%dma_wait3A_38, %dma_wait3A_39] : memref<50000x32xf32, #tpu.memory_space<vmem_shared>> -> memref<3080x32xf32, #tpu.memory_space<vmem_shared>>
        tpu.wait_dma2 semaphore(%run_scoped3A : memref<!tpu.dma_semaphore, #tpu.memory_space<semaphore_mem>>) src(%dma_wait3A_40 : memref<3080x32xf32, #tpu.memory_space<vmem_shared>>) dst(%dma_wait3A_37 : memref<3080x32xf32, #tpu.memory_space<hbm>>)
        tpu.yield
      }) : () -> ()
    } else {
    }
    return
  }
}

</mosaic_0001>

<sc_bundles>
// kernel: kernel.4.cloned.1.call-start
scs
__scs_entry_jumppad:
0x0: {  	(pc) =	sbr.rel $0x88, $3  }
0x1: {  	(tag) =	ssettag $0x0;
	lr =	simm.s32 $0x1  }
0x2: {  	[smem:$0x3F85] =	sst lr;
	_ =	strace $0xD0000000  }
0x3: {  	_ = 	snop  }
0x4: {  	_ = 	snop  }
0x5: {  	_ = 	snop  }
0x6: {  	_ = 	snop  }
0x7: {  	_ = 	snop  }
__scs_overlays_trampoline_lowered:
0x8: {  	[smem:$0x3F94] =	sst s0  }
0x9: {  	[smem:$0x3F95] =	sst s1  }
0xa: {  	[smem:$0x3F96] =	sst s2  }
0xb: {  	[smem:$0x3F97] =	sst s3  }
0xc: {  	[smem:$0x3F98] =	sst s4  }
0xd: {  	[smem:$0x3F99] =	sst s5  }
0xe: {  	[smem:$0x3F9A] =	sst s6  }
0xf: {  	[smem:$0x3F9B] =	sst s7  }
0x10: {  	[smem:$0x3F9C] =	sst s8  }
0x11: {  	[smem:$0x3F9D] =	sst s9;
	s0 =	simm.s32 @!p0 $0x0  }
0x12: {  	s1 =	sld [smem:$0x3F83];
	s0 =	simm.s32 @p0 $0x1  }
0x13: {  	[smem:$0x3F9E] =	sst s0;
	s0 =	simm.s32 @!p1 $0x0  }
0x14: {  	s2 =	sld [smem:$0x3F82];
	s0 =	simm.s32 @p1 $0x1  }
0x15: {  	[smem:$0x3F9F] =	sst s0;
	s0 =	simm.s32 @!p2 $0x0  }
0x16: {  	s3 =	sld [smem:$0x3FDB];
	s0 =	simm.s32 @p2 $0x1  }
0x17: {  	s4 =	simm.s32 $0x1BF5;
	[smem:$0x3FA1] =	sst s0  }
0x18: {  	s0 =	sld [smem:$0x3F84];
	_ =	swait.ge [sflag:s4], $0x0  }
0x19: {  	s7 =	sld [smem:$0x3F85]  }
0x1a: {  	s8 =	sadd.s32 $0xFFFFE003, lr  }
0x1b: {  	s9 =	sadd.s32 $0xFFFFFEF7, lr;
	s5 =	simm.s32 $0xFFFFFFFF;
	p2 =	slt.u32 s8, $0xFFFFF086  }
0x1c: {  	p1 =	slt.u32 s9, $0xF7A;
	s5 =	simm.s32 @!p2 $0x0  }
0x1d: {  	s5 =	simm.s32 @p1 $0x1;
	p0 =	seq.s32 s7, s2  }
0x1e: {  	s7 =	smul.u32 @!p0 $0xF7A, s2;
	p2 =	seq.s32 @!p0 s5, $0x0  }
0x1f: {  	s9 =	smul.u32 $0xF7A, s1;
	s8 =	simm.s32 @!p0 $0x1BF5;
	p2 =	por !p2, p0  }
0x20: {  	[sflag:s8] =	ssyncset.s32 @!p0 $0xFFFFF086;
	s6 =	sadd.s32 @!p0 s3, s7;
	s7 =	simm.s32 @!p0 $0x108  }
0x21: {  	s3 =	sadd.s32 s3, s9;
	s6 =	sadd.s32 @!p0 $0x88, s6;
	s7 =	simm.s32 @p2 $0x1082  }
0x22: {  	[simem:s7], [sflag:s8] =	dma.local @!p0 [hbm:s6], $0xF7A  }
0x23: {  	s9 =	sor.u32 $0xD0000000, s2;
	s6 =	simm.s32 $0x108;
	_ =	swait.ge @!p0 [sflag:s8], $0x0  }
0x24: {  	s3 =	sadd.s32 $0x88, s3;
	s6 =	simm.s32 @!p1 $0x1082;
	[sflag:s4] =	ssyncset.s32 $0xFFFFF086  }
0x25: {  	[simem:s6], [sflag:s4] =	dma.local [hbm:s3], $0xF7A  }
0x26: {  	[smem:$0x3F85] =	sst s1;
	(tag) =	ssettag s2;
	_ =	strace s9  }
0x27: {  	s1 =	sld [smem:$0x3F95]  }
0x28: {  	s2 =	sld [smem:$0x3F96]  }
0x29: {  	s4 =	sld [smem:$0x3F98]  }
0x2a: {  	p0 =	seq.s32 s5, $0x0;
	s5 =	sld [smem:$0x3F99]  }
0x2b: {  	s6 =	sld [smem:$0x3F9A]  }
0x2c: {  	s7 =	sld [smem:$0x3F9B]  }
0x2d: {  	s3 =	simm.s32 $0x108;
	s8 =	sld [smem:$0x3F9C]  }
0x2e: {  	s3 =	simm.s32 @!p0 $0x1082;
	s9 =	sld [smem:$0x3F9D]  }
0x2f: {  	lr =	sadd.s32 s0, s3;
	s0 =	sld [smem:$0x3F94]  }
0x30: {  	s3 =	sld [smem:$0x3F97]  }
0x31: {  	[smem:$0x3FA0] =	sst s10  }
0x32: {  	s10 =	sld [smem:$0x3F9E];
	_ =	sdelay $0x3  }
0x33: {  	p0 =	seq.s32 s10, $0x1;
	s10 =	sld [smem:$0x3FA0];
	_ =	sdelay $0x3  }
0x34: {  	[smem:$0x3FA0] =	sst s10  }
0x35: {  	s10 =	sld [smem:$0x3F9F];
	_ =	sdelay $0x3  }
0x36: {  	p1 =	seq.s32 s10, $0x1;
	s10 =	sld [smem:$0x3FA0];
	_ =	sdelay $0x3  }
0x37: {  	[smem:$0x3FA0] =	sst s10  }
0x38: {  	s10 =	sld [smem:$0x3FA1]  }
0x39: {  	_ = 	snop;
	(pc) =	sbr.ind lr, $3  }
0x3a: {  	_ = 	snop  }
0x3b: {  	_ = 	snop  }
0x3c: {  	p2 =	seq.s32 s10, $0x1;
	s10 =	sld [smem:$0x3FA0]  }
0x3d: {  	_ =	shalt  }
0x3e: {  	_ =	shalt  }
0x3f: {  	_ =	shalt  }
0x40: {  	_ =	shalt  }
0x41: {  	_ =	shalt  }
0x42: {  	_ =	shalt  }
0x43: {  	_ =	shalt  }
0x44: {  	_ =	shalt  }
0x45: {  	_ =	shalt  }
0x46: {  	_ =	shalt  }
0x47: {  	_ =	shalt  }
0x48: {  	_ =	shalt  }
0x49: {  	_ =	shalt  }
0x4a: {  	_ =	shalt  }
0x4b: {  	_ =	shalt  }
0x4c: {  	_ =	shalt  }
0x4d: {  	_ =	shalt  }
0x4e: {  	_ =	shalt  }
0x4f: {  	_ =	shalt  }
0x50: {  	_ =	shalt  }
0x51: {  	_ =	shalt  }
0x52: {  	_ =	shalt  }
0x53: {  	_ =	shalt  }
0x54: {  	_ =	shalt  }
0x55: {  	_ =	shalt  }
0x56: {  	_ =	shalt  }
0x57: {  	_ =	shalt  }
0x58: {  	_ =	shalt  }
0x59: {  	_ =	shalt  }
0x5a: {  	_ =	shalt  }
0x5b: {  	_ =	shalt  }
0x5c: {  	_ =	shalt  }
0x5d: {  	_ =	shalt  }
0x5e: {  	_ =	shalt  }
0x5f: {  	_ =	shalt  }
0x60: {  	_ =	shalt  }
0x61: {  	_ =	shalt  }
0x62: {  	_ =	shalt  }
0x63: {  	_ =	shalt  }
0x64: {  	_ =	shalt  }
0x65: {  	_ =	shalt  }
0x66: {  	_ =	shalt  }
0x67: {  	_ =	shalt  }
0x68: {  	_ =	shalt  }
0x69: {  	_ =	shalt  }
0x6a: {  	_ =	shalt  }
0x6b: {  	_ =	shalt  }
0x6c: {  	_ =	shalt  }
0x6d: {  	_ =	shalt  }
0x6e: {  	_ =	shalt  }
0x6f: {  	_ =	shalt  }
0x70: {  	_ =	shalt  }
0x71: {  	_ =	shalt  }
0x72: {  	_ =	shalt  }
0x73: {  	_ =	shalt  }
0x74: {  	_ =	shalt  }
0x75: {  	_ =	shalt  }
0x76: {  	_ =	shalt  }
0x77: {  	_ =	shalt  }
0x78: {  	_ =	shalt  }
0x79: {  	_ =	shalt  }
0x7a: {  	_ =	shalt  }
0x7b: {  	_ =	shalt  }
0x7c: {  	_ =	shalt  }
0x7d: {  	_ =	shalt  }
0x7e: {  	_ =	shalt  }
0x7f: {  	_ =	shalt  }
0x80: {  	_ =	shalt  }
0x81: {  	_ =	shalt  }
0x82: {  	_ =	shalt  }
0x83: {  	_ =	shalt  }
0x84: {  	_ =	shalt  }
0x85: {  	_ =	shalt  }
0x86: {  	_ =	shalt  }
0x87: {  	_ =	shalt  }
.Lfunc_end0:
.L_simem_size_0:
called_computation_lowered:
.L_overlay_start_0:
0x88: {  	s2 =	sld [smem:$0x3FD9]  }
0x89: {  	s3 =	sld [smem:$0x3FFE];
	_ =	sdelay $0x1  }
0x8a: {  	s1 =	srdreg.scid  }
0x8b: {  	s0 =	sand.u32 $0x1, s1  }
0x8c: {  	s14 =	sshll.u32 s0, $0xA;
	s2 =	sadd.s32 s3, s2  }
0x8d: {  	s2 =	sadd.s32 s2, s14  }
0x8e: {  	[smem:$0x3FAC] =	sst s2  }
0x8f: {  	_ = 	snop  }
0x90: {  	s2 =	sld [smem:$0x3FD0];
	_ =	sdelay $0x2  }
0x91: {  	s15 =	simm.s32 $0xA;
	s4 =	simm.s32 $0x10  }
0x92: {  	[smem:s4], [sflag:s15] =	dma.local [hbm:s2], $0x1  }
0x93: {  	_ =	swait.eq [sflag:s15], $0x1  }
0x94: {  	[sflag:s15] =	ssyncset.done $0x0  }
0x95: {  	s16 =	sld [smem:$0x10];
	[sflag:s15] =	ssyncadd.s32 $0xFFFFFFFF  }
0x96: {  	s17 =	sld [smem:$0x11];
	(tm) =	ssettm $0x1  }
0x97: {  	s18 =	sld [smem:$0x3FFB];
	_ =	sdelay $0x3  }
0x98: {  	_ =	strace s18  }
0x99: {  	s4 =	sld [smem:$0x3FFC];
	_ =	sdelay $0x3  }
0x9a: {  	_ =	strace s4  }
0x9b: {  	s4 =	sld [smem:$0x3FFD];
	_ =	sdelay $0x3  }
0x9c: {  	_ =	strace s4  }
0x9d: {  	_ =	strace $0x8FFFFFFF  }
0x9e: {  	s19 =	sld [smem:$0x3FDB];
	_ =	sdelay $0x1  }
0x9f: {  	s5 =	simm.s32 $_scs_section_size  }
0xa0: {  	s6 =	simm.s32 $_size__tile_overlayer_lowered;
	s7 =	simm.s32 $_tile_overlayer_lowered  }
0xa1: {  	s22 =	simm.s32 $0x1BFF;
	s21 =	sshll.u32 s7, $0x1;
	s4 =	sadd.s32 s5, s19  }
0xa2: {  	s8 =	simm.s32 $0x0;
	s20 =	sshll.u32 s6, $0x1;
	s6 =	sadd.s32 s21, s4  }
0xa3: {  	[timem:s8], [sflag:s22] =	dma.local [hbm:s6], s20  }
0xa4: {  	_ =	swait.ge [sflag:s22], s20  }
0xa5: {  	s5 =	ssub.s32 $0x0, s20;
	[sflag:s22] =	ssyncset.done $0x0  }
0xa6: {  	[sflag:s22] =	ssyncadd.s32 s5;
	_ =	sdelay $0x1  }
0xa7: {  	s23 =	simm.s32 $0x1B8B  }
0xa8: {  	_ =	swait.ge [sflag:s23], $0x1  }
0xa9: {  	[sflag:s23] =	ssyncset.done $0x0  }
0xaa: {  	s25 =	simm.s32 $0x1B8E;
	s24 =	sld [smem:$0x3FFE];
	[sflag:s23] =	ssyncadd.s32 $0xFFFFFFFF  }
0xab: {  	s26 =	simm.s32 $execute0_lowered;
	[smem:$0x3FD2] =	sst s25  }
0xac: {  	s6 =	sshll.u32 s26, $0x1;
	_ =	strace $0x80000046;
	[dreg:$0x1] =	wrdreg $0xFFFFFFFF  }
0xad: {  	s28 =	simm.s32 $_size_execute0_lowered;
	s4 =	sadd.s32 s4, s6;
	[dreg:$0x0] =	wrdreg $0x0  }
0xae: {  	s6 =	sshll.u32 s28, $0x1;
	[dreg:$0x2] =	wrdreg s4  }
0xaf: {  	[dreg:$0x3] =	wrdreg s6  }
0xb0: {  	[dreg:$0x4] =	wrdreg $0xC0  }
0xb1: {  	_ =	task [dreg:s8], $0x5FFFF  }
0xb2: {  	[dreg:$0x1] =	wrdreg $0xFFFFFFFF  }
0xb3: {  	[dreg:$0x0] =	wrdreg $0x60  }
0xb4: {  	[dreg:$0x2] =	wrdreg s24  }
0xb5: {  	[dreg:$0x3] =	wrdreg s17  }
0xb6: {  	[dreg:$0x4] =	wrdreg s16  }
0xb7: {  	[dreg:$0x5] =	wrdreg $0xCE100  }
0xb8: {  	[dreg:$0x6] =	wrdreg $0x9  }
0xb9: {  	_ =	task.clear_ibuf [dreg:s8], $0x7FFFF;
	_ =	strace $0x90000046  }
0xba: {  	s29 =	simm.s32 $0x9;
	_ =	strace $0x80000048  }
0xbb: {  	_ =	swait.ge [sflag:s29], $0x1  }
0xbc: {  	[sflag:s29] =	ssyncadd.s32 $0xFFFFFFFF  }
0xbd: {  	_ =	strace $0x90000048  }
0xbe: {  	_ =	sfence  }
0xbf: {  	s30 =	sld [smem:$0x0];
	_ =	sdelay $0x2  }
0xc0: {  	s31 =	sshll.u32 s1, $0xD;
	s1 =	sshrl.u32 s1, $0x2  }
0xc1: {  	s3 =	sand.u32 $0x4000, s31;
	s1 =	sadd.s32 s1, s30  }
0xc2: {  	s0 =	sor.u32 s3, s0;
	s1 =	sshll.u32 s1, $0x11  }
0xc3: {  	s0 =	sor.u32 s1, s0  }
0xc4: {  	s0 =	sadd.s32 $0x8F2B, s0  }
0xc5: {  	[sflag:s0] =	ssyncadd.remote.s32 $0x1  }
0xc6: {  	_ =	sfence.sel $0xFFFF  }
0xc7: {  	[dreg:$0x0] =	wrdreg $0xFFFFFFFF;
	(pc) =	sbr.abs _section_cstart, $3  }
0xc8: {  	[dreg:$0x1] =	wrdreg $0xFFFFFFFF  }
0xc9: {  	_ =	task.clear_ibuf [dreg:s8], $0x2FFFF;
	_ =	strace $0x9FFFFFFF  }
0xca: {  	(tm) =	ssettm $0x7FFFFFFF  }
0xcb: {  	_ =	shalt  }
tec
execute0_lowered:
.L_overlay_start_1:
0x0: {  	(tag) =	ssettag $0x1  }
0x1: {  	s1 =	rddreg [dreg:$0x0]  }
0x2: {  	s2 =	rddreg [dreg:$0x1]  }
0x3: {  	s3 =	rddreg [dreg:$0x2]  }
0x4: {  	s4 =	rddreg [dreg:$0x3]  }
0x5: {  	s0 =	rddreg [dreg:$0x4]  }
0x6: {  	s5 =	simm.s32 $0x0;
	s6 =	srdreg.scid;
	s20 =	simm.s32 $0x1  }
0x7: {  	s21 =	simm.s32 $0xC610;
	s22 =	simm.s32 $0x100;
	s23 =	simm.s32 $0xC510  }
0x8: {  	[smem:$0x7FF] =	sst s5;
	s9 =	sand.u32 $0x1, s6;
	s7 =	sadd.s32 $0x18800, s1  }
0x9: {  	s6 =	stileid.u32;
	s8 =	sadd.s32 $0x31000, s1;
	s13 =	sadd.s32 $0x32A00, s1  }
0xa: {  	s17 =	sadd.s32 $0x5BA40, s4;
	_ =	strace $0x80000047;
	s12 =	smul.u32 $0x18700, s6  }
0xb: {  	s10 =	ssub.s32 $0x2, s9;
	s24 =	sshll.u32 s9, $0x4;
	s26 =	smul.u32 $0x61A80, s9  }
0xc: {  	s15 =	smul.u32 $0x61C0, s6;
	p0 =	seq.s32 s6, $0xF;
	s11 =	sshrl.u32 s10, $0x1  }
0xd: {  	s24 =	sor.u32 s6, s24;
	s17 =	sshrl.u32 @p0 s17, $0x3;
	s14 =	ssub.s32 s10, s11  }
0xe: {  	s25 =	sshrl.u32 s12, $0x2;
	s28 =	sshll.u32 s24, $0x5;
	s9 =	smul.u32 $0x6100, s24  }
0xf: {  	s16 =	sadd.s32 s15, s26;
	s18 =	sshrl.u32 s26, $0x3;
	p1 =	sgt.u32 s24, $0x14  }
0x10: {  	s19 =	sadd.s32 s25, s4;
	s29 =	sor.u32 $0x18400, s28;
	s30 =	sshrl.u32 s16, $0x3  }
.Ltmp0:
0x11: {  	s31 =	sadd.s32 s13, s18;
	s25 =	sadd.s32 s15, s4;
	(pc) =	sbr.rel .LBB2_1-.Ltmp0, $4  }
0x12: {  	s14 =	smax.u32 s14, $0x1;
	s15 =	simm.s32 $0x2;
	s16 =	simm.s32 $0xC350  }
0x13: {  	s18 =	sshll.u32 @!p0 s6, $0x6;
	s10 =	sadd.s32 s7, s29;
	s11 =	sadd.s32 s1, s29  }
0x14: {  	v0 =	vlaneseq.u32;
	s12 =	sadd.s32 s13, s30;
	s13 =	sadd.s32 $0xB748, s31;
	s18 =	sor.u32 @!p0 $0x1C02, s18  }
0x15: {  	v0 =	vmul.u32 $0x8, v0;
	s19 =	sshrl.u32 @!p0 s19, $0x3;
	s24 =	sshrl.u32 @!p0 s25, $0x3;
	s25 =	simm.s32 $0x0  }
.LBB2_9:
0x16: {  	[bflag:$0x0] =	sbarrier.arrive $0xFFFF;
	s26 =	simm.s32 @p0 $0x1FC2  }
0x17: {  	[hbm:s13], [sflag:s26] =	dma.local @p0 [spmem:s17], $0xC08  }
0x18: {  	s26 =	simm.s32 @p0 $0x2  }
0x19: {  	s25 =	sadd.s32 $0x1, s25;
	_ =	swait.ge @p0 [sflag:s26], $0xC08  }
0x1a: {  	p2 =	sne.s32 s25, s14;
	[sflag:s26] =	ssyncset.done @p0 $0x0  }
.Ltmp1:
0x1b: {  	[sflag:s26] =	ssyncadd.s32 @p0 $0xFFFFF3F8;
	s26 =	simm.s32 @!p0 $0x2;
	(pc) =	sbr.rel @!p2 .LBB2_10-.Ltmp1, $4  }
0x1c: {  	[hbm:s12], [sflag:s18] =	dma.local @!p0 [spmem:s24], $0xC38  }
0x1d: {  	_ =	swait.ge @!p0 [sflag:s26], $0xC38  }
0x1e: {  	[sflag:s26] =	ssyncset.done @!p0 $0x0  }
0x1f: {  	[sflag:s26] =	ssyncadd.s32 @!p0 $0xFFFFF3C8  }
.LBB2_1:
0x20: {  	[tilespmem:s5], [sflag:$0x2] =	stream.linear.gather [hbm4b:s8+s5], $0xC350, $0x38;
	[tilespmem:$0x12FB8] =	vst v63  }
0x21: {  	_ =	swait.ge [sflag:s15], $0xC350  }
0x22: {  	[sflag:s15] =	ssyncset.done $0x0  }
0x23: {  	[sflag:s15] =	ssyncadd.s32 $0xFFFF3CB0  }
0x24: {  	[tilespmem:s16], [sflag:$0x2] =	stream.linear.gather [hbm4b:s2+s5], $0xC0, $0x38;
	[tilespmem:$0x12FB8] =	vst v63  }
0x25: {  	_ =	swait.ge [sflag:s15], $0xC0  }
0x26: {  	[sflag:s15] =	ssyncset.done $0x0  }
0x27: {  	s26 =	simm.s32 @p0 $0x1FC2;
	[sflag:s15] =	ssyncadd.s32 $0xFFFFFF40  }
0x28: {  	[spmem:s17], [sflag:s26] =	dma.local @p0 [hbm:s3], $0xC08  }
0x29: {  	s26 =	simm.s32 @p0 $0x2  }
0x2a: {  	_ =	swait.ge @p0 [sflag:s26], $0xC08  }
0x2b: {  	[sflag:s26] =	ssyncset.done @p0 $0x0  }
0x2c: {  	[sflag:s26] =	ssyncadd.s32 @p0 $0xFFFFF3F8;
	s26 =	simm.s32 @!p0 $0x2  }
0x2d: {  	[spmem:s19], [sflag:s18] =	dma.local @!p0 [hbm:s3], $0xC38  }
0x2e: {  	_ =	swait.ge @!p0 [sflag:s26], $0xC38  }
0x2f: {  	[sflag:s26] =	ssyncset.done @!p0 $0x0  }
0x30: {  	[sflag:s26] =	ssyncadd.s32 @!p0 $0xFFFFF3C8  }
0x31: {  	s26 =	simm.s32 $0x0;
	[bflag:$0x0] =	sbarrier.arrive $0xFFFF  }
.LBB2_2:
0x32: {  	s28 =	sshll.u32 s26, $0x8  }
0x33: {  	s28 =	sadd.s32 s9, s28  }
0x34: {  	s29 =	sshrl.u32 s28, $0x3  }
0x35: {  	s31 =	simm.s32 $0x0;
	s28 =	simm.s32 $0xC410;
	s30 =	sadd.s32 s7, s29  }
0x36: {  	[tilespmem:s28], [sflag:$0x1] =	stream.linear.gather [hbm4b:s30+s31], $0x100, $0x38;
	[tilespmem:$0x12FB8] =	vst v63  }
0x37: {  	s30 =	sadd.s32 s1, s29;
	s29 =	simm.s32 $0xC510  }
0x38: {  	[tilespmem:s29], [sflag:$0x1] =	stream.linear.gather [hbm4b:s30+s31], $0x100, $0x38;
	[tilespmem:$0x12FB8] =	vst v63  }
0x39: {  	_ =	swait.ge [sflag:s20], $0x100  }
0x3a: {  	[sflag:s20] =	ssyncset.done $0x0  }
0x3b: {  	[sflag:s20] =	ssyncadd.s32 $0xFFFFFF00  }
0x3c: {  	_ =	swait.ge [sflag:s20], $0x100  }
0x3d: {  	[sflag:s20] =	ssyncset.done $0x0  }
0x3e: {  	[sflag:s20] =	ssyncadd.s32 $0xFFFFFF00  }
0x3f: {  	v1 =	vld [tilespmem:s28+$0x0]  }
0x40: {  	v2 =	vld [tilespmem:s29+$0x0];
	_ =	sdelay $0x4  }
0x41: {  	v3 =	vld [tilespmem:$0xC390]  }
0x42: {  	v4 =	vld [tilespmem:$0xC350]  }
0x43: {  	v1 =	vld.idx.msk [tilespmem:v1+s5+$0x0], $0xffff  }
0x44: {  	v2 =	vld.idx.msk [tilespmem:v2+s5+$0x0], $0xffff;
	_ =	sdelay $0x4  }
0x45: {  	v4 =	vmul.f32 v4, v1;
	v3 =	vmul.f32 v3, v2;
	_ =	sdelay $0x1  }
0x46: {  	v3 =	vadd.f32 v3, v4;
	v4 =	vld [tilespmem:$0xC3D0];
	_ =	sdelay $0x1  }
0x47: {  	v5 =	vmul.f32 $2.000000030e-01, v3;
	_ =	sdelay $0x1  }
0x48: {  	v3 =	vmax.f32 v3, v5  }
0x49: {  	v3 =	vsub.f32 v3, v4;
	_ =	sdelay $0x1  }
0x4a: {  	v3 =	vmul.f32 $1.442695020e+00, v3;
	_ =	sdelay $0x1  }
0x4b: {  	(erf) = vpow2.f32 v3;
	_ =	sdelay $0x3  }
0x4c: {  	v3 =	vmov s31  }
0x4d: {  	v3 =	vshll.u32 v3, $0x3  }
0x4e: {  	v3 =	vor.u32 v0, v3  }
0x4f: {  	v4 =	vor.u32 $0x4, v3;
	_ =	sdelay $0x1  }
0x50: {  	v5 =	vpop (erf)  }
0x51: {  	v6 =	vmul.f32 v5, v1  }
0x52: {  	[tilespmem:v3+s21+$0x0] =	vst.idx.msk $0xffff, v5  }
0x53: {  	[tilespmem:v4+s21+$0x0] =	vst.idx.msk $0xffff, v6  }
0x54: {  	v4 =	vld [tilespmem:$0xC360]  }
0x55: {  	v5 =	vld [tilespmem:$0xC3A0];
	_ =	sdelay $0x4  }
0x56: {  	v4 =	vmul.f32 v4, v1;
	v5 =	vmul.f32 v5, v2;
	_ =	sdelay $0x1  }
0x57: {  	v6 =	vld [tilespmem:$0xC3E0];
	v4 =	vadd.f32 v5, v4;
	_ =	sdelay $0x1  }
0x58: {  	v5 =	vmul.f32 $2.000000030e-01, v4;
	_ =	sdelay $0x1  }
0x59: {  	v4 =	vmax.f32 v4, v5  }
0x5a: {  	v4 =	vsub.f32 v4, v6;
	_ =	sdelay $0x1  }
0x5b: {  	v4 =	vmul.f32 $1.442695020e+00, v4;
	_ =	sdelay $0x1  }
0x5c: {  	(erf) = vpow2.f32 v4;
	_ =	sdelay $0x5  }
0x5d: {  	v4 =	vor.u32 $0x1, v3  }
0x5e: {  	v5 =	vor.u32 $0x5, v3;
	_ =	sdelay $0x1  }
0x5f: {  	v6 =	vpop (erf)  }
0x60: {  	v7 =	vmul.f32 v6, v1  }
0x61: {  	[tilespmem:v4+s21+$0x0] =	vst.idx.msk $0xffff, v6  }
0x62: {  	[tilespmem:v5+s21+$0x0] =	vst.idx.msk $0xffff, v7  }
0x63: {  	v4 =	vld [tilespmem:$0xC370]  }
0x64: {  	v5 =	vld [tilespmem:$0xC3B0];
	_ =	sdelay $0x4  }
0x65: {  	v4 =	vmul.f32 v4, v1;
	v5 =	vmul.f32 v5, v2;
	_ =	sdelay $0x1  }
0x66: {  	v6 =	vld [tilespmem:$0xC3F0];
	v4 =	vadd.f32 v5, v4;
	_ =	sdelay $0x1  }
0x67: {  	v5 =	vmul.f32 $2.000000030e-01, v4;
	_ =	sdelay $0x1  }
0x68: {  	v4 =	vmax.f32 v4, v5  }
0x69: {  	v4 =	vsub.f32 v4, v6;
	_ =	sdelay $0x1  }
0x6a: {  	v4 =	vmul.f32 $1.442695020e+00, v4;
	_ =	sdelay $0x1  }
0x6b: {  	(erf) = vpow2.f32 v4;
	_ =	sdelay $0x5  }
0x6c: {  	v4 =	vor.u32 $0x2, v3  }
0x6d: {  	v5 =	vor.u32 $0x6, v3;
	_ =	sdelay $0x1  }
0x6e: {  	v6 =	vpop (erf)  }
0x6f: {  	v7 =	vmul.f32 v6, v1  }
0x70: {  	[tilespmem:v4+s21+$0x0] =	vst.idx.msk $0xffff, v6  }
0x71: {  	[tilespmem:v5+s21+$0x0] =	vst.idx.msk $0xffff, v7  }
0x72: {  	v4 =	vld [tilespmem:$0xC380]  }
0x73: {  	v5 =	vld [tilespmem:$0xC3C0];
	_ =	sdelay $0x4  }
0x74: {  	v4 =	vmul.f32 v4, v1;
	v2 =	vmul.f32 v5, v2;
	_ =	sdelay $0x1  }
0x75: {  	v5 =	vld [tilespmem:$0xC400];
	v2 =	vadd.f32 v2, v4;
	_ =	sdelay $0x1  }
0x76: {  	v4 =	vmul.f32 $2.000000030e-01, v2;
	_ =	sdelay $0x1  }
0x77: {  	v2 =	vmax.f32 v2, v4  }
0x78: {  	v2 =	vsub.f32 v2, v5;
	_ =	sdelay $0x1  }
0x79: {  	v2 =	vmul.f32 $1.442695020e+00, v2;
	_ =	sdelay $0x1  }
0x7a: {  	(erf) = vpow2.f32 v2;
	_ =	sdelay $0x3  }
0x7b: {  	s30 =	simm.s32 $0x10;
	v4 =	vor.u32 $0x3, v3;
	v2 =	vor.u32 $0x7, v3  }
.LBB2_3:
0x7c: {  	_ =	sdelay $0x3  }
0x7d: {  	p2 =	sne.s32 s30, $0xF0;
	s28 =	sadd.s32 $0x10, s28;
	s29 =	sadd.s32 $0x10, s29;
	v3 =	vpop (erf)  }
0x7e: {  	s31 =	smov.u32 s30;
	s30 =	sadd.s32 $0x10, s30;
	[tilespmem:v4+s21+$0x0] =	vst.idx.msk $0xffff, v3;
	v1 =	vmul.f32 v3, v1;
	_ =	sdelay $0x1  }
0x7f: {  	[tilespmem:v2+s21+$0x0] =	vst.idx.msk $0xffff, v1  }
0x80: {  	v1 =	vld [tilespmem:s28+$0x0]  }
0x81: {  	v2 =	vld [tilespmem:s29+$0x0];
	_ =	sdelay $0x5  }
0x82: {  	v3 =	vld [tilespmem:$0xC390]  }
0x83: {  	v1 =	vld.idx.msk [tilespmem:v1+s5+$0x0], $0xffff  }
0x84: {  	v2 =	vld.idx.msk [tilespmem:v2+s5+$0x0], $0xffff  }
0x85: {  	v4 =	vld [tilespmem:$0xC350];
	_ =	sdelay $0x4  }
0x86: {  	v3 =	vmul.f32 v3, v2;
	v4 =	vmul.f32 v4, v1;
	_ =	sdelay $0x1  }
0x87: {  	v3 =	vadd.f32 v3, v4;
	v4 =	vld [tilespmem:$0xC3D0];
	_ =	sdelay $0x1  }
0x88: {  	v5 =	vmul.f32 $2.000000030e-01, v3;
	_ =	sdelay $0x1  }
0x89: {  	v3 =	vmax.f32 v3, v5  }
0x8a: {  	v3 =	vsub.f32 v3, v4;
	_ =	sdelay $0x1  }
0x8b: {  	v3 =	vmul.f32 $1.442695020e+00, v3;
	_ =	sdelay $0x1  }
0x8c: {  	(erf) = vpow2.f32 v3;
	_ =	sdelay $0x3  }
0x8d: {  	v3 =	vmov s31  }
0x8e: {  	v3 =	vshll.u32 v3, $0x3  }
0x8f: {  	v3 =	vor.u32 v0, v3  }
0x90: {  	v4 =	vor.u32 $0x4, v3;
	_ =	sdelay $0x1  }
0x91: {  	v5 =	vpop (erf)  }
0x92: {  	v6 =	vmul.f32 v5, v1  }
0x93: {  	[tilespmem:v3+s21+$0x0] =	vst.idx.msk $0xffff, v5  }
0x94: {  	[tilespmem:v4+s21+$0x0] =	vst.idx.msk $0xffff, v6  }
0x95: {  	v4 =	vld [tilespmem:$0xC360]  }
0x96: {  	v5 =	vld [tilespmem:$0xC3A0];
	_ =	sdelay $0x3  }
0x97: {  	v4 =	vmul.f32 v4, v1  }
0x98: {  	v5 =	vmul.f32 v5, v2  }
0x99: {  	v6 =	vld [tilespmem:$0xC3E0]  }
0x9a: {  	v4 =	vadd.f32 v5, v4;
	_ =	sdelay $0x1  }
0x9b: {  	v5 =	vmul.f32 $2.000000030e-01, v4;
	_ =	sdelay $0x1  }
0x9c: {  	v4 =	vmax.f32 v4, v5  }
0x9d: {  	v4 =	vsub.f32 v4, v6;
	_ =	sdelay $0x1  }
0x9e: {  	v4 =	vmul.f32 $1.442695020e+00, v4;
	_ =	sdelay $0x1  }
0x9f: {  	(erf) = vpow2.f32 v4;
	_ =	sdelay $0x4  }
0xa0: {  	v4 =	vor.u32 $0x1, v3  }
0xa1: {  	v5 =	vor.u32 $0x5, v3;
	_ =	sdelay $0x2  }
0xa2: {  	v6 =	vpop (erf)  }
0xa3: {  	[tilespmem:v4+s21+$0x0] =	vst.idx.msk $0xffff, v6;
	v4 =	vmul.f32 v6, v1;
	_ =	sdelay $0x1  }
0xa4: {  	[tilespmem:v5+s21+$0x0] =	vst.idx.msk $0xffff, v4  }
0xa5: {  	v4 =	vld [tilespmem:$0xC370]  }
0xa6: {  	v5 =	vld [tilespmem:$0xC3B0];
	_ =	sdelay $0x3  }
0xa7: {  	v4 =	vmul.f32 v4, v1  }
0xa8: {  	v5 =	vmul.f32 v5, v2;
	v6 =	vld [tilespmem:$0xC3F0];
	_ =	sdelay $0x1  }
0xa9: {  	v4 =	vadd.f32 v5, v4;
	_ =	sdelay $0x1  }
0xaa: {  	v5 =	vmul.f32 $2.000000030e-01, v4;
	_ =	sdelay $0x1  }
0xab: {  	v4 =	vmax.f32 v4, v5  }
0xac: {  	v4 =	vsub.f32 v4, v6;
	_ =	sdelay $0x1  }
0xad: {  	v4 =	vmul.f32 $1.442695020e+00, v4;
	_ =	sdelay $0x1  }
0xae: {  	(erf) = vpow2.f32 v4;
	_ =	sdelay $0x3  }
0xaf: {  	v4 =	vor.u32 $0x2, v3  }
0xb0: {  	v5 =	vor.u32 $0x6, v3;
	_ =	sdelay $0x3  }
0xb1: {  	v6 =	vpop (erf)  }
0xb2: {  	[tilespmem:v4+s21+$0x0] =	vst.idx.msk $0xffff, v6;
	v4 =	vmul.f32 v6, v1;
	_ =	sdelay $0x1  }
0xb3: {  	[tilespmem:v5+s21+$0x0] =	vst.idx.msk $0xffff, v4  }
0xb4: {  	v4 =	vld [tilespmem:$0xC380]  }
0xb5: {  	v5 =	vld [tilespmem:$0xC3C0]  }
0xb6: {  	v6 =	vld [tilespmem:$0xC400];
	_ =	sdelay $0x2  }
0xb7: {  	v4 =	vmul.f32 v4, v1  }
0xb8: {  	v2 =	vmul.f32 v5, v2;
	_ =	sdelay $0x1  }
0xb9: {  	v2 =	vadd.f32 v2, v4;
	_ =	sdelay $0x1  }
0xba: {  	v4 =	vmul.f32 $2.000000030e-01, v2;
	_ =	sdelay $0x1  }
0xbb: {  	v2 =	vmax.f32 v2, v4  }
0xbc: {  	v2 =	vsub.f32 v2, v6;
	_ =	sdelay $0x1  }
0xbd: {  	v2 =	vmul.f32 $1.442695020e+00, v2;
	_ =	sdelay $0x1  }
.Ltmp2:
0xbe: {  	(erf) = vpow2.f32 v2;
	(pc) =	sbr.rel @p2 .LBB2_3-.Ltmp2, $3  }
0xbf: {  	_ =	sdelay $0x1  }
0xc0: {  	v4 =	vor.u32 $0x3, v3  }
0xc1: {  	v2 =	vor.u32 $0x7, v3  }
0xc2: {  	_ =	sdelay $0x3  }
0xc3: {  	v3 =	vpop (erf)  }
0xc4: {  	s26 =	sadd.s32 $0x1, s26;
	v1 =	vmul.f32 v3, v1  }
0xc5: {  	p2 =	sne.s32 s26, $0x61;
	[tilespmem:v4+s21+$0x0] =	vst.idx.msk $0xffff, v3  }
.Ltmp3:
0xc6: {  	[tilespmem:v2+s21+$0x0] =	vst.idx.msk $0xffff, v1;
	(pc) =	sbr.rel @p2 .LBB2_2-.Ltmp3, $4  }
0xc7: {  	[spmem:s4] =	stream.indirect.scatter.add.f32 [tilespmem:s21], [sflag:$0x2], $0x8, s23, s22, $0xb8;
	[tilespmem:$0x12FB8] =	vst v63  }
0xc8: {  	_ =	swait.ge [sflag:s15], $0x800  }
0xc9: {  	[sflag:s15] =	ssyncset.done $0x0  }
0xca: {  	[sflag:s15] =	ssyncadd.s32 $0xFFFFF800  }
.Ltmp4:
0xcb: {  	(pc) =	sbr.rel @p1 .LBB2_9-.Ltmp4, $1  }
0xcc: {  	_ =	sdelay $0x3  }
0xcd: {  	s29 =	simm.s32 $0x0;
	s26 =	simm.s32 $0xC410  }
0xce: {  	[tilespmem:s26], [sflag:$0x1] =	stream.linear.gather [hbm4b:s10+s29], $0x100, $0x38;
	[tilespmem:$0x12FB8] =	vst v63  }
0xcf: {  	s28 =	simm.s32 $0xC510  }
0xd0: {  	[tilespmem:s28], [sflag:$0x1] =	stream.linear.gather [hbm4b:s11+s29], $0x100, $0x38;
	[tilespmem:$0x12FB8] =	vst v63  }
0xd1: {  	_ =	swait.ge [sflag:s20], $0x100  }
0xd2: {  	[sflag:s20] =	ssyncset.done $0x0  }
0xd3: {  	[sflag:s20] =	ssyncadd.s32 $0xFFFFFF00  }
0xd4: {  	_ =	swait.ge [sflag:s20], $0x100  }
0xd5: {  	[sflag:s20] =	ssyncset.done $0x0  }
0xd6: {  	[sflag:s20] =	ssyncadd.s32 $0xFFFFFF00  }
0xd7: {  	v1 =	vld [tilespmem:s26+$0x0]  }
0xd8: {  	v2 =	vld [tilespmem:s28+$0x0];
	_ =	sdelay $0x4  }
0xd9: {  	v3 =	vld [tilespmem:$0xC390]  }
0xda: {  	v4 =	vld [tilespmem:$0xC350]  }
0xdb: {  	v1 =	vld.idx.msk [tilespmem:v1+s5+$0x0], $0xffff  }
0xdc: {  	v2 =	vld.idx.msk [tilespmem:v2+s5+$0x0], $0xffff;
	_ =	sdelay $0x4  }
0xdd: {  	v4 =	vmul.f32 v4, v1;
	v3 =	vmul.f32 v3, v2;
	_ =	sdelay $0x1  }
0xde: {  	v3 =	vadd.f32 v3, v4;
	v4 =	vld [tilespmem:$0xC3D0];
	_ =	sdelay $0x1  }
0xdf: {  	v5 =	vmul.f32 $2.000000030e-01, v3;
	_ =	sdelay $0x1  }
0xe0: {  	v3 =	vmax.f32 v3, v5  }
0xe1: {  	v3 =	vsub.f32 v3, v4;
	_ =	sdelay $0x1  }
0xe2: {  	v3 =	vmul.f32 $1.442695020e+00, v3;
	_ =	sdelay $0x1  }
0xe3: {  	(erf) = vpow2.f32 v3;
	_ =	sdelay $0x3  }
0xe4: {  	v3 =	vmov s29  }
0xe5: {  	v3 =	vshll.u32 v3, $0x3  }
0xe6: {  	v3 =	vor.u32 v0, v3  }
0xe7: {  	v4 =	vor.u32 $0x4, v3;
	_ =	sdelay $0x1  }
0xe8: {  	v5 =	vpop (erf)  }
0xe9: {  	v6 =	vmul.f32 v5, v1  }
0xea: {  	[tilespmem:v3+s21+$0x0] =	vst.idx.msk $0xffff, v5  }
0xeb: {  	[tilespmem:v4+s21+$0x0] =	vst.idx.msk $0xffff, v6  }
0xec: {  	v4 =	vld [tilespmem:$0xC360]  }
0xed: {  	v5 =	vld [tilespmem:$0xC3A0];
	_ =	sdelay $0x4  }
0xee: {  	v4 =	vmul.f32 v4, v1;
	v5 =	vmul.f32 v5, v2;
	_ =	sdelay $0x1  }
0xef: {  	v6 =	vld [tilespmem:$0xC3E0];
	v4 =	vadd.f32 v5, v4;
	_ =	sdelay $0x1  }
0xf0: {  	v5 =	vmul.f32 $2.000000030e-01, v4;
	_ =	sdelay $0x1  }
0xf1: {  	v4 =	vmax.f32 v4, v5  }
0xf2: {  	v4 =	vsub.f32 v4, v6;
	_ =	sdelay $0x1  }
0xf3: {  	v4 =	vmul.f32 $1.442695020e+00, v4;
	_ =	sdelay $0x1  }
0xf4: {  	(erf) = vpow2.f32 v4;
	_ =	sdelay $0x5  }
0xf5: {  	v4 =	vor.u32 $0x1, v3  }
0xf6: {  	v5 =	vor.u32 $0x5, v3;
	_ =	sdelay $0x1  }
0xf7: {  	v6 =	vpop (erf)  }
0xf8: {  	v7 =	vmul.f32 v6, v1  }
0xf9: {  	[tilespmem:v4+s21+$0x0] =	vst.idx.msk $0xffff, v6  }
0xfa: {  	[tilespmem:v5+s21+$0x0] =	vst.idx.msk $0xffff, v7  }
0xfb: {  	v4 =	vld [tilespmem:$0xC370]  }
0xfc: {  	v5 =	vld [tilespmem:$0xC3B0];
	_ =	sdelay $0x4  }
0xfd: {  	v4 =	vmul.f32 v4, v1;
	v5 =	vmul.f32 v5, v2;
	_ =	sdelay $0x1  }
0xfe: {  	v6 =	vld [tilespmem:$0xC3F0];
	v4 =	vadd.f32 v5, v4;
	_ =	sdelay $0x1  }
0xff: {  	v5 =	vmul.f32 $2.000000030e-01, v4;
	_ =	sdelay $0x1  }
0x100: {  	v4 =	vmax.f32 v4, v5  }
0x101: {  	v4 =	vsub.f32 v4, v6;
	_ =	sdelay $0x1  }
0x102: {  	v4 =	vmul.f32 $1.442695020e+00, v4;
	_ =	sdelay $0x1  }
0x103: {  	(erf) = vpow2.f32 v4;
	_ =	sdelay $0x5  }
0x104: {  	v4 =	vor.u32 $0x2, v3  }
0x105: {  	v5 =	vor.u32 $0x6, v3;
	_ =	sdelay $0x1  }
0x106: {  	v6 =	vpop (erf)  }
0x107: {  	v7 =	vmul.f32 v6, v1  }
0x108: {  	[tilespmem:v4+s21+$0x0] =	vst.idx.msk $0xffff, v6  }
0x109: {  	[tilespmem:v5+s21+$0x0] =	vst.idx.msk $0xffff, v7  }
0x10a: {  	v4 =	vld [tilespmem:$0xC380]  }
0x10b: {  	v5 =	vld [tilespmem:$0xC3C0];
	_ =	sdelay $0x4  }
0x10c: {  	v4 =	vmul.f32 v4, v1;
	v2 =	vmul.f32 v5, v2;
	_ =	sdelay $0x1  }
0x10d: {  	v5 =	vld [tilespmem:$0xC400];
	v2 =	vadd.f32 v2, v4;
	_ =	sdelay $0x1  }
0x10e: {  	v4 =	vmul.f32 $2.000000030e-01, v2;
	_ =	sdelay $0x1  }
0x10f: {  	v2 =	vmax.f32 v2, v4  }
0x110: {  	v2 =	vsub.f32 v2, v5;
	_ =	sdelay $0x1  }
0x111: {  	v2 =	vmul.f32 $1.442695020e+00, v2;
	_ =	sdelay $0x1  }
0x112: {  	(erf) = vpow2.f32 v2;
	_ =	sdelay $0x3  }
0x113: {  	s29 =	simm.s32 $0x10;
	v4 =	vor.u32 $0x3, v3;
	v2 =	vor.u32 $0x7, v3  }
.LBB2_7:
0x114: {  	_ =	sdelay $0x3  }
0x115: {  	p2 =	sne.s32 s29, $0xF0;
	s26 =	sadd.s32 $0x10, s26;
	s28 =	sadd.s32 $0x10, s28;
	v3 =	vpop (erf)  }
0x116: {  	s30 =	smov.u32 s29;
	s29 =	sadd.s32 $0x10, s29;
	[tilespmem:v4+s21+$0x0] =	vst.idx.msk $0xffff, v3;
	v1 =	vmul.f32 v3, v1;
	_ =	sdelay $0x1  }
0x117: {  	[tilespmem:v2+s21+$0x0] =	vst.idx.msk $0xffff, v1  }
0x118: {  	v1 =	vld [tilespmem:s26+$0x0]  }
0x119: {  	v2 =	vld [tilespmem:s28+$0x0];
	_ =	sdelay $0x5  }
0x11a: {  	v3 =	vld [tilespmem:$0xC390]  }
0x11b: {  	v1 =	vld.idx.msk [tilespmem:v1+s5+$0x0], $0xffff  }
0x11c: {  	v2 =	vld.idx.msk [tilespmem:v2+s5+$0x0], $0xffff  }
0x11d: {  	v4 =	vld [tilespmem:$0xC350];
	_ =	sdelay $0x4  }
0x11e: {  	v3 =	vmul.f32 v3, v2;
	v4 =	vmul.f32 v4, v1;
	_ =	sdelay $0x1  }
0x11f: {  	v3 =	vadd.f32 v3, v4;
	v4 =	vld [tilespmem:$0xC3D0];
	_ =	sdelay $0x1  }
0x120: {  	v5 =	vmul.f32 $2.000000030e-01, v3;
	_ =	sdelay $0x1  }
0x121: {  	v3 =	vmax.f32 v3, v5  }
0x122: {  	v3 =	vsub.f32 v3, v4;
	_ =	sdelay $0x1  }
0x123: {  	v3 =	vmul.f32 $1.442695020e+00, v3;
	_ =	sdelay $0x1  }
0x124: {  	(erf) = vpow2.f32 v3;
	_ =	sdelay $0x3  }
0x125: {  	v3 =	vmov s30  }
0x126: {  	v3 =	vshll.u32 v3, $0x3  }
0x127: {  	v3 =	vor.u32 v0, v3  }
0x128: {  	v4 =	vor.u32 $0x4, v3;
	_ =	sdelay $0x1  }
0x129: {  	v5 =	vpop (erf)  }
0x12a: {  	v6 =	vmul.f32 v5, v1  }
0x12b: {  	[tilespmem:v3+s21+$0x0] =	vst.idx.msk $0xffff, v5  }
0x12c: {  	[tilespmem:v4+s21+$0x0] =	vst.idx.msk $0xffff, v6  }
0x12d: {  	v4 =	vld [tilespmem:$0xC360]  }
0x12e: {  	v5 =	vld [tilespmem:$0xC3A0];
	_ =	sdelay $0x3  }
0x12f: {  	v4 =	vmul.f32 v4, v1  }
0x130: {  	v5 =	vmul.f32 v5, v2  }
0x131: {  	v6 =	vld [tilespmem:$0xC3E0]  }
0x132: {  	v4 =	vadd.f32 v5, v4;
	_ =	sdelay $0x1  }
0x133: {  	v5 =	vmul.f32 $2.000000030e-01, v4;
	_ =	sdelay $0x1  }
0x134: {  	v4 =	vmax.f32 v4, v5  }
0x135: {  	v4 =	vsub.f32 v4, v6;
	_ =	sdelay $0x1  }
0x136: {  	v4 =	vmul.f32 $1.442695020e+00, v4;
	_ =	sdelay $0x1  }
0x137: {  	(erf) = vpow2.f32 v4;
	_ =	sdelay $0x4  }
0x138: {  	v4 =	vor.u32 $0x1, v3  }
0x139: {  	v5 =	vor.u32 $0x5, v3;
	_ =	sdelay $0x2  }
0x13a: {  	v6 =	vpop (erf)  }
0x13b: {  	[tilespmem:v4+s21+$0x0] =	vst.idx.msk $0xffff, v6;
	v4 =	vmul.f32 v6, v1;
	_ =	sdelay $0x1  }
0x13c: {  	[tilespmem:v5+s21+$0x0] =	vst.idx.msk $0xffff, v4  }
0x13d: {  	v4 =	vld [tilespmem:$0xC370]  }
0x13e: {  	v5 =	vld [tilespmem:$0xC3B0];
	_ =	sdelay $0x3  }
0x13f: {  	v4 =	vmul.f32 v4, v1  }
0x140: {  	v5 =	vmul.f32 v5, v2;
	v6 =	vld [tilespmem:$0xC3F0];
	_ =	sdelay $0x1  }
0x141: {  	v4 =	vadd.f32 v5, v4;
	_ =	sdelay $0x1  }
0x142: {  	v5 =	vmul.f32 $2.000000030e-01, v4;
	_ =	sdelay $0x1  }
0x143: {  	v4 =	vmax.f32 v4, v5  }
0x144: {  	v4 =	vsub.f32 v4, v6;
	_ =	sdelay $0x1  }
0x145: {  	v4 =	vmul.f32 $1.442695020e+00, v4;
	_ =	sdelay $0x1  }
0x146: {  	(erf) = vpow2.f32 v4;
	_ =	sdelay $0x3  }
0x147: {  	v4 =	vor.u32 $0x2, v3  }
0x148: {  	v5 =	vor.u32 $0x6, v3;
	_ =	sdelay $0x3  }
0x149: {  	v6 =	vpop (erf)  }
0x14a: {  	[tilespmem:v4+s21+$0x0] =	vst.idx.msk $0xffff, v6;
	v4 =	vmul.f32 v6, v1;
	_ =	sdelay $0x1  }
0x14b: {  	[tilespmem:v5+s21+$0x0] =	vst.idx.msk $0xffff, v4  }
0x14c: {  	v4 =	vld [tilespmem:$0xC380]  }
0x14d: {  	v5 =	vld [tilespmem:$0xC3C0]  }
0x14e: {  	v6 =	vld [tilespmem:$0xC400];
	_ =	sdelay $0x2  }
0x14f: {  	v4 =	vmul.f32 v4, v1  }
0x150: {  	v2 =	vmul.f32 v5, v2;
	_ =	sdelay $0x1  }
0x151: {  	v2 =	vadd.f32 v2, v4;
	_ =	sdelay $0x1  }
0x152: {  	v4 =	vmul.f32 $2.000000030e-01, v2;
	_ =	sdelay $0x1  }
0x153: {  	v2 =	vmax.f32 v2, v4  }
0x154: {  	v2 =	vsub.f32 v2, v6;
	_ =	sdelay $0x1  }
0x155: {  	v2 =	vmul.f32 $1.442695020e+00, v2;
	_ =	sdelay $0x1  }
.Ltmp5:
0x156: {  	(erf) = vpow2.f32 v2;
	(pc) =	sbr.rel @p2 .LBB2_7-.Ltmp5, $3  }
0x157: {  	_ =	sdelay $0x1  }
0x158: {  	v4 =	vor.u32 $0x3, v3  }
0x159: {  	v2 =	vor.u32 $0x7, v3  }
0x15a: {  	_ =	sdelay $0x3  }
0x15b: {  	v3 =	vpop (erf)  }
0x15c: {  	v1 =	vmul.f32 v3, v1  }
0x15d: {  	[tilespmem:v4+s21+$0x0] =	vst.idx.msk $0xffff, v3  }
.Ltmp6:
0x15e: {  	[tilespmem:v2+s21+$0x0] =	vst.idx.msk $0xffff, v1;
	(pc) =	sbr.rel .LBB2_9-.Ltmp6, $4  }
0x15f: {  	[spmem:s4] =	stream.indirect.scatter.add.f32 [tilespmem:s21], [sflag:$0x2], $0x8, s23, s22, $0xb8;
	[tilespmem:$0x12FB8] =	vst v63  }
0x160: {  	_ =	swait.ge [sflag:s15], $0x800  }
0x161: {  	[sflag:s15] =	ssyncset.done $0x0  }
0x162: {  	[sflag:s15] =	ssyncadd.s32 $0xFFFFF800  }
.LBB2_10:
0x163: {  	_ =	sfence.sel $0x180000  }
0x164: {  	[bflag:$0x0] =	sbarrier.arrive $0xFFFF  }
0x165: {  	p0 =	sne.s32 s6, $0x0;
	_ =	strace $0x90000047  }
0x166: {  	s0 =	sadd.s32 @!p0 $0x100000, s0;
	[bflag:$0x2] =	sbarrier.arrive $0xFFFF  }
0x167: {  	[sflag:s0] =	ssyncadd.tile.s32 @!p0 $0x1;
	_ =	shalt  }
.Lfunc_end2:
_tile_overlayer_lowered:
.L_overlay_start_2:
0x168: {  	(tag) =	ssettag $0x2  }
0x169: {  	s0 =	rddreg [dreg:$0x0];
	s2 =	stileid.u32  }
0x16a: {  	s1 =	rddreg [dreg:$0x1];
	p0 =	sne.s32 s2, $0x0  }
0x16b: {  	s3 =	rddreg [dreg:$0x2];
	[bflag:$0x3] =	sbarrier.arrive $0xFFFF;
	s2 =	simm.s32 @!p0 $0x1C02  }
0x16c: {  	[timem:s3], [sflag:s2] =	dma.local @!p0 [hbm:s0], s1  }
0x16d: {  	s0 =	simm.s32 @!p0 $0x2  }
0x16e: {  	_ =	swait.ge @!p0 [sflag:s0], s1  }
0x16f: {  	s1 =	ssub.s32 @!p0 $0x0, s1;
	[sflag:s0] =	ssyncset.done @!p0 $0x0  }
0x170: {  	[sflag:s0] =	ssyncadd.s32 @!p0 s1  }
0x171: {  	[bflag:$0x3] =	sbarrier.arrive $0xFFFF  }
0x172: {  	_ =	shalt  }

// kernel: kernel.7.cloned.1.call-start
scs
__scs_entry_jumppad:
0x0: {  	(pc) =	sbr.rel $0x88, $3  }
0x1: {  	(tag) =	ssettag $0x0;
	lr =	simm.s32 $0x1  }
0x2: {  	[smem:$0x3F85] =	sst lr;
	_ =	strace $0xD0000000  }
0x3: {  	_ = 	snop  }
0x4: {  	_ = 	snop  }
0x5: {  	_ = 	snop  }
0x6: {  	_ = 	snop  }
0x7: {  	_ = 	snop  }
__scs_overlays_trampoline_lowered:
0x8: {  	[smem:$0x3F94] =	sst s0  }
0x9: {  	[smem:$0x3F95] =	sst s1  }
0xa: {  	[smem:$0x3F96] =	sst s2  }
0xb: {  	[smem:$0x3F97] =	sst s3  }
0xc: {  	[smem:$0x3F98] =	sst s4  }
0xd: {  	[smem:$0x3F99] =	sst s5  }
0xe: {  	[smem:$0x3F9A] =	sst s6  }
0xf: {  	[smem:$0x3F9B] =	sst s7  }
0x10: {  	[smem:$0x3F9C] =	sst s8  }
0x11: {  	[smem:$0x3F9D] =	sst s9;
	s0 =	simm.s32 @!p0 $0x0  }
0x12: {  	s1 =	sld [smem:$0x3F83];
	s0 =	simm.s32 @p0 $0x1  }
0x13: {  	[smem:$0x3F9E] =	sst s0;
	s0 =	simm.s32 @!p1 $0x0  }
0x14: {  	s2 =	sld [smem:$0x3F82];
	s0 =	simm.s32 @p1 $0x1  }
0x15: {  	[smem:$0x3F9F] =	sst s0;
	s0 =	simm.s32 @!p2 $0x0  }
0x16: {  	s3 =	sld [smem:$0x3FDB];
	s0 =	simm.s32 @p2 $0x1  }
0x17: {  	s4 =	simm.s32 $0x1BF5;
	[smem:$0x3FA1] =	sst s0  }
0x18: {  	s0 =	sld [smem:$0x3F84];
	_ =	swait.ge [sflag:s4], $0x0  }
0x19: {  	s7 =	sld [smem:$0x3F85]  }
0x1a: {  	s8 =	sadd.s32 $0xFFFFE003, lr  }
0x1b: {  	s9 =	sadd.s32 $0xFFFFFEF7, lr;
	s5 =	simm.s32 $0xFFFFFFFF;
	p2 =	slt.u32 s8, $0xFFFFF086  }
0x1c: {  	p1 =	slt.u32 s9, $0xF7A;
	s5 =	simm.s32 @!p2 $0x0  }
0x1d: {  	s5 =	simm.s32 @p1 $0x1;
	p0 =	seq.s32 s7, s2  }
0x1e: {  	s7 =	smul.u32 @!p0 $0xF7A, s2;
	p2 =	seq.s32 @!p0 s5, $0x0  }
0x1f: {  	s9 =	smul.u32 $0xF7A, s1;
	s8 =	simm.s32 @!p0 $0x1BF5;
	p2 =	por !p2, p0  }
0x20: {  	[sflag:s8] =	ssyncset.s32 @!p0 $0xFFFFF086;
	s6 =	sadd.s32 @!p0 s3, s7;
	s7 =	simm.s32 @!p0 $0x108  }
0x21: {  	s3 =	sadd.s32 s3, s9;
	s6 =	sadd.s32 @!p0 $0x88, s6;
	s7 =	simm.s32 @p2 $0x1082  }
0x22: {  	[simem:s7], [sflag:s8] =	dma.local @!p0 [hbm:s6], $0xF7A  }
0x23: {  	s9 =	sor.u32 $0xD0000000, s2;
	s6 =	simm.s32 $0x108;
	_ =	swait.ge @!p0 [sflag:s8], $0x0  }
0x24: {  	s3 =	sadd.s32 $0x88, s3;
	s6 =	simm.s32 @!p1 $0x1082;
	[sflag:s4] =	ssyncset.s32 $0xFFFFF086  }
0x25: {  	[simem:s6], [sflag:s4] =	dma.local [hbm:s3], $0xF7A  }
0x26: {  	[smem:$0x3F85] =	sst s1;
	(tag) =	ssettag s2;
	_ =	strace s9  }
0x27: {  	s1 =	sld [smem:$0x3F95]  }
0x28: {  	s2 =	sld [smem:$0x3F96]  }
0x29: {  	s4 =	sld [smem:$0x3F98]  }
0x2a: {  	p0 =	seq.s32 s5, $0x0;
	s5 =	sld [smem:$0x3F99]  }
0x2b: {  	s6 =	sld [smem:$0x3F9A]  }
0x2c: {  	s7 =	sld [smem:$0x3F9B]  }
0x2d: {  	s3 =	simm.s32 $0x108;
	s8 =	sld [smem:$0x3F9C]  }
0x2e: {  	s3 =	simm.s32 @!p0 $0x1082;
	s9 =	sld [smem:$0x3F9D]  }
0x2f: {  	lr =	sadd.s32 s0, s3;
	s0 =	sld [smem:$0x3F94]  }
0x30: {  	s3 =	sld [smem:$0x3F97]  }
0x31: {  	[smem:$0x3FA0] =	sst s10  }
0x32: {  	s10 =	sld [smem:$0x3F9E];
	_ =	sdelay $0x3  }
0x33: {  	p0 =	seq.s32 s10, $0x1;
	s10 =	sld [smem:$0x3FA0];
	_ =	sdelay $0x3  }
0x34: {  	[smem:$0x3FA0] =	sst s10  }
0x35: {  	s10 =	sld [smem:$0x3F9F];
	_ =	sdelay $0x3  }
0x36: {  	p1 =	seq.s32 s10, $0x1;
	s10 =	sld [smem:$0x3FA0];
	_ =	sdelay $0x3  }
0x37: {  	[smem:$0x3FA0] =	sst s10  }
0x38: {  	s10 =	sld [smem:$0x3FA1]  }
0x39: {  	_ = 	snop;
	(pc) =	sbr.ind lr, $3  }
0x3a: {  	_ = 	snop  }
0x3b: {  	_ = 	snop  }
0x3c: {  	p2 =	seq.s32 s10, $0x1;
	s10 =	sld [smem:$0x3FA0]  }
0x3d: {  	_ =	shalt  }
0x3e: {  	_ =	shalt  }
0x3f: {  	_ =	shalt  }
0x40: {  	_ =	shalt  }
0x41: {  	_ =	shalt  }
0x42: {  	_ =	shalt  }
0x43: {  	_ =	shalt  }
0x44: {  	_ =	shalt  }
0x45: {  	_ =	shalt  }
0x46: {  	_ =	shalt  }
0x47: {  	_ =	shalt  }
0x48: {  	_ =	shalt  }
0x49: {  	_ =	shalt  }
0x4a: {  	_ =	shalt  }
0x4b: {  	_ =	shalt  }
0x4c: {  	_ =	shalt  }
0x4d: {  	_ =	shalt  }
0x4e: {  	_ =	shalt  }
0x4f: {  	_ =	shalt  }
0x50: {  	_ =	shalt  }
0x51: {  	_ =	shalt  }
0x52: {  	_ =	shalt  }
0x53: {  	_ =	shalt  }
0x54: {  	_ =	shalt  }
0x55: {  	_ =	shalt  }
0x56: {  	_ =	shalt  }
0x57: {  	_ =	shalt  }
0x58: {  	_ =	shalt  }
0x59: {  	_ =	shalt  }
0x5a: {  	_ =	shalt  }
0x5b: {  	_ =	shalt  }
0x5c: {  	_ =	shalt  }
0x5d: {  	_ =	shalt  }
0x5e: {  	_ =	shalt  }
0x5f: {  	_ =	shalt  }
0x60: {  	_ =	shalt  }
0x61: {  	_ =	shalt  }
0x62: {  	_ =	shalt  }
0x63: {  	_ =	shalt  }
0x64: {  	_ =	shalt  }
0x65: {  	_ =	shalt  }
0x66: {  	_ =	shalt  }
0x67: {  	_ =	shalt  }
0x68: {  	_ =	shalt  }
0x69: {  	_ =	shalt  }
0x6a: {  	_ =	shalt  }
0x6b: {  	_ =	shalt  }
0x6c: {  	_ =	shalt  }
0x6d: {  	_ =	shalt  }
0x6e: {  	_ =	shalt  }
0x6f: {  	_ =	shalt  }
0x70: {  	_ =	shalt  }
0x71: {  	_ =	shalt  }
0x72: {  	_ =	shalt  }
0x73: {  	_ =	shalt  }
0x74: {  	_ =	shalt  }
0x75: {  	_ =	shalt  }
0x76: {  	_ =	shalt  }
0x77: {  	_ =	shalt  }
0x78: {  	_ =	shalt  }
0x79: {  	_ =	shalt  }
0x7a: {  	_ =	shalt  }
0x7b: {  	_ =	shalt  }
0x7c: {  	_ =	shalt  }
0x7d: {  	_ =	shalt  }
0x7e: {  	_ =	shalt  }
0x7f: {  	_ =	shalt  }
0x80: {  	_ =	shalt  }
0x81: {  	_ =	shalt  }
0x82: {  	_ =	shalt  }
0x83: {  	_ =	shalt  }
0x84: {  	_ =	shalt  }
0x85: {  	_ =	shalt  }
0x86: {  	_ =	shalt  }
0x87: {  	_ =	shalt  }
.Lfunc_end0:
.L_simem_size_0:
called_computation.1_lowered:
.L_overlay_start_0:
0x88: {  	s2 =	sld [smem:$0x3FD9]  }
0x89: {  	s3 =	sld [smem:$0x3FFE];
	_ =	sdelay $0x1  }
0x8a: {  	s1 =	srdreg.scid  }
0x8b: {  	s0 =	sand.u32 $0x1, s1  }
0x8c: {  	s14 =	sshll.u32 s0, $0xA;
	s2 =	sadd.s32 s3, s2  }
0x8d: {  	s2 =	sadd.s32 s2, s14  }
0x8e: {  	[smem:$0x3FAC] =	sst s2  }
0x8f: {  	_ = 	snop  }
0x90: {  	s2 =	sld [smem:$0x3FD0];
	_ =	sdelay $0x2  }
0x91: {  	s15 =	simm.s32 $0xA;
	s4 =	simm.s32 $0x10  }
0x92: {  	[smem:s4], [sflag:s15] =	dma.local [hbm:s2], $0x1  }
0x93: {  	_ =	swait.eq [sflag:s15], $0x1  }
0x94: {  	[sflag:s15] =	ssyncset.done $0x0  }
0x95: {  	s16 =	sld [smem:$0x10];
	[sflag:s15] =	ssyncadd.s32 $0xFFFFFFFF  }
0x96: {  	s17 =	sld [smem:$0x12];
	(tm) =	ssettm $0x1  }
0x97: {  	s18 =	sld [smem:$0x3FFB];
	_ =	sdelay $0x3  }
0x98: {  	_ =	strace s18  }
0x99: {  	s4 =	sld [smem:$0x3FFC];
	_ =	sdelay $0x3  }
0x9a: {  	_ =	strace s4  }
0x9b: {  	s4 =	sld [smem:$0x3FFD];
	_ =	sdelay $0x3  }
0x9c: {  	_ =	strace s4  }
0x9d: {  	_ =	strace $0x8FFFFFFF  }
0x9e: {  	s19 =	sld [smem:$0x3FDB];
	_ =	sdelay $0x1  }
0x9f: {  	s5 =	simm.s32 $_scs_section_size  }
0xa0: {  	s6 =	simm.s32 $_size__tile_overlayer_lowered;
	s7 =	simm.s32 $_tile_overlayer_lowered  }
0xa1: {  	s22 =	simm.s32 $0x1BFF;
	s21 =	sshll.u32 s7, $0x1;
	s4 =	sadd.s32 s5, s19  }
0xa2: {  	s8 =	simm.s32 $0x0;
	s20 =	sshll.u32 s6, $0x1;
	s6 =	sadd.s32 s21, s4  }
0xa3: {  	[timem:s8], [sflag:s22] =	dma.local [hbm:s6], s20  }
0xa4: {  	_ =	swait.ge [sflag:s22], s20  }
0xa5: {  	s5 =	ssub.s32 $0x0, s20;
	[sflag:s22] =	ssyncset.done $0x0  }
0xa6: {  	[sflag:s22] =	ssyncadd.s32 s5;
	_ =	sdelay $0x1  }
0xa7: {  	s23 =	simm.s32 $0x1B8B  }
0xa8: {  	_ =	swait.ge [sflag:s23], $0x1  }
0xa9: {  	[sflag:s23] =	ssyncset.done $0x0  }
0xaa: {  	s25 =	simm.s32 $0x1B8E;
	s24 =	sld [smem:$0x3FFE];
	[sflag:s23] =	ssyncadd.s32 $0xFFFFFFFF  }
0xab: {  	s26 =	simm.s32 $execute0_lowered;
	[smem:$0x3FD2] =	sst s25  }
0xac: {  	s6 =	sshll.u32 s26, $0x1;
	_ =	strace $0x80000049;
	[dreg:$0x1] =	wrdreg $0xFFFFFFFF  }
0xad: {  	s28 =	simm.s32 $_size_execute0_lowered;
	s4 =	sadd.s32 s4, s6;
	[dreg:$0x0] =	wrdreg $0x0  }
0xae: {  	s6 =	sshll.u32 s28, $0x1;
	[dreg:$0x2] =	wrdreg s4  }
0xaf: {  	[dreg:$0x3] =	wrdreg s6  }
0xb0: {  	[dreg:$0x4] =	wrdreg $0xC0  }
0xb1: {  	_ =	task [dreg:s8], $0x5FFFF  }
0xb2: {  	[dreg:$0x1] =	wrdreg $0xFFFFFFFF  }
0xb3: {  	[dreg:$0x0] =	wrdreg $0x60  }
0xb4: {  	[dreg:$0x2] =	wrdreg s24  }
0xb5: {  	[dreg:$0x3] =	wrdreg s17  }
0xb6: {  	[dreg:$0x4] =	wrdreg s16  }
0xb7: {  	[dreg:$0x5] =	wrdreg $0x52200  }
0xb8: {  	[dreg:$0x6] =	wrdreg $0x9  }
0xb9: {  	_ =	task.clear_ibuf [dreg:s8], $0x7FFFF;
	_ =	strace $0x90000049  }
0xba: {  	s29 =	simm.s32 $0x9;
	_ =	strace $0x8000004B  }
0xbb: {  	_ =	swait.ge [sflag:s29], $0x1  }
0xbc: {  	[sflag:s29] =	ssyncadd.s32 $0xFFFFFFFF  }
0xbd: {  	_ =	strace $0x9000004B  }
0xbe: {  	_ =	sfence  }
0xbf: {  	s30 =	sld [smem:$0x0];
	_ =	sdelay $0x2  }
0xc0: {  	s31 =	sshll.u32 s1, $0xD;
	s1 =	sshrl.u32 s1, $0x2  }
0xc1: {  	s3 =	sand.u32 $0x4000, s31;
	s1 =	sadd.s32 s1, s30  }
0xc2: {  	s0 =	sor.u32 s3, s0;
	s1 =	sshll.u32 s1, $0x11  }
0xc3: {  	s0 =	sor.u32 s1, s0  }
0xc4: {  	s0 =	sadd.s32 $0x8F2B, s0  }
0xc5: {  	[sflag:s0] =	ssyncadd.remote.s32 $0x1  }
0xc6: {  	_ =	sfence.sel $0xFFFF  }
0xc7: {  	[dreg:$0x0] =	wrdreg $0xFFFFFFFF;
	(pc) =	sbr.abs _section_cstart, $3  }
0xc8: {  	[dreg:$0x1] =	wrdreg $0xFFFFFFFF  }
0xc9: {  	_ =	task.clear_ibuf [dreg:s8], $0x2FFFF;
	_ =	strace $0x9FFFFFFF  }
0xca: {  	(tm) =	ssettm $0x7FFFFFFF  }
0xcb: {  	_ =	shalt  }
tec
execute0_lowered:
.L_overlay_start_1:
0x0: {  	(tag) =	ssettag $0x1  }
0x1: {  	s1 =	rddreg [dreg:$0x0]  }
0x2: {  	s0 =	rddreg [dreg:$0x1]  }
0x3: {  	s2 =	rddreg [dreg:$0x2]  }
0x4: {  	s3 =	rddreg [dreg:$0x3];
	s4 =	simm.s32 $0x0  }
0x5: {  	s6 =	srdreg.scid;
	s22 =	simm.s32 $0x120;
	s23 =	simm.s32 $0x1  }
0x6: {  	s24 =	simm.s32 $0x100;
	s28 =	simm.s32 $0x220;
	s29 =	simm.s32 $0x3220  }
0x7: {  	s31 =	simm.s32 $0x0;
	[smem:$0x7FF] =	sst s4;
	s5 =	sadd.s32 $0x18800, s1  }
0x8: {  	s7 =	sadd.s32 $0x105C00, s1;
	s15 =	sadd.s32 $0x136A00, s1;
	s12 =	sand.u32 $0x1, s6  }
0x9: {  	s8 =	sadd.s32 $0x167800, s1;
	s6 =	stileid.u32;
	s17 =	sadd.s32 $0x38C00, s1  }
0xa: {  	s16 =	sadd.s32 $0x51400, s1;
	_ =	strace $0x8000004A;
	s11 =	smul.u32 $0x61C00, s6  }
0xb: {  	s9 =	ssub.s32 $0x2, s12;
	s26 =	sshll.u32 s12, $0x2;
	s14 =	smul.u32 $0x186A00, s12  }
0xc: {  	s13 =	sshll.u32 s6, $0x5;
	s19 =	smul.u32 $0x18700, s6;
	p1 =	seq.s32 s12, $0x1  }
0xd: {  	p0 =	seq.s32 s6, $0xF;
	s10 =	sshrl.u32 s9, $0x1;
	s13 =	sor.u32 $0x18600, s13  }
0xe: {  	s7 =	smov.u32 @p1 s15;
	s8 =	smov.u32 @p1 s17;
	s15 =	sshll.u32 @!p0 s6, $0x6  }
0xf: {  	s17 =	simm.s32 $0x2;
	p1 =	sgt.u32 s6, $0x4;
	s18 =	ssub.s32 s9, s10  }
0x10: {  	s9 =	sadd.s32 s0, s26;
	s30 =	sshrl.u32 s11, $0x2;
	s10 =	sadd.s32 $0x16E900, s3  }
0x11: {  	s11 =	smul.u32 $0xC300, s6;
	s12 =	sadd.s32 s5, s13;
	s20 =	sadd.s32 s19, s14  }
0x12: {  	s13 =	sadd.s32 s1, s13;
	s21 =	sshrl.u32 s14, $0x3;
	s25 =	sadd.s32 s19, s3  }
.Ltmp0:
0x13: {  	s19 =	sor.u32 @!p0 $0x1C02, s15;
	s26 =	simm.s32 $0x1220;
	(pc) =	sbr.rel .LBB2_1-.Ltmp0, $4  }
0x14: {  	s0 =	sadd.s32 s30, s3;
	s20 =	sshrl.u32 s20, $0x3;
	[dreg:$0x5] =	wrdreg s10  }
0x15: {  	s25 =	sshrl.u32 s25, $0x3;
	s14 =	sadd.s32 s16, s20;
	s16 =	sadd.s32 s16, s21  }
0x16: {  	s20 =	sshrl.u32 @!p0 s0, $0x3;
	s21 =	simm.s32 $0x20;
	s16 =	sadd.s32 $0x2DD20, s16  }
0x17: {  	v0 =	vlaneseq.u32;
	[dreg:$0x6] =	wrdreg s16;
	s16 =	smax.u32 s18, $0x1;
	s18 =	sshrl.u32 @p0 s10, $0x3  }
.LBB2_11:
0x18: {  	s0 =	rddreg [dreg:$0x5]  }
0x19: {  	s10 =	rddreg [dreg:$0x6];
	s15 =	simm.s32 $0x1FC2;
	s0 =	sshrl.u32 s0, $0x3  }
0x1a: {  	[hbm:s10], [sflag:s15] =	dma.local [spmem:s0], $0x3020  }
0x1b: {  	_ =	swait.ge [sflag:s17], $0x3020  }
0x1c: {  	[sflag:s17] =	ssyncset.done $0x0  }
0x1d: {  	[sflag:s17] =	ssyncadd.s32 $0xFFFFCFE0  }
.LBB2_12:
0x1e: {  	s31 =	sadd.s32 $0x1, s31  }
0x1f: {  	p2 =	sne.s32 s31, s16  }
.Ltmp1:
0x20: {  	_ = 	snop;
	(pc) =	sbr.rel @!p2 .LBB2_13-.Ltmp1, $1  }
0x21: {  	_ =	sdelay $0x3  }
.LBB2_1:
0x22: {  	[tilespmem:s4], [sflag:$0x2] =	stream.linear.gather [hbm4b:s9+s4], $0x20, $0x38;
	[tilespmem:$0x1D8C0] =	vst v63  }
0x23: {  	_ =	swait.ge [sflag:s17], $0x20  }
0x24: {  	[sflag:s17] =	ssyncset.done $0x0  }
0x25: {  	s0 =	simm.s32 @p0 $0x1FC2;
	[sflag:s17] =	ssyncadd.s32 $0xFFFFFFE0  }
0x26: {  	[spmem:s18], [sflag:s0] =	dma.local @p0 [hbm:s2], $0x3020  }
0x27: {  	s0 =	simm.s32 @p0 $0x2  }
0x28: {  	_ =	swait.ge @p0 [sflag:s0], $0x3020  }
0x29: {  	[sflag:s0] =	ssyncset.done @p0 $0x0  }
0x2a: {  	[sflag:s0] =	ssyncadd.s32 @p0 $0xFFFFCFE0;
	s0 =	simm.s32 @!p0 $0x2  }
0x2b: {  	[spmem:s20], [sflag:s19] =	dma.local @!p0 [hbm:s2], $0x30E0  }
0x2c: {  	_ =	swait.ge @!p0 [sflag:s0], $0x30E0  }
0x2d: {  	[sflag:s0] =	ssyncset.done @!p0 $0x0  }
0x2e: {  	[sflag:s0] =	ssyncadd.s32 @!p0 $0xFFFFCF20  }
0x2f: {  	s0 =	simm.s32 $0x0;
	[bflag:$0x0] =	sbarrier.arrive $0xFFFF  }
.LBB2_2:
0x30: {  	s15 =	sshll.u32 s0, $0x8  }
0x31: {  	s15 =	sadd.s32 s11, s15  }
0x32: {  	s15 =	sshrl.u32 s15, $0x3  }
0x33: {  	s10 =	simm.s32 $0x0;
	s30 =	sadd.s32 s5, s15  }
0x34: {  	[tilespmem:s21], [sflag:$0x1] =	stream.linear.gather [hbm4b:s30+s10], $0x100, $0x38;
	[tilespmem:$0x1D8C0] =	vst v63  }
0x35: {  	s15 =	sadd.s32 s1, s15  }
0x36: {  	[tilespmem:s22], [sflag:$0x1] =	stream.linear.gather [hbm4b:s15+s10], $0x100, $0x38;
	[tilespmem:$0x1D8C0] =	vst v63  }
0x37: {  	_ =	swait.ge [sflag:s23], $0x100  }
0x38: {  	[sflag:s23] =	ssyncset.done $0x0  }
0x39: {  	[sflag:s23] =	ssyncadd.s32 $0xFFFFFF00  }
0x3a: {  	_ =	swait.ge [sflag:s23], $0x100  }
0x3b: {  	[sflag:s23] =	ssyncset.done $0x0  }
0x3c: {  	[sflag:s23] =	ssyncadd.s32 $0xFFFFFF00  }
0x3d: {  	[tilespmem:s26], [sflag:$0x1] =	stream.indirect.gather [hbm4b:s7+s24], $0x20, s21, s24, $0xb8;
	[tilespmem:$0x1D8C0] =	vst v63  }
0x3e: {  	_ = 	snop  }
0x3f: {  	[tilespmem:s28], [sflag:$0x1] =	stream.indirect.gather [hbm4b:s8+s24], $0x10, s22, s24, $0xb8;
	[tilespmem:$0x1D8C0] =	vst v63  }
0x40: {  	v1 =	vor.u32 s10, v0;
	_ =	swait.ge [sflag:s23], $0x2000  }
0x41: {  	v3 =	vshll.u32 v1, $0x5;
	[sflag:s23] =	ssyncset.done $0x0  }
0x42: {  	v1 =	vshll.u32 v1, $0x4;
	[sflag:s23] =	ssyncadd.s32 $0xFFFFE000  }
0x43: {  	v4 =	vor.u32 $0x1, v3;
	_ =	swait.ge [sflag:s23], $0x1000  }
0x44: {  	v2 =	vor.u32 $0x1, v1;
	[sflag:s23] =	ssyncset.done $0x0  }
0x45: {  	[sflag:s23] =	ssyncadd.s32 $0xFFFFF000  }
0x46: {  	v5 =	vld.idx.msk [tilespmem:v3+s26+$0x0], $0xffff  }
0x47: {  	v1 =	vld.idx.msk [tilespmem:v1+s28+$0x0], $0xffff  }
0x48: {  	v6 =	vld.idx.msk [tilespmem:v4+s26+$0x0], $0xffff  }
0x49: {  	v2 =	vld.idx.msk [tilespmem:v2+s28+$0x0], $0xffff;
	_ =	sdelay $0x3  }
0x4a: {  	v1 =	vadd.f32 v5, v1;
	v5 =	vld [tilespmem:$0x0]  }
0x4b: {  	v2 =	vadd.f32 v6, v2;
	v6 =	vld [tilespmem:$0x10]  }
0x4c: {  	v7 =	vmul.f32 $2.000000030e-01, v1  }
0x4d: {  	v8 =	vmul.f32 $2.000000030e-01, v2  }
0x4e: {  	v1 =	vmax.f32 v1, v7  }
0x4f: {  	v2 =	vmax.f32 v2, v8;
	v1 =	vsub.f32 v1, v5  }
0x50: {  	v2 =	vsub.f32 v2, v6  }
0x51: {  	v1 =	vmul.f32 $1.442695020e+00, v1  }
0x52: {  	v2 =	vmul.f32 $1.442695020e+00, v2  }
0x53: {  	(erf) = vpow2.f32 v1  }
0x54: {  	(erf) = vpow2.f32 v2;
	_ =	sdelay $0x5  }
0x55: {  	v1 =	vor.u32 $0x2, v3;
	_ =	sdelay $0x1  }
0x56: {  	v5 =	vpop (erf)  }
0x57: {  	[tilespmem:v3+s29+$0x0] =	vst.idx.msk $0xffff, v5;
	v2 =	vpop (erf)  }
0x58: {  	[tilespmem:v4+s29+$0x0] =	vst.idx.msk $0xffff, v2  }
0x59: {  	v4 =	vld.idx.msk [tilespmem:v1+s26+$0x0], $0xffff;
	_ =	sdelay $0x2  }
0x5a: {  	v6 =	vor.u32 $0x3, v3;
	_ =	sdelay $0x1  }
0x5b: {  	v4 =	vmul.f32 v4, v5;
	_ =	sdelay $0x1  }
0x5c: {  	[tilespmem:v1+s29+$0x0] =	vst.idx.msk $0xffff, v4  }
0x5d: {  	v1 =	vld.idx.msk [tilespmem:v6+s26+$0x0], $0xffff;
	_ =	sdelay $0x2  }
0x5e: {  	v4 =	vor.u32 $0x4, v3;
	_ =	sdelay $0x1  }
0x5f: {  	v1 =	vmul.f32 v1, v5;
	_ =	sdelay $0x1  }
0x60: {  	[tilespmem:v6+s29+$0x0] =	vst.idx.msk $0xffff, v1  }
0x61: {  	v1 =	vld.idx.msk [tilespmem:v4+s26+$0x0], $0xffff;
	_ =	sdelay $0x2  }
0x62: {  	v6 =	vor.u32 $0x5, v3;
	_ =	sdelay $0x1  }
0x63: {  	v1 =	vmul.f32 v1, v5;
	_ =	sdelay $0x1  }
0x64: {  	[tilespmem:v4+s29+$0x0] =	vst.idx.msk $0xffff, v1  }
0x65: {  	v1 =	vld.idx.msk [tilespmem:v6+s26+$0x0], $0xffff;
	_ =	sdelay $0x2  }
0x66: {  	v4 =	vor.u32 $0x6, v3;
	_ =	sdelay $0x1  }
0x67: {  	v1 =	vmul.f32 v1, v5;
	_ =	sdelay $0x1  }
0x68: {  	[tilespmem:v6+s29+$0x0] =	vst.idx.msk $0xffff, v1  }
0x69: {  	v1 =	vld.idx.msk [tilespmem:v4+s26+$0x0], $0xffff;
	_ =	sdelay $0x2  }
0x6a: {  	v6 =	vor.u32 $0x7, v3;
	_ =	sdelay $0x1  }
0x6b: {  	v1 =	vmul.f32 v1, v5;
	_ =	sdelay $0x1  }
0x6c: {  	[tilespmem:v4+s29+$0x0] =	vst.idx.msk $0xffff, v1  }
0x6d: {  	v1 =	vld.idx.msk [tilespmem:v6+s26+$0x0], $0xffff;
	_ =	sdelay $0x2  }
0x6e: {  	v4 =	vor.u32 $0x8, v3;
	_ =	sdelay $0x1  }
0x6f: {  	v1 =	vmul.f32 v1, v5;
	_ =	sdelay $0x1  }
0x70: {  	[tilespmem:v6+s29+$0x0] =	vst.idx.msk $0xffff, v1  }
0x71: {  	v1 =	vld.idx.msk [tilespmem:v4+s26+$0x0], $0xffff;
	_ =	sdelay $0x2  }
0x72: {  	v6 =	vor.u32 $0x9, v3;
	_ =	sdelay $0x1  }
0x73: {  	v1 =	vmul.f32 v1, v5;
	_ =	sdelay $0x1  }
0x74: {  	[tilespmem:v4+s29+$0x0] =	vst.idx.msk $0xffff, v1  }
0x75: {  	v1 =	vld.idx.msk [tilespmem:v6+s26+$0x0], $0xffff;
	_ =	sdelay $0x2  }
0x76: {  	v4 =	vor.u32 $0xA, v3;
	_ =	sdelay $0x1  }
0x77: {  	v1 =	vmul.f32 v1, v5;
	_ =	sdelay $0x1  }
0x78: {  	[tilespmem:v6+s29+$0x0] =	vst.idx.msk $0xffff, v1  }
0x79: {  	v1 =	vld.idx.msk [tilespmem:v4+s26+$0x0], $0xffff;
	_ =	sdelay $0x2  }
0x7a: {  	v6 =	vor.u32 $0xB, v3;
	_ =	sdelay $0x1  }
0x7b: {  	v1 =	vmul.f32 v1, v5;
	_ =	sdelay $0x1  }
0x7c: {  	[tilespmem:v4+s29+$0x0] =	vst.idx.msk $0xffff, v1  }
0x7d: {  	v1 =	vld.idx.msk [tilespmem:v6+s26+$0x0], $0xffff;
	_ =	sdelay $0x2  }
0x7e: {  	v4 =	vor.u32 $0xC, v3;
	_ =	sdelay $0x1  }
0x7f: {  	v1 =	vmul.f32 v1, v5;
	_ =	sdelay $0x1  }
0x80: {  	[tilespmem:v6+s29+$0x0] =	vst.idx.msk $0xffff, v1  }
0x81: {  	v1 =	vld.idx.msk [tilespmem:v4+s26+$0x0], $0xffff;
	_ =	sdelay $0x2  }
0x82: {  	v6 =	vor.u32 $0xD, v3;
	_ =	sdelay $0x1  }
0x83: {  	v1 =	vmul.f32 v1, v5;
	_ =	sdelay $0x1  }
0x84: {  	[tilespmem:v4+s29+$0x0] =	vst.idx.msk $0xffff, v1  }
0x85: {  	v1 =	vld.idx.msk [tilespmem:v6+s26+$0x0], $0xffff;
	_ =	sdelay $0x2  }
0x86: {  	v4 =	vor.u32 $0xE, v3;
	_ =	sdelay $0x1  }
0x87: {  	v1 =	vmul.f32 v1, v5;
	_ =	sdelay $0x1  }
0x88: {  	[tilespmem:v6+s29+$0x0] =	vst.idx.msk $0xffff, v1  }
0x89: {  	v1 =	vld.idx.msk [tilespmem:v4+s26+$0x0], $0xffff;
	_ =	sdelay $0x2  }
0x8a: {  	v6 =	vor.u32 $0xF, v3;
	_ =	sdelay $0x1  }
0x8b: {  	v1 =	vmul.f32 v1, v5;
	_ =	sdelay $0x1  }
0x8c: {  	[tilespmem:v4+s29+$0x0] =	vst.idx.msk $0xffff, v1  }
0x8d: {  	v1 =	vld.idx.msk [tilespmem:v6+s26+$0x0], $0xffff;
	_ =	sdelay $0x2  }
0x8e: {  	v4 =	vor.u32 $0x10, v3;
	_ =	sdelay $0x1  }
0x8f: {  	v1 =	vmul.f32 v1, v5;
	_ =	sdelay $0x1  }
0x90: {  	[tilespmem:v6+s29+$0x0] =	vst.idx.msk $0xffff, v1  }
0x91: {  	v1 =	vld.idx.msk [tilespmem:v4+s26+$0x0], $0xffff;
	_ =	sdelay $0x2  }
0x92: {  	v6 =	vor.u32 $0x11, v3;
	_ =	sdelay $0x1  }
0x93: {  	v1 =	vmul.f32 v1, v5;
	_ =	sdelay $0x1  }
0x94: {  	[tilespmem:v4+s29+$0x0] =	vst.idx.msk $0xffff, v1  }
0x95: {  	v1 =	vld.idx.msk [tilespmem:v6+s26+$0x0], $0xffff;
	_ =	sdelay $0x2  }
0x96: {  	v4 =	vor.u32 $0x12, v3;
	_ =	sdelay $0x1  }
0x97: {  	v1 =	vmul.f32 v1, v5;
	_ =	sdelay $0x1  }
0x98: {  	[tilespmem:v6+s29+$0x0] =	vst.idx.msk $0xffff, v1  }
0x99: {  	v1 =	vld.idx.msk [tilespmem:v4+s26+$0x0], $0xffff;
	_ =	sdelay $0x2  }
0x9a: {  	v5 =	vor.u32 $0x13, v3;
	_ =	sdelay $0x1  }
0x9b: {  	v1 =	vmul.f32 v1, v2;
	_ =	sdelay $0x1  }
0x9c: {  	[tilespmem:v4+s29+$0x0] =	vst.idx.msk $0xffff, v1  }
0x9d: {  	v1 =	vld.idx.msk [tilespmem:v5+s26+$0x0], $0xffff;
	_ =	sdelay $0x2  }
0x9e: {  	v4 =	vor.u32 $0x14, v3;
	_ =	sdelay $0x1  }
0x9f: {  	v1 =	vmul.f32 v1, v2;
	_ =	sdelay $0x1  }
0xa0: {  	[tilespmem:v5+s29+$0x0] =	vst.idx.msk $0xffff, v1  }
0xa1: {  	v1 =	vld.idx.msk [tilespmem:v4+s26+$0x0], $0xffff;
	_ =	sdelay $0x2  }
0xa2: {  	v5 =	vor.u32 $0x15, v3;
	_ =	sdelay $0x1  }
0xa3: {  	v1 =	vmul.f32 v1, v2;
	_ =	sdelay $0x1  }
0xa4: {  	[tilespmem:v4+s29+$0x0] =	vst.idx.msk $0xffff, v1  }
0xa5: {  	v1 =	vld.idx.msk [tilespmem:v5+s26+$0x0], $0xffff;
	_ =	sdelay $0x2  }
0xa6: {  	v4 =	vor.u32 $0x16, v3;
	_ =	sdelay $0x1  }
0xa7: {  	v1 =	vmul.f32 v1, v2;
	_ =	sdelay $0x1  }
0xa8: {  	[tilespmem:v5+s29+$0x0] =	vst.idx.msk $0xffff, v1  }
0xa9: {  	v1 =	vld.idx.msk [tilespmem:v4+s26+$0x0], $0xffff;
	_ =	sdelay $0x2  }
0xaa: {  	v5 =	vor.u32 $0x17, v3;
	_ =	sdelay $0x1  }
0xab: {  	v1 =	vmul.f32 v1, v2;
	_ =	sdelay $0x1  }
0xac: {  	[tilespmem:v4+s29+$0x0] =	vst.idx.msk $0xffff, v1  }
0xad: {  	v1 =	vld.idx.msk [tilespmem:v5+s26+$0x0], $0xffff;
	_ =	sdelay $0x2  }
0xae: {  	v4 =	vor.u32 $0x18, v3;
	_ =	sdelay $0x1  }
0xaf: {  	v1 =	vmul.f32 v1, v2;
	_ =	sdelay $0x1  }
0xb0: {  	[tilespmem:v5+s29+$0x0] =	vst.idx.msk $0xffff, v1  }
0xb1: {  	v1 =	vld.idx.msk [tilespmem:v4+s26+$0x0], $0xffff;
	_ =	sdelay $0x2  }
0xb2: {  	v3 =	vor.u32 $0x19, v3;
	_ =	sdelay $0x1  }
0xb3: {  	v1 =	vmul.f32 v1, v2;
	_ =	sdelay $0x1  }
0xb4: {  	[tilespmem:v4+s29+$0x0] =	vst.idx.msk $0xffff, v1  }
0xb5: {  	v7 =	vld.idx.msk [tilespmem:v3+s26+$0x0], $0xffff  }
0xb6: {  	s15 =	simm.s32 $0x10  }
0xb7: {  	v6 =	vor.u32 s15, v0  }
0xb8: {  	v5 =	vshll.u32 v6, $0x4;
	v1 =	vshll.u32 v6, $0x5  }
0xb9: {  	s30 =	simm.s32 $0x20;
	v6 =	vor.u32 $0x1, v5;
	v4 =	vor.u32 $0x1, v1  }
.LBB2_3:
0xba: {  	p2 =	sne.s32 s30, $0xF0;
	v2 =	vmul.f32 v7, v2;
	s15 =	smov.u32 s30;
	s30 =	sadd.s32 $0x10, s30  }
0xbb: {  	_ = 	snop  }
0xbc: {  	[tilespmem:v3+s29+$0x0] =	vst.idx.msk $0xffff, v2  }
0xbd: {  	v2 =	vld.idx.msk [tilespmem:v1+s26+$0x0], $0xffff  }
0xbe: {  	v3 =	vld.idx.msk [tilespmem:v5+s28+$0x0], $0xffff  }
0xbf: {  	v5 =	vld.idx.msk [tilespmem:v4+s26+$0x0], $0xffff  }
0xc0: {  	v6 =	vld.idx.msk [tilespmem:v6+s28+$0x0], $0xffff;
	_ =	sdelay $0x3  }
0xc1: {  	v2 =	vadd.f32 v2, v3;
	v3 =	vld [tilespmem:$0x0];
	_ =	sdelay $0x1  }
0xc2: {  	v7 =	vmul.f32 $2.000000030e-01, v2;
	v5 =	vadd.f32 v5, v6;
	v6 =	vld [tilespmem:$0x10];
	_ =	sdelay $0x1  }
0xc3: {  	v2 =	vmax.f32 v2, v7;
	v7 =	vmul.f32 $2.000000030e-01, v5  }
0xc4: {  	v2 =	vsub.f32 v2, v3  }
0xc5: {  	v3 =	vmax.f32 v5, v7  }
0xc6: {  	v2 =	vmul.f32 $1.442695020e+00, v2;
	v3 =	vsub.f32 v3, v6;
	_ =	sdelay $0x1  }
0xc7: {  	v3 =	vmul.f32 $1.442695020e+00, v3  }
0xc8: {  	(erf) = vpow2.f32 v2  }
0xc9: {  	(erf) = vpow2.f32 v3;
	_ =	sdelay $0x5  }
0xca: {  	v5 =	vor.u32 $0x2, v1;
	_ =	sdelay $0x1  }
0xcb: {  	v3 =	vpop (erf)  }
0xcc: {  	[tilespmem:v1+s29+$0x0] =	vst.idx.msk $0xffff, v3;
	v2 =	vpop (erf)  }
0xcd: {  	[tilespmem:v4+s29+$0x0] =	vst.idx.msk $0xffff, v2  }
0xce: {  	v4 =	vld.idx.msk [tilespmem:v5+s26+$0x0], $0xffff;
	_ =	sdelay $0x3  }
0xcf: {  	v6 =	vor.u32 $0x3, v1;
	_ =	sdelay $0x1  }
0xd0: {  	v4 =	vmul.f32 v4, v3;
	_ =	sdelay $0x1  }
0xd1: {  	[tilespmem:v5+s29+$0x0] =	vst.idx.msk $0xffff, v4  }
0xd2: {  	v4 =	vld.idx.msk [tilespmem:v6+s26+$0x0], $0xffff;
	_ =	sdelay $0x3  }
0xd3: {  	v5 =	vor.u32 $0x4, v1;
	_ =	sdelay $0x1  }
0xd4: {  	v4 =	vmul.f32 v4, v3;
	_ =	sdelay $0x1  }
0xd5: {  	[tilespmem:v6+s29+$0x0] =	vst.idx.msk $0xffff, v4  }
0xd6: {  	v4 =	vld.idx.msk [tilespmem:v5+s26+$0x0], $0xffff;
	_ =	sdelay $0x3  }
0xd7: {  	v6 =	vor.u32 $0x5, v1;
	_ =	sdelay $0x1  }
0xd8: {  	v4 =	vmul.f32 v4, v3;
	_ =	sdelay $0x1  }
0xd9: {  	[tilespmem:v5+s29+$0x0] =	vst.idx.msk $0xffff, v4  }
0xda: {  	v4 =	vld.idx.msk [tilespmem:v6+s26+$0x0], $0xffff;
	_ =	sdelay $0x3  }
0xdb: {  	v5 =	vor.u32 $0x6, v1;
	_ =	sdelay $0x1  }
0xdc: {  	v4 =	vmul.f32 v4, v3;
	_ =	sdelay $0x1  }
0xdd: {  	[tilespmem:v6+s29+$0x0] =	vst.idx.msk $0xffff, v4  }
0xde: {  	v4 =	vld.idx.msk [tilespmem:v5+s26+$0x0], $0xffff;
	_ =	sdelay $0x3  }
0xdf: {  	v6 =	vor.u32 $0x7, v1;
	_ =	sdelay $0x1  }
0xe0: {  	v4 =	vmul.f32 v4, v3;
	_ =	sdelay $0x1  }
0xe1: {  	[tilespmem:v5+s29+$0x0] =	vst.idx.msk $0xffff, v4  }
0xe2: {  	v4 =	vld.idx.msk [tilespmem:v6+s26+$0x0], $0xffff;
	_ =	sdelay $0x3  }
0xe3: {  	v5 =	vor.u32 $0x8, v1;
	_ =	sdelay $0x1  }
0xe4: {  	v4 =	vmul.f32 v4, v3;
	_ =	sdelay $0x1  }
0xe5: {  	[tilespmem:v6+s29+$0x0] =	vst.idx.msk $0xffff, v4  }
0xe6: {  	v4 =	vld.idx.msk [tilespmem:v5+s26+$0x0], $0xffff;
	_ =	sdelay $0x3  }
0xe7: {  	v6 =	vor.u32 $0x9, v1;
	_ =	sdelay $0x1  }
0xe8: {  	v4 =	vmul.f32 v4, v3;
	_ =	sdelay $0x1  }
0xe9: {  	[tilespmem:v5+s29+$0x0] =	vst.idx.msk $0xffff, v4  }
0xea: {  	v4 =	vld.idx.msk [tilespmem:v6+s26+$0x0], $0xffff;
	_ =	sdelay $0x3  }
0xeb: {  	v5 =	vor.u32 $0xA, v1;
	_ =	sdelay $0x1  }
0xec: {  	v4 =	vmul.f32 v4, v3;
	_ =	sdelay $0x1  }
0xed: {  	[tilespmem:v6+s29+$0x0] =	vst.idx.msk $0xffff, v4  }
0xee: {  	v4 =	vld.idx.msk [tilespmem:v5+s26+$0x0], $0xffff;
	_ =	sdelay $0x3  }
0xef: {  	v6 =	vor.u32 $0xB, v1;
	_ =	sdelay $0x1  }
0xf0: {  	v4 =	vmul.f32 v4, v3;
	_ =	sdelay $0x1  }
0xf1: {  	[tilespmem:v5+s29+$0x0] =	vst.idx.msk $0xffff, v4  }
0xf2: {  	v4 =	vld.idx.msk [tilespmem:v6+s26+$0x0], $0xffff;
	_ =	sdelay $0x3  }
0xf3: {  	v5 =	vor.u32 $0xC, v1;
	_ =	sdelay $0x1  }
0xf4: {  	v4 =	vmul.f32 v4, v3;
	_ =	sdelay $0x1  }
0xf5: {  	[tilespmem:v6+s29+$0x0] =	vst.idx.msk $0xffff, v4  }
0xf6: {  	v4 =	vld.idx.msk [tilespmem:v5+s26+$0x0], $0xffff;
	_ =	sdelay $0x3  }
0xf7: {  	v6 =	vor.u32 $0xD, v1;
	_ =	sdelay $0x1  }
0xf8: {  	v4 =	vmul.f32 v4, v3;
	_ =	sdelay $0x1  }
0xf9: {  	[tilespmem:v5+s29+$0x0] =	vst.idx.msk $0xffff, v4  }
0xfa: {  	v4 =	vld.idx.msk [tilespmem:v6+s26+$0x0], $0xffff;
	_ =	sdelay $0x3  }
0xfb: {  	v5 =	vor.u32 $0xE, v1;
	_ =	sdelay $0x1  }
0xfc: {  	v4 =	vmul.f32 v4, v3;
	_ =	sdelay $0x1  }
0xfd: {  	[tilespmem:v6+s29+$0x0] =	vst.idx.msk $0xffff, v4  }
0xfe: {  	v4 =	vld.idx.msk [tilespmem:v5+s26+$0x0], $0xffff;
	_ =	sdelay $0x3  }
0xff: {  	v6 =	vor.u32 $0xF, v1;
	_ =	sdelay $0x1  }
0x100: {  	v4 =	vmul.f32 v4, v3;
	_ =	sdelay $0x1  }
0x101: {  	[tilespmem:v5+s29+$0x0] =	vst.idx.msk $0xffff, v4  }
0x102: {  	v4 =	vld.idx.msk [tilespmem:v6+s26+$0x0], $0xffff;
	_ =	sdelay $0x3  }
0x103: {  	v5 =	vor.u32 $0x10, v1;
	_ =	sdelay $0x1  }
0x104: {  	v4 =	vmul.f32 v4, v3;
	_ =	sdelay $0x1  }
0x105: {  	[tilespmem:v6+s29+$0x0] =	vst.idx.msk $0xffff, v4  }
0x106: {  	v4 =	vld.idx.msk [tilespmem:v5+s26+$0x0], $0xffff;
	_ =	sdelay $0x3  }
0x107: {  	v6 =	vor.u32 $0x11, v1;
	_ =	sdelay $0x1  }
0x108: {  	v4 =	vmul.f32 v4, v3;
	_ =	sdelay $0x1  }
0x109: {  	[tilespmem:v5+s29+$0x0] =	vst.idx.msk $0xffff, v4  }
0x10a: {  	v4 =	vld.idx.msk [tilespmem:v6+s26+$0x0], $0xffff;
	_ =	sdelay $0x3  }
0x10b: {  	v5 =	vor.u32 $0x12, v1;
	_ =	sdelay $0x1  }
0x10c: {  	v3 =	vmul.f32 v4, v3;
	_ =	sdelay $0x1  }
0x10d: {  	[tilespmem:v6+s29+$0x0] =	vst.idx.msk $0xffff, v3  }
0x10e: {  	v3 =	vld.idx.msk [tilespmem:v5+s26+$0x0], $0xffff;
	_ =	sdelay $0x3  }
0x10f: {  	v4 =	vor.u32 $0x13, v1;
	_ =	sdelay $0x1  }
0x110: {  	v3 =	vmul.f32 v3, v2;
	_ =	sdelay $0x1  }
0x111: {  	[tilespmem:v5+s29+$0x0] =	vst.idx.msk $0xffff, v3  }
0x112: {  	v3 =	vld.idx.msk [tilespmem:v4+s26+$0x0], $0xffff;
	_ =	sdelay $0x3  }
0x113: {  	v5 =	vor.u32 $0x14, v1;
	_ =	sdelay $0x1  }
0x114: {  	v3 =	vmul.f32 v3, v2;
	_ =	sdelay $0x1  }
0x115: {  	[tilespmem:v4+s29+$0x0] =	vst.idx.msk $0xffff, v3  }
0x116: {  	v3 =	vld.idx.msk [tilespmem:v5+s26+$0x0], $0xffff;
	_ =	sdelay $0x3  }
0x117: {  	v4 =	vor.u32 $0x15, v1;
	_ =	sdelay $0x1  }
0x118: {  	v3 =	vmul.f32 v3, v2;
	_ =	sdelay $0x1  }
0x119: {  	[tilespmem:v5+s29+$0x0] =	vst.idx.msk $0xffff, v3  }
0x11a: {  	v3 =	vld.idx.msk [tilespmem:v4+s26+$0x0], $0xffff;
	_ =	sdelay $0x3  }
0x11b: {  	v5 =	vor.u32 $0x16, v1;
	_ =	sdelay $0x1  }
0x11c: {  	v3 =	vmul.f32 v3, v2;
	_ =	sdelay $0x1  }
0x11d: {  	[tilespmem:v4+s29+$0x0] =	vst.idx.msk $0xffff, v3  }
0x11e: {  	v3 =	vld.idx.msk [tilespmem:v5+s26+$0x0], $0xffff;
	_ =	sdelay $0x3  }
0x11f: {  	v4 =	vor.u32 $0x17, v1;
	_ =	sdelay $0x1  }
0x120: {  	v3 =	vmul.f32 v3, v2;
	_ =	sdelay $0x1  }
0x121: {  	[tilespmem:v5+s29+$0x0] =	vst.idx.msk $0xffff, v3  }
0x122: {  	v3 =	vld.idx.msk [tilespmem:v4+s26+$0x0], $0xffff;
	_ =	sdelay $0x3  }
0x123: {  	v5 =	vor.u32 $0x18, v1;
	_ =	sdelay $0x1  }
0x124: {  	v3 =	vmul.f32 v3, v2;
	_ =	sdelay $0x1  }
0x125: {  	[tilespmem:v4+s29+$0x0] =	vst.idx.msk $0xffff, v3  }
0x126: {  	v4 =	vld.idx.msk [tilespmem:v5+s26+$0x0], $0xffff;
	_ =	sdelay $0x3  }
0x127: {  	v3 =	vor.u32 $0x19, v1;
	_ =	sdelay $0x1  }
0x128: {  	v1 =	vmul.f32 v4, v2;
	_ =	sdelay $0x1  }
0x129: {  	[tilespmem:v5+s29+$0x0] =	vst.idx.msk $0xffff, v1  }
0x12a: {  	v7 =	vld.idx.msk [tilespmem:v3+s26+$0x0], $0xffff  }
.Ltmp2:
0x12b: {  	(pc) =	sbr.rel @p2 .LBB2_3-.Ltmp2, $4  }
0x12c: {  	_ = 	snop  }
0x12d: {  	v1 =	vor.u32 s15, v0  }
0x12e: {  	v5 =	vshll.u32 v1, $0x4;
	v1 =	vshll.u32 v1, $0x5  }
0x12f: {  	v6 =	vor.u32 $0x1, v5;
	v4 =	vor.u32 $0x1, v1  }
0x130: {  	_ =	sdelay $0x1  }
0x131: {  	v2 =	vmul.f32 v7, v2;
	_ =	sdelay $0x1  }
0x132: {  	[tilespmem:v3+s29+$0x0] =	vst.idx.msk $0xffff, v2  }
0x133: {  	v2 =	vld.idx.msk [tilespmem:v1+s26+$0x0], $0xffff  }
0x134: {  	v3 =	vld.idx.msk [tilespmem:v5+s28+$0x0], $0xffff  }
0x135: {  	v41 =	vld.idx.msk [tilespmem:v4+s26+$0x0], $0xffff  }
0x136: {  	v6 =	vld.idx.msk [tilespmem:v6+s28+$0x0], $0xffff;
	_ =	sdelay $0x3  }
0x137: {  	v2 =	vadd.f32 v2, v3;
	v3 =	vld [tilespmem:$0x0]  }
0x138: {  	v42 =	vld [tilespmem:$0x10];
	v5 =	vadd.f32 v41, v6  }
0x139: {  	v43 =	vmul.f32 $2.000000030e-01, v2  }
0x13a: {  	v8 =	vmul.f32 $2.000000030e-01, v5  }
0x13b: {  	v2 =	vmax.f32 v2, v43  }
0x13c: {  	v2 =	vsub.f32 v2, v3;
	v3 =	vmax.f32 v5, v8  }
0x13d: {  	v3 =	vsub.f32 v3, v42  }
0x13e: {  	v2 =	vmul.f32 $1.442695020e+00, v2  }
0x13f: {  	v3 =	vmul.f32 $1.442695020e+00, v3  }
0x140: {  	(erf) = vpow2.f32 v2  }
0x141: {  	(erf) = vpow2.f32 v3;
	_ =	sdelay $0x5  }
0x142: {  	v2 =	vor.u32 $0x2, v1;
	_ =	sdelay $0x1  }
0x143: {  	v3 =	vpop (erf)  }
0x144: {  	[tilespmem:v1+s29+$0x0] =	vst.idx.msk $0xffff, v3;
	v44 =	vpop (erf)  }
0x145: {  	[tilespmem:v4+s29+$0x0] =	vst.idx.msk $0xffff, v44  }
0x146: {  	v4 =	vld.idx.msk [tilespmem:v2+s26+$0x0], $0xffff;
	_ =	sdelay $0x2  }
0x147: {  	v45 =	vor.u32 $0x3, v1;
	_ =	sdelay $0x1  }
0x148: {  	v4 =	vmul.f32 v4, v3;
	_ =	sdelay $0x1  }
0x149: {  	[tilespmem:v2+s29+$0x0] =	vst.idx.msk $0xffff, v4  }
0x14a: {  	v2 =	vld.idx.msk [tilespmem:v45+s26+$0x0], $0xffff;
	_ =	sdelay $0x2  }
0x14b: {  	v46 =	vor.u32 $0x4, v1;
	_ =	sdelay $0x1  }
0x14c: {  	v2 =	vmul.f32 v2, v3;
	_ =	sdelay $0x1  }
0x14d: {  	[tilespmem:v45+s29+$0x0] =	vst.idx.msk $0xffff, v2  }
0x14e: {  	v2 =	vld.idx.msk [tilespmem:v46+s26+$0x0], $0xffff;
	_ =	sdelay $0x2  }
0x14f: {  	v47 =	vor.u32 $0x5, v1;
	_ =	sdelay $0x1  }
0x150: {  	v2 =	vmul.f32 v2, v3;
	_ =	sdelay $0x1  }
0x151: {  	[tilespmem:v46+s29+$0x0] =	vst.idx.msk $0xffff, v2  }
0x152: {  	v2 =	vld.idx.msk [tilespmem:v47+s26+$0x0], $0xffff;
	_ =	sdelay $0x2  }
0x153: {  	v48 =	vor.u32 $0x6, v1;
	_ =	sdelay $0x1  }
0x154: {  	v2 =	vmul.f32 v2, v3;
	_ =	sdelay $0x1  }
0x155: {  	[tilespmem:v47+s29+$0x0] =	vst.idx.msk $0xffff, v2  }
0x156: {  	v2 =	vld.idx.msk [tilespmem:v48+s26+$0x0], $0xffff;
	_ =	sdelay $0x2  }
0x157: {  	v49 =	vor.u32 $0x7, v1;
	_ =	sdelay $0x1  }
0x158: {  	v2 =	vmul.f32 v2, v3;
	_ =	sdelay $0x1  }
0x159: {  	[tilespmem:v48+s29+$0x0] =	vst.idx.msk $0xffff, v2  }
0x15a: {  	v2 =	vld.idx.msk [tilespmem:v49+s26+$0x0], $0xffff;
	_ =	sdelay $0x2  }
0x15b: {  	v50 =	vor.u32 $0x8, v1;
	_ =	sdelay $0x1  }
0x15c: {  	v2 =	vmul.f32 v2, v3;
	_ =	sdelay $0x1  }
0x15d: {  	[tilespmem:v49+s29+$0x0] =	vst.idx.msk $0xffff, v2  }
0x15e: {  	v2 =	vld.idx.msk [tilespmem:v50+s26+$0x0], $0xffff;
	_ =	sdelay $0x2  }
0x15f: {  	v51 =	vor.u32 $0x9, v1;
	_ =	sdelay $0x1  }
0x160: {  	v2 =	vmul.f32 v2, v3;
	_ =	sdelay $0x1  }
0x161: {  	[tilespmem:v50+s29+$0x0] =	vst.idx.msk $0xffff, v2  }
0x162: {  	v2 =	vld.idx.msk [tilespmem:v51+s26+$0x0], $0xffff;
	_ =	sdelay $0x2  }
0x163: {  	v52 =	vor.u32 $0xA, v1;
	_ =	sdelay $0x1  }
0x164: {  	v2 =	vmul.f32 v2, v3;
	_ =	sdelay $0x1  }
0x165: {  	[tilespmem:v51+s29+$0x0] =	vst.idx.msk $0xffff, v2  }
0x166: {  	v2 =	vld.idx.msk [tilespmem:v52+s26+$0x0], $0xffff;
	_ =	sdelay $0x2  }
0x167: {  	v53 =	vor.u32 $0xB, v1;
	_ =	sdelay $0x1  }
0x168: {  	v2 =	vmul.f32 v2, v3;
	_ =	sdelay $0x1  }
0x169: {  	[tilespmem:v52+s29+$0x0] =	vst.idx.msk $0xffff, v2  }
0x16a: {  	v2 =	vld.idx.msk [tilespmem:v53+s26+$0x0], $0xffff;
	_ =	sdelay $0x2  }
0x16b: {  	v54 =	vor.u32 $0xC, v1;
	_ =	sdelay $0x1  }
0x16c: {  	v2 =	vmul.f32 v2, v3;
	_ =	sdelay $0x1  }
0x16d: {  	[tilespmem:v53+s29+$0x0] =	vst.idx.msk $0xffff, v2  }
0x16e: {  	v2 =	vld.idx.msk [tilespmem:v54+s26+$0x0], $0xffff;
	_ =	sdelay $0x2  }
0x16f: {  	v55 =	vor.u32 $0xD, v1;
	_ =	sdelay $0x1  }
0x170: {  	v2 =	vmul.f32 v2, v3;
	_ =	sdelay $0x1  }
0x171: {  	[tilespmem:v54+s29+$0x0] =	vst.idx.msk $0xffff, v2  }
0x172: {  	v2 =	vld.idx.msk [tilespmem:v55+s26+$0x0], $0xffff;
	_ =	sdelay $0x2  }
0x173: {  	v56 =	vor.u32 $0xE, v1;
	_ =	sdelay $0x1  }
0x174: {  	v2 =	vmul.f32 v2, v3;
	_ =	sdelay $0x1  }
0x175: {  	[tilespmem:v55+s29+$0x0] =	vst.idx.msk $0xffff, v2  }
0x176: {  	v2 =	vld.idx.msk [tilespmem:v56+s26+$0x0], $0xffff;
	_ =	sdelay $0x2  }
0x177: {  	v57 =	vor.u32 $0xF, v1;
	_ =	sdelay $0x1  }
0x178: {  	v2 =	vmul.f32 v2, v3;
	_ =	sdelay $0x1  }
0x179: {  	[tilespmem:v56+s29+$0x0] =	vst.idx.msk $0xffff, v2  }
0x17a: {  	v2 =	vld.idx.msk [tilespmem:v57+s26+$0x0], $0xffff;
	_ =	sdelay $0x2  }
0x17b: {  	v58 =	vor.u32 $0x10, v1;
	_ =	sdelay $0x1  }
0x17c: {  	v2 =	vmul.f32 v2, v3;
	_ =	sdelay $0x1  }
0x17d: {  	[tilespmem:v57+s29+$0x0] =	vst.idx.msk $0xffff, v2  }
0x17e: {  	v2 =	vld.idx.msk [tilespmem:v58+s26+$0x0], $0xffff;
	_ =	sdelay $0x2  }
0x17f: {  	v59 =	vor.u32 $0x11, v1;
	_ =	sdelay $0x1  }
0x180: {  	v2 =	vmul.f32 v2, v3;
	_ =	sdelay $0x1  }
0x181: {  	[tilespmem:v58+s29+$0x0] =	vst.idx.msk $0xffff, v2  }
0x182: {  	v2 =	vld.idx.msk [tilespmem:v59+s26+$0x0], $0xffff;
	_ =	sdelay $0x2  }
0x183: {  	v60 =	vor.u32 $0x12, v1;
	_ =	sdelay $0x1  }
0x184: {  	v2 =	vmul.f32 v2, v3;
	_ =	sdelay $0x1  }
0x185: {  	[tilespmem:v59+s29+$0x0] =	vst.idx.msk $0xffff, v2  }
0x186: {  	v2 =	vld.idx.msk [tilespmem:v60+s26+$0x0], $0xffff;
	_ =	sdelay $0x2  }
0x187: {  	v3 =	vor.u32 $0x13, v1;
	_ =	sdelay $0x1  }
0x188: {  	v2 =	vmul.f32 v2, v44;
	_ =	sdelay $0x1  }
0x189: {  	[tilespmem:v60+s29+$0x0] =	vst.idx.msk $0xffff, v2  }
0x18a: {  	v2 =	vld.idx.msk [tilespmem:v3+s26+$0x0], $0xffff;
	_ =	sdelay $0x2  }
0x18b: {  	v61 =	vor.u32 $0x14, v1;
	_ =	sdelay $0x1  }
0x18c: {  	v2 =	vmul.f32 v2, v44;
	_ =	sdelay $0x1  }
0x18d: {  	[tilespmem:v3+s29+$0x0] =	vst.idx.msk $0xffff, v2  }
0x18e: {  	v2 =	vld.idx.msk [tilespmem:v61+s26+$0x0], $0xffff;
	_ =	sdelay $0x2  }
0x18f: {  	v3 =	vor.u32 $0x15, v1;
	_ =	sdelay $0x1  }
0x190: {  	v2 =	vmul.f32 v2, v44;
	_ =	sdelay $0x1  }
0x191: {  	[tilespmem:v61+s29+$0x0] =	vst.idx.msk $0xffff, v2  }
0x192: {  	v2 =	vld.idx.msk [tilespmem:v3+s26+$0x0], $0xffff;
	_ =	sdelay $0x2  }
0x193: {  	v62 =	vor.u32 $0x16, v1;
	_ =	sdelay $0x1  }
0x194: {  	v2 =	vmul.f32 v2, v44;
	_ =	sdelay $0x1  }
0x195: {  	[tilespmem:v3+s29+$0x0] =	vst.idx.msk $0xffff, v2  }
0x196: {  	v2 =	vld.idx.msk [tilespmem:v62+s26+$0x0], $0xffff;
	_ =	sdelay $0x2  }
0x197: {  	v3 =	vor.u32 $0x17, v1;
	_ =	sdelay $0x1  }
0x198: {  	v2 =	vmul.f32 v2, v44;
	_ =	sdelay $0x1  }
0x199: {  	[tilespmem:v62+s29+$0x0] =	vst.idx.msk $0xffff, v2  }
0x19a: {  	v2 =	vld.idx.msk [tilespmem:v3+s26+$0x0], $0xffff;
	_ =	sdelay $0x2  }
0x19b: {  	v63 =	vor.u32 $0x18, v1;
	_ =	sdelay $0x1  }
0x19c: {  	v2 =	vmul.f32 v2, v44;
	_ =	sdelay $0x1  }
0x19d: {  	[tilespmem:v3+s29+$0x0] =	vst.idx.msk $0xffff, v2  }
0x19e: {  	v2 =	vld.idx.msk [tilespmem:v63+s26+$0x0], $0xffff;
	_ =	sdelay $0x2  }
0x19f: {  	v1 =	vor.u32 $0x19, v1;
	_ =	sdelay $0x1  }
0x1a0: {  	v2 =	vmul.f32 v2, v44;
	_ =	sdelay $0x1  }
0x1a1: {  	[tilespmem:v63+s29+$0x0] =	vst.idx.msk $0xffff, v2  }
0x1a2: {  	v2 =	vld.idx.msk [tilespmem:v1+s26+$0x0], $0xffff;
	_ =	sdelay $0x4  }
0x1a3: {  	s0 =	sadd.s32 $0x1, s0;
	v2 =	vmul.f32 v2, v44  }
0x1a4: {  	p2 =	sne.s32 s0, $0xC3  }
.Ltmp3:
0x1a5: {  	[tilespmem:v1+s29+$0x0] =	vst.idx.msk $0xffff, v2;
	(pc) =	sbr.rel @p2 .LBB2_2-.Ltmp3, $4  }
0x1a6: {  	[spmem:s3] =	stream.indirect.scatter.add.f32 [tilespmem:s29], [sflag:$0x2], $0x20, s22, s24, $0xb8;
	[tilespmem:$0x1D8C0] =	vst v63  }
0x1a7: {  	_ =	swait.ge [sflag:s17], $0x2000  }
0x1a8: {  	[sflag:s17] =	ssyncset.done $0x0  }
0x1a9: {  	[sflag:s17] =	ssyncadd.s32 $0xFFFFE000  }
.Ltmp4:
0x1aa: {  	(pc) =	sbr.rel @p1 .LBB2_9-.Ltmp4, $1  }
0x1ab: {  	_ =	sdelay $0x3  }
0x1ac: {  	s0 =	simm.s32 $0x0  }
0x1ad: {  	[tilespmem:s21], [sflag:$0x1] =	stream.linear.gather [hbm4b:s12+s0], $0x100, $0x38;
	[tilespmem:$0x1D8C0] =	vst v63  }
0x1ae: {  	_ = 	snop  }
0x1af: {  	[tilespmem:s22], [sflag:$0x1] =	stream.linear.gather [hbm4b:s13+s0], $0x100, $0x38;
	[tilespmem:$0x1D8C0] =	vst v63  }
0x1b0: {  	_ =	swait.ge [sflag:s23], $0x100  }
0x1b1: {  	[sflag:s23] =	ssyncset.done $0x0  }
0x1b2: {  	[sflag:s23] =	ssyncadd.s32 $0xFFFFFF00  }
0x1b3: {  	_ =	swait.ge [sflag:s23], $0x100  }
0x1b4: {  	[sflag:s23] =	ssyncset.done $0x0  }
0x1b5: {  	[sflag:s23] =	ssyncadd.s32 $0xFFFFFF00  }
0x1b6: {  	[tilespmem:s26], [sflag:$0x1] =	stream.indirect.gather [hbm4b:s7+s24], $0x20, s21, s24, $0xb8;
	[tilespmem:$0x1D8C0] =	vst v63  }
0x1b7: {  	_ = 	snop  }
0x1b8: {  	[tilespmem:s28], [sflag:$0x1] =	stream.indirect.gather [hbm4b:s8+s24], $0x10, s22, s24, $0xb8;
	[tilespmem:$0x1D8C0] =	vst v63  }
0x1b9: {  	v1 =	vor.u32 s0, v0;
	_ =	swait.ge [sflag:s23], $0x2000  }
0x1ba: {  	v3 =	vshll.u32 v1, $0x5;
	[sflag:s23] =	ssyncset.done $0x0  }
0x1bb: {  	v1 =	vshll.u32 v1, $0x4;
	[sflag:s23] =	ssyncadd.s32 $0xFFFFE000  }
0x1bc: {  	v4 =	vor.u32 $0x1, v3;
	_ =	swait.ge [sflag:s23], $0x1000  }
0x1bd: {  	v2 =	vor.u32 $0x1, v1;
	[sflag:s23] =	ssyncset.done $0x0  }
0x1be: {  	[sflag:s23] =	ssyncadd.s32 $0xFFFFF000  }
0x1bf: {  	v5 =	vld.idx.msk [tilespmem:v3+s26+$0x0], $0xffff  }
0x1c0: {  	v1 =	vld.idx.msk [tilespmem:v1+s28+$0x0], $0xffff  }
0x1c1: {  	v6 =	vld.idx.msk [tilespmem:v4+s26+$0x0], $0xffff  }
0x1c2: {  	v2 =	vld.idx.msk [tilespmem:v2+s28+$0x0], $0xffff;
	_ =	sdelay $0x3  }
0x1c3: {  	v1 =	vadd.f32 v5, v1;
	v5 =	vld [tilespmem:$0x0]  }
0x1c4: {  	v2 =	vadd.f32 v6, v2;
	v6 =	vld [tilespmem:$0x10]  }
0x1c5: {  	v7 =	vmul.f32 $2.000000030e-01, v1  }
0x1c6: {  	v8 =	vmul.f32 $2.000000030e-01, v2  }
0x1c7: {  	v1 =	vmax.f32 v1, v7  }
0x1c8: {  	v2 =	vmax.f32 v2, v8;
	v1 =	vsub.f32 v1, v5  }
0x1c9: {  	v2 =	vsub.f32 v2, v6  }
0x1ca: {  	v1 =	vmul.f32 $1.442695020e+00, v1  }
0x1cb: {  	v2 =	vmul.f32 $1.442695020e+00, v2  }
0x1cc: {  	(erf) = vpow2.f32 v1  }
0x1cd: {  	(erf) = vpow2.f32 v2;
	_ =	sdelay $0x5  }
0x1ce: {  	v1 =	vor.u32 $0x2, v3;
	_ =	sdelay $0x1  }
0x1cf: {  	v5 =	vpop (erf)  }
0x1d0: {  	[tilespmem:v3+s29+$0x0] =	vst.idx.msk $0xffff, v5;
	v2 =	vpop (erf)  }
0x1d1: {  	[tilespmem:v4+s29+$0x0] =	vst.idx.msk $0xffff, v2  }
0x1d2: {  	v4 =	vld.idx.msk [tilespmem:v1+s26+$0x0], $0xffff;
	_ =	sdelay $0x2  }
0x1d3: {  	v6 =	vor.u32 $0x3, v3;
	_ =	sdelay $0x1  }
0x1d4: {  	v4 =	vmul.f32 v4, v5;
	_ =	sdelay $0x1  }
0x1d5: {  	[tilespmem:v1+s29+$0x0] =	vst.idx.msk $0xffff, v4  }
0x1d6: {  	v1 =	vld.idx.msk [tilespmem:v6+s26+$0x0], $0xffff;
	_ =	sdelay $0x2  }
0x1d7: {  	v4 =	vor.u32 $0x4, v3;
	_ =	sdelay $0x1  }
0x1d8: {  	v1 =	vmul.f32 v1, v5;
	_ =	sdelay $0x1  }
0x1d9: {  	[tilespmem:v6+s29+$0x0] =	vst.idx.msk $0xffff, v1  }
0x1da: {  	v1 =	vld.idx.msk [tilespmem:v4+s26+$0x0], $0xffff;
	_ =	sdelay $0x2  }
0x1db: {  	v6 =	vor.u32 $0x5, v3;
	_ =	sdelay $0x1  }
0x1dc: {  	v1 =	vmul.f32 v1, v5;
	_ =	sdelay $0x1  }
0x1dd: {  	[tilespmem:v4+s29+$0x0] =	vst.idx.msk $0xffff, v1  }
0x1de: {  	v1 =	vld.idx.msk [tilespmem:v6+s26+$0x0], $0xffff;
	_ =	sdelay $0x2  }
0x1df: {  	v4 =	vor.u32 $0x6, v3;
	_ =	sdelay $0x1  }
0x1e0: {  	v1 =	vmul.f32 v1, v5;
	_ =	sdelay $0x1  }
0x1e1: {  	[tilespmem:v6+s29+$0x0] =	vst.idx.msk $0xffff, v1  }
0x1e2: {  	v1 =	vld.idx.msk [tilespmem:v4+s26+$0x0], $0xffff;
	_ =	sdelay $0x2  }
0x1e3: {  	v6 =	vor.u32 $0x7, v3;
	_ =	sdelay $0x1  }
0x1e4: {  	v1 =	vmul.f32 v1, v5;
	_ =	sdelay $0x1  }
0x1e5: {  	[tilespmem:v4+s29+$0x0] =	vst.idx.msk $0xffff, v1  }
0x1e6: {  	v1 =	vld.idx.msk [tilespmem:v6+s26+$0x0], $0xffff;
	_ =	sdelay $0x2  }
0x1e7: {  	v4 =	vor.u32 $0x8, v3;
	_ =	sdelay $0x1  }
0x1e8: {  	v1 =	vmul.f32 v1, v5;
	_ =	sdelay $0x1  }
0x1e9: {  	[tilespmem:v6+s29+$0x0] =	vst.idx.msk $0xffff, v1  }
0x1ea: {  	v1 =	vld.idx.msk [tilespmem:v4+s26+$0x0], $0xffff;
	_ =	sdelay $0x2  }
0x1eb: {  	v6 =	vor.u32 $0x9, v3;
	_ =	sdelay $0x1  }
0x1ec: {  	v1 =	vmul.f32 v1, v5;
	_ =	sdelay $0x1  }
0x1ed: {  	[tilespmem:v4+s29+$0x0] =	vst.idx.msk $0xffff, v1  }
0x1ee: {  	v1 =	vld.idx.msk [tilespmem:v6+s26+$0x0], $0xffff;
	_ =	sdelay $0x2  }
0x1ef: {  	v4 =	vor.u32 $0xA, v3;
	_ =	sdelay $0x1  }
0x1f0: {  	v1 =	vmul.f32 v1, v5;
	_ =	sdelay $0x1  }
0x1f1: {  	[tilespmem:v6+s29+$0x0] =	vst.idx.msk $0xffff, v1  }
0x1f2: {  	v1 =	vld.idx.msk [tilespmem:v4+s26+$0x0], $0xffff;
	_ =	sdelay $0x2  }
0x1f3: {  	v6 =	vor.u32 $0xB, v3;
	_ =	sdelay $0x1  }
0x1f4: {  	v1 =	vmul.f32 v1, v5;
	_ =	sdelay $0x1  }
0x1f5: {  	[tilespmem:v4+s29+$0x0] =	vst.idx.msk $0xffff, v1  }
0x1f6: {  	v1 =	vld.idx.msk [tilespmem:v6+s26+$0x0], $0xffff;
	_ =	sdelay $0x2  }
0x1f7: {  	v4 =	vor.u32 $0xC, v3;
	_ =	sdelay $0x1  }
0x1f8: {  	v1 =	vmul.f32 v1, v5;
	_ =	sdelay $0x1  }
0x1f9: {  	[tilespmem:v6+s29+$0x0] =	vst.idx.msk $0xffff, v1  }
0x1fa: {  	v1 =	vld.idx.msk [tilespmem:v4+s26+$0x0], $0xffff;
	_ =	sdelay $0x2  }
0x1fb: {  	v6 =	vor.u32 $0xD, v3;
	_ =	sdelay $0x1  }
0x1fc: {  	v1 =	vmul.f32 v1, v5;
	_ =	sdelay $0x1  }
0x1fd: {  	[tilespmem:v4+s29+$0x0] =	vst.idx.msk $0xffff, v1  }
0x1fe: {  	v1 =	vld.idx.msk [tilespmem:v6+s26+$0x0], $0xffff;
	_ =	sdelay $0x2  }
0x1ff: {  	v4 =	vor.u32 $0xE, v3;
	_ =	sdelay $0x1  }
0x200: {  	v1 =	vmul.f32 v1, v5;
	_ =	sdelay $0x1  }
0x201: {  	[tilespmem:v6+s29+$0x0] =	vst.idx.msk $0xffff, v1  }
0x202: {  	v1 =	vld.idx.msk [tilespmem:v4+s26+$0x0], $0xffff;
	_ =	sdelay $0x2  }
0x203: {  	v6 =	vor.u32 $0xF, v3;
	_ =	sdelay $0x1  }
0x204: {  	v1 =	vmul.f32 v1, v5;
	_ =	sdelay $0x1  }
0x205: {  	[tilespmem:v4+s29+$0x0] =	vst.idx.msk $0xffff, v1  }
0x206: {  	v1 =	vld.idx.msk [tilespmem:v6+s26+$0x0], $0xffff;
	_ =	sdelay $0x2  }
0x207: {  	v4 =	vor.u32 $0x10, v3;
	_ =	sdelay $0x1  }
0x208: {  	v1 =	vmul.f32 v1, v5;
	_ =	sdelay $0x1  }
0x209: {  	[tilespmem:v6+s29+$0x0] =	vst.idx.msk $0xffff, v1  }
0x20a: {  	v1 =	vld.idx.msk [tilespmem:v4+s26+$0x0], $0xffff;
	_ =	sdelay $0x2  }
0x20b: {  	v6 =	vor.u32 $0x11, v3;
	_ =	sdelay $0x1  }
0x20c: {  	v1 =	vmul.f32 v1, v5;
	_ =	sdelay $0x1  }
0x20d: {  	[tilespmem:v4+s29+$0x0] =	vst.idx.msk $0xffff, v1  }
0x20e: {  	v1 =	vld.idx.msk [tilespmem:v6+s26+$0x0], $0xffff;
	_ =	sdelay $0x2  }
0x20f: {  	v4 =	vor.u32 $0x12, v3;
	_ =	sdelay $0x1  }
0x210: {  	v1 =	vmul.f32 v1, v5;
	_ =	sdelay $0x1  }
0x211: {  	[tilespmem:v6+s29+$0x0] =	vst.idx.msk $0xffff, v1  }
0x212: {  	v1 =	vld.idx.msk [tilespmem:v4+s26+$0x0], $0xffff;
	_ =	sdelay $0x2  }
0x213: {  	v5 =	vor.u32 $0x13, v3;
	_ =	sdelay $0x1  }
0x214: {  	v1 =	vmul.f32 v1, v2;
	_ =	sdelay $0x1  }
0x215: {  	[tilespmem:v4+s29+$0x0] =	vst.idx.msk $0xffff, v1  }
0x216: {  	v1 =	vld.idx.msk [tilespmem:v5+s26+$0x0], $0xffff;
	_ =	sdelay $0x2  }
0x217: {  	v4 =	vor.u32 $0x14, v3;
	_ =	sdelay $0x1  }
0x218: {  	v1 =	vmul.f32 v1, v2;
	_ =	sdelay $0x1  }
0x219: {  	[tilespmem:v5+s29+$0x0] =	vst.idx.msk $0xffff, v1  }
0x21a: {  	v1 =	vld.idx.msk [tilespmem:v4+s26+$0x0], $0xffff;
	_ =	sdelay $0x2  }
0x21b: {  	v5 =	vor.u32 $0x15, v3;
	_ =	sdelay $0x1  }
0x21c: {  	v1 =	vmul.f32 v1, v2;
	_ =	sdelay $0x1  }
0x21d: {  	[tilespmem:v4+s29+$0x0] =	vst.idx.msk $0xffff, v1  }
0x21e: {  	v1 =	vld.idx.msk [tilespmem:v5+s26+$0x0], $0xffff;
	_ =	sdelay $0x2  }
0x21f: {  	v4 =	vor.u32 $0x16, v3;
	_ =	sdelay $0x1  }
0x220: {  	v1 =	vmul.f32 v1, v2;
	_ =	sdelay $0x1  }
0x221: {  	[tilespmem:v5+s29+$0x0] =	vst.idx.msk $0xffff, v1  }
0x222: {  	v1 =	vld.idx.msk [tilespmem:v4+s26+$0x0], $0xffff;
	_ =	sdelay $0x2  }
0x223: {  	v5 =	vor.u32 $0x17, v3;
	_ =	sdelay $0x1  }
0x224: {  	v1 =	vmul.f32 v1, v2;
	_ =	sdelay $0x1  }
0x225: {  	[tilespmem:v4+s29+$0x0] =	vst.idx.msk $0xffff, v1  }
0x226: {  	v1 =	vld.idx.msk [tilespmem:v5+s26+$0x0], $0xffff;
	_ =	sdelay $0x2  }
0x227: {  	v4 =	vor.u32 $0x18, v3;
	_ =	sdelay $0x1  }
0x228: {  	v1 =	vmul.f32 v1, v2;
	_ =	sdelay $0x1  }
0x229: {  	[tilespmem:v5+s29+$0x0] =	vst.idx.msk $0xffff, v1  }
0x22a: {  	v1 =	vld.idx.msk [tilespmem:v4+s26+$0x0], $0xffff;
	_ =	sdelay $0x2  }
0x22b: {  	v3 =	vor.u32 $0x19, v3;
	_ =	sdelay $0x1  }
0x22c: {  	v1 =	vmul.f32 v1, v2;
	_ =	sdelay $0x1  }
0x22d: {  	[tilespmem:v4+s29+$0x0] =	vst.idx.msk $0xffff, v1  }
0x22e: {  	v7 =	vld.idx.msk [tilespmem:v3+s26+$0x0], $0xffff  }
0x22f: {  	s30 =	simm.s32 $0x10  }
0x230: {  	v6 =	vor.u32 s30, v0  }
0x231: {  	v5 =	vshll.u32 v6, $0x4;
	v1 =	vshll.u32 v6, $0x5  }
0x232: {  	s0 =	simm.s32 $0x20;
	v6 =	vor.u32 $0x1, v5;
	v4 =	vor.u32 $0x1, v1  }
.LBB2_7:
0x233: {  	p2 =	sne.s32 s0, $0xF0;
	v2 =	vmul.f32 v7, v2;
	s15 =	smov.u32 s0;
	s0 =	sadd.s32 $0x10, s0  }
0x234: {  	_ = 	snop  }
0x235: {  	[tilespmem:v3+s29+$0x0] =	vst.idx.msk $0xffff, v2  }
0x236: {  	v2 =	vld.idx.msk [tilespmem:v1+s26+$0x0], $0xffff  }
0x237: {  	v3 =	vld.idx.msk [tilespmem:v5+s28+$0x0], $0xffff  }
0x238: {  	v5 =	vld.idx.msk [tilespmem:v4+s26+$0x0], $0xffff  }
0x239: {  	v6 =	vld.idx.msk [tilespmem:v6+s28+$0x0], $0xffff;
	_ =	sdelay $0x3  }
0x23a: {  	v2 =	vadd.f32 v2, v3;
	v3 =	vld [tilespmem:$0x0];
	_ =	sdelay $0x1  }
0x23b: {  	v7 =	vmul.f32 $2.000000030e-01, v2;
	v5 =	vadd.f32 v5, v6;
	v6 =	vld [tilespmem:$0x10];
	_ =	sdelay $0x1  }
0x23c: {  	v2 =	vmax.f32 v2, v7;
	v7 =	vmul.f32 $2.000000030e-01, v5  }
0x23d: {  	v2 =	vsub.f32 v2, v3  }
0x23e: {  	v3 =	vmax.f32 v5, v7  }
0x23f: {  	v2 =	vmul.f32 $1.442695020e+00, v2;
	v3 =	vsub.f32 v3, v6;
	_ =	sdelay $0x1  }
0x240: {  	v3 =	vmul.f32 $1.442695020e+00, v3  }
0x241: {  	(erf) = vpow2.f32 v2  }
0x242: {  	(erf) = vpow2.f32 v3;
	_ =	sdelay $0x5  }
0x243: {  	v5 =	vor.u32 $0x2, v1;
	_ =	sdelay $0x1  }
0x244: {  	v3 =	vpop (erf)  }
0x245: {  	[tilespmem:v1+s29+$0x0] =	vst.idx.msk $0xffff, v3;
	v2 =	vpop (erf)  }
0x246: {  	[tilespmem:v4+s29+$0x0] =	vst.idx.msk $0xffff, v2  }
0x247: {  	v4 =	vld.idx.msk [tilespmem:v5+s26+$0x0], $0xffff;
	_ =	sdelay $0x3  }
0x248: {  	v6 =	vor.u32 $0x3, v1;
	_ =	sdelay $0x1  }
0x249: {  	v4 =	vmul.f32 v4, v3;
	_ =	sdelay $0x1  }
0x24a: {  	[tilespmem:v5+s29+$0x0] =	vst.idx.msk $0xffff, v4  }
0x24b: {  	v4 =	vld.idx.msk [tilespmem:v6+s26+$0x0], $0xffff;
	_ =	sdelay $0x3  }
0x24c: {  	v5 =	vor.u32 $0x4, v1;
	_ =	sdelay $0x1  }
0x24d: {  	v4 =	vmul.f32 v4, v3;
	_ =	sdelay $0x1  }
0x24e: {  	[tilespmem:v6+s29+$0x0] =	vst.idx.msk $0xffff, v4  }
0x24f: {  	v4 =	vld.idx.msk [tilespmem:v5+s26+$0x0], $0xffff;
	_ =	sdelay $0x3  }
0x250: {  	v6 =	vor.u32 $0x5, v1;
	_ =	sdelay $0x1  }
0x251: {  	v4 =	vmul.f32 v4, v3;
	_ =	sdelay $0x1  }
0x252: {  	[tilespmem:v5+s29+$0x0] =	vst.idx.msk $0xffff, v4  }
0x253: {  	v4 =	vld.idx.msk [tilespmem:v6+s26+$0x0], $0xffff;
	_ =	sdelay $0x3  }
0x254: {  	v5 =	vor.u32 $0x6, v1;
	_ =	sdelay $0x1  }
0x255: {  	v4 =	vmul.f32 v4, v3;
	_ =	sdelay $0x1  }
0x256: {  	[tilespmem:v6+s29+$0x0] =	vst.idx.msk $0xffff, v4  }
0x257: {  	v4 =	vld.idx.msk [tilespmem:v5+s26+$0x0], $0xffff;
	_ =	sdelay $0x3  }
0x258: {  	v6 =	vor.u32 $0x7, v1;
	_ =	sdelay $0x1  }
0x259: {  	v4 =	vmul.f32 v4, v3;
	_ =	sdelay $0x1  }
0x25a: {  	[tilespmem:v5+s29+$0x0] =	vst.idx.msk $0xffff, v4  }
0x25b: {  	v4 =	vld.idx.msk [tilespmem:v6+s26+$0x0], $0xffff;
	_ =	sdelay $0x3  }
0x25c: {  	v5 =	vor.u32 $0x8, v1;
	_ =	sdelay $0x1  }
0x25d: {  	v4 =	vmul.f32 v4, v3;
	_ =	sdelay $0x1  }
0x25e: {  	[tilespmem:v6+s29+$0x0] =	vst.idx.msk $0xffff, v4  }
0x25f: {  	v4 =	vld.idx.msk [tilespmem:v5+s26+$0x0], $0xffff;
	_ =	sdelay $0x3  }
0x260: {  	v6 =	vor.u32 $0x9, v1;
	_ =	sdelay $0x1  }
0x261: {  	v4 =	vmul.f32 v4, v3;
	_ =	sdelay $0x1  }
0x262: {  	[tilespmem:v5+s29+$0x0] =	vst.idx.msk $0xffff, v4  }
0x263: {  	v4 =	vld.idx.msk [tilespmem:v6+s26+$0x0], $0xffff;
	_ =	sdelay $0x3  }
0x264: {  	v5 =	vor.u32 $0xA, v1;
	_ =	sdelay $0x1  }
0x265: {  	v4 =	vmul.f32 v4, v3;
	_ =	sdelay $0x1  }
0x266: {  	[tilespmem:v6+s29+$0x0] =	vst.idx.msk $0xffff, v4  }
0x267: {  	v4 =	vld.idx.msk [tilespmem:v5+s26+$0x0], $0xffff;
	_ =	sdelay $0x3  }
0x268: {  	v6 =	vor.u32 $0xB, v1;
	_ =	sdelay $0x1  }
0x269: {  	v4 =	vmul.f32 v4, v3;
	_ =	sdelay $0x1  }
0x26a: {  	[tilespmem:v5+s29+$0x0] =	vst.idx.msk $0xffff, v4  }
0x26b: {  	v4 =	vld.idx.msk [tilespmem:v6+s26+$0x0], $0xffff;
	_ =	sdelay $0x3  }
0x26c: {  	v5 =	vor.u32 $0xC, v1;
	_ =	sdelay $0x1  }
0x26d: {  	v4 =	vmul.f32 v4, v3;
	_ =	sdelay $0x1  }
0x26e: {  	[tilespmem:v6+s29+$0x0] =	vst.idx.msk $0xffff, v4  }
0x26f: {  	v4 =	vld.idx.msk [tilespmem:v5+s26+$0x0], $0xffff;
	_ =	sdelay $0x3  }
0x270: {  	v6 =	vor.u32 $0xD, v1;
	_ =	sdelay $0x1  }
0x271: {  	v4 =	vmul.f32 v4, v3;
	_ =	sdelay $0x1  }
0x272: {  	[tilespmem:v5+s29+$0x0] =	vst.idx.msk $0xffff, v4  }
0x273: {  	v4 =	vld.idx.msk [tilespmem:v6+s26+$0x0], $0xffff;
	_ =	sdelay $0x3  }
0x274: {  	v5 =	vor.u32 $0xE, v1;
	_ =	sdelay $0x1  }
0x275: {  	v4 =	vmul.f32 v4, v3;
	_ =	sdelay $0x1  }
0x276: {  	[tilespmem:v6+s29+$0x0] =	vst.idx.msk $0xffff, v4  }
0x277: {  	v4 =	vld.idx.msk [tilespmem:v5+s26+$0x0], $0xffff;
	_ =	sdelay $0x3  }
0x278: {  	v6 =	vor.u32 $0xF, v1;
	_ =	sdelay $0x1  }
0x279: {  	v4 =	vmul.f32 v4, v3;
	_ =	sdelay $0x1  }
0x27a: {  	[tilespmem:v5+s29+$0x0] =	vst.idx.msk $0xffff, v4  }
0x27b: {  	v4 =	vld.idx.msk [tilespmem:v6+s26+$0x0], $0xffff;
	_ =	sdelay $0x3  }
0x27c: {  	v5 =	vor.u32 $0x10, v1;
	_ =	sdelay $0x1  }
0x27d: {  	v4 =	vmul.f32 v4, v3;
	_ =	sdelay $0x1  }
0x27e: {  	[tilespmem:v6+s29+$0x0] =	vst.idx.msk $0xffff, v4  }
0x27f: {  	v4 =	vld.idx.msk [tilespmem:v5+s26+$0x0], $0xffff;
	_ =	sdelay $0x3  }
0x280: {  	v6 =	vor.u32 $0x11, v1;
	_ =	sdelay $0x1  }
0x281: {  	v4 =	vmul.f32 v4, v3;
	_ =	sdelay $0x1  }
0x282: {  	[tilespmem:v5+s29+$0x0] =	vst.idx.msk $0xffff, v4  }
0x283: {  	v4 =	vld.idx.msk [tilespmem:v6+s26+$0x0], $0xffff;
	_ =	sdelay $0x3  }
0x284: {  	v5 =	vor.u32 $0x12, v1;
	_ =	sdelay $0x1  }
0x285: {  	v3 =	vmul.f32 v4, v3;
	_ =	sdelay $0x1  }
0x286: {  	[tilespmem:v6+s29+$0x0] =	vst.idx.msk $0xffff, v3  }
0x287: {  	v3 =	vld.idx.msk [tilespmem:v5+s26+$0x0], $0xffff;
	_ =	sdelay $0x3  }
0x288: {  	v4 =	vor.u32 $0x13, v1;
	_ =	sdelay $0x1  }
0x289: {  	v3 =	vmul.f32 v3, v2;
	_ =	sdelay $0x1  }
0x28a: {  	[tilespmem:v5+s29+$0x0] =	vst.idx.msk $0xffff, v3  }
0x28b: {  	v3 =	vld.idx.msk [tilespmem:v4+s26+$0x0], $0xffff;
	_ =	sdelay $0x3  }
0x28c: {  	v5 =	vor.u32 $0x14, v1;
	_ =	sdelay $0x1  }
0x28d: {  	v3 =	vmul.f32 v3, v2;
	_ =	sdelay $0x1  }
0x28e: {  	[tilespmem:v4+s29+$0x0] =	vst.idx.msk $0xffff, v3  }
0x28f: {  	v3 =	vld.idx.msk [tilespmem:v5+s26+$0x0], $0xffff;
	_ =	sdelay $0x3  }
0x290: {  	v4 =	vor.u32 $0x15, v1;
	_ =	sdelay $0x1  }
0x291: {  	v3 =	vmul.f32 v3, v2;
	_ =	sdelay $0x1  }
0x292: {  	[tilespmem:v5+s29+$0x0] =	vst.idx.msk $0xffff, v3  }
0x293: {  	v3 =	vld.idx.msk [tilespmem:v4+s26+$0x0], $0xffff;
	_ =	sdelay $0x3  }
0x294: {  	v5 =	vor.u32 $0x16, v1;
	_ =	sdelay $0x1  }
0x295: {  	v3 =	vmul.f32 v3, v2;
	_ =	sdelay $0x1  }
0x296: {  	[tilespmem:v4+s29+$0x0] =	vst.idx.msk $0xffff, v3  }
0x297: {  	v3 =	vld.idx.msk [tilespmem:v5+s26+$0x0], $0xffff;
	_ =	sdelay $0x3  }
0x298: {  	v4 =	vor.u32 $0x17, v1;
	_ =	sdelay $0x1  }
0x299: {  	v3 =	vmul.f32 v3, v2;
	_ =	sdelay $0x1  }
0x29a: {  	[tilespmem:v5+s29+$0x0] =	vst.idx.msk $0xffff, v3  }
0x29b: {  	v3 =	vld.idx.msk [tilespmem:v4+s26+$0x0], $0xffff;
	_ =	sdelay $0x3  }
0x29c: {  	v5 =	vor.u32 $0x18, v1;
	_ =	sdelay $0x1  }
0x29d: {  	v3 =	vmul.f32 v3, v2;
	_ =	sdelay $0x1  }
0x29e: {  	[tilespmem:v4+s29+$0x0] =	vst.idx.msk $0xffff, v3  }
0x29f: {  	v4 =	vld.idx.msk [tilespmem:v5+s26+$0x0], $0xffff;
	_ =	sdelay $0x3  }
0x2a0: {  	v3 =	vor.u32 $0x19, v1;
	_ =	sdelay $0x1  }
0x2a1: {  	v1 =	vmul.f32 v4, v2;
	_ =	sdelay $0x1  }
0x2a2: {  	[tilespmem:v5+s29+$0x0] =	vst.idx.msk $0xffff, v1  }
0x2a3: {  	v7 =	vld.idx.msk [tilespmem:v3+s26+$0x0], $0xffff  }
.Ltmp5:
0x2a4: {  	(pc) =	sbr.rel @p2 .LBB2_7-.Ltmp5, $4  }
0x2a5: {  	_ = 	snop  }
0x2a6: {  	v1 =	vor.u32 s15, v0  }
0x2a7: {  	v5 =	vshll.u32 v1, $0x4;
	v1 =	vshll.u32 v1, $0x5  }
0x2a8: {  	v6 =	vor.u32 $0x1, v5;
	v4 =	vor.u32 $0x1, v1  }
0x2a9: {  	_ =	sdelay $0x1  }
0x2aa: {  	v2 =	vmul.f32 v7, v2;
	_ =	sdelay $0x1  }
0x2ab: {  	[tilespmem:v3+s29+$0x0] =	vst.idx.msk $0xffff, v2  }
0x2ac: {  	v2 =	vld.idx.msk [tilespmem:v1+s26+$0x0], $0xffff  }
0x2ad: {  	v3 =	vld.idx.msk [tilespmem:v5+s28+$0x0], $0xffff  }
0x2ae: {  	v41 =	vld.idx.msk [tilespmem:v4+s26+$0x0], $0xffff  }
0x2af: {  	v6 =	vld.idx.msk [tilespmem:v6+s28+$0x0], $0xffff;
	_ =	sdelay $0x3  }
0x2b0: {  	v2 =	vadd.f32 v2, v3;
	v3 =	vld [tilespmem:$0x0]  }
0x2b1: {  	v42 =	vld [tilespmem:$0x10];
	v5 =	vadd.f32 v41, v6  }
0x2b2: {  	v43 =	vmul.f32 $2.000000030e-01, v2  }
0x2b3: {  	v8 =	vmul.f32 $2.000000030e-01, v5  }
0x2b4: {  	v2 =	vmax.f32 v2, v43  }
0x2b5: {  	v2 =	vsub.f32 v2, v3;
	v3 =	vmax.f32 v5, v8  }
0x2b6: {  	v3 =	vsub.f32 v3, v42  }
0x2b7: {  	v2 =	vmul.f32 $1.442695020e+00, v2  }
0x2b8: {  	v3 =	vmul.f32 $1.442695020e+00, v3  }
0x2b9: {  	(erf) = vpow2.f32 v2  }
0x2ba: {  	(erf) = vpow2.f32 v3;
	_ =	sdelay $0x5  }
0x2bb: {  	v2 =	vor.u32 $0x2, v1;
	_ =	sdelay $0x1  }
0x2bc: {  	v3 =	vpop (erf)  }
0x2bd: {  	[tilespmem:v1+s29+$0x0] =	vst.idx.msk $0xffff, v3;
	v44 =	vpop (erf)  }
0x2be: {  	[tilespmem:v4+s29+$0x0] =	vst.idx.msk $0xffff, v44  }
0x2bf: {  	v4 =	vld.idx.msk [tilespmem:v2+s26+$0x0], $0xffff;
	_ =	sdelay $0x2  }
0x2c0: {  	v45 =	vor.u32 $0x3, v1;
	_ =	sdelay $0x1  }
0x2c1: {  	v4 =	vmul.f32 v4, v3;
	_ =	sdelay $0x1  }
0x2c2: {  	[tilespmem:v2+s29+$0x0] =	vst.idx.msk $0xffff, v4  }
0x2c3: {  	v2 =	vld.idx.msk [tilespmem:v45+s26+$0x0], $0xffff;
	_ =	sdelay $0x2  }
0x2c4: {  	v46 =	vor.u32 $0x4, v1;
	_ =	sdelay $0x1  }
0x2c5: {  	v2 =	vmul.f32 v2, v3;
	_ =	sdelay $0x1  }
0x2c6: {  	[tilespmem:v45+s29+$0x0] =	vst.idx.msk $0xffff, v2  }
0x2c7: {  	v2 =	vld.idx.msk [tilespmem:v46+s26+$0x0], $0xffff;
	_ =	sdelay $0x2  }
0x2c8: {  	v47 =	vor.u32 $0x5, v1;
	_ =	sdelay $0x1  }
0x2c9: {  	v2 =	vmul.f32 v2, v3;
	_ =	sdelay $0x1  }
0x2ca: {  	[tilespmem:v46+s29+$0x0] =	vst.idx.msk $0xffff, v2  }
0x2cb: {  	v2 =	vld.idx.msk [tilespmem:v47+s26+$0x0], $0xffff;
	_ =	sdelay $0x2  }
0x2cc: {  	v48 =	vor.u32 $0x6, v1;
	_ =	sdelay $0x1  }
0x2cd: {  	v2 =	vmul.f32 v2, v3;
	_ =	sdelay $0x1  }
0x2ce: {  	[tilespmem:v47+s29+$0x0] =	vst.idx.msk $0xffff, v2  }
0x2cf: {  	v2 =	vld.idx.msk [tilespmem:v48+s26+$0x0], $0xffff;
	_ =	sdelay $0x2  }
0x2d0: {  	v49 =	vor.u32 $0x7, v1;
	_ =	sdelay $0x1  }
0x2d1: {  	v2 =	vmul.f32 v2, v3;
	_ =	sdelay $0x1  }
0x2d2: {  	[tilespmem:v48+s29+$0x0] =	vst.idx.msk $0xffff, v2  }
0x2d3: {  	v2 =	vld.idx.msk [tilespmem:v49+s26+$0x0], $0xffff;
	_ =	sdelay $0x2  }
0x2d4: {  	v50 =	vor.u32 $0x8, v1;
	_ =	sdelay $0x1  }
0x2d5: {  	v2 =	vmul.f32 v2, v3;
	_ =	sdelay $0x1  }
0x2d6: {  	[tilespmem:v49+s29+$0x0] =	vst.idx.msk $0xffff, v2  }
0x2d7: {  	v2 =	vld.idx.msk [tilespmem:v50+s26+$0x0], $0xffff;
	_ =	sdelay $0x2  }
0x2d8: {  	v51 =	vor.u32 $0x9, v1;
	_ =	sdelay $0x1  }
0x2d9: {  	v2 =	vmul.f32 v2, v3;
	_ =	sdelay $0x1  }
0x2da: {  	[tilespmem:v50+s29+$0x0] =	vst.idx.msk $0xffff, v2  }
0x2db: {  	v2 =	vld.idx.msk [tilespmem:v51+s26+$0x0], $0xffff;
	_ =	sdelay $0x2  }
0x2dc: {  	v52 =	vor.u32 $0xA, v1;
	_ =	sdelay $0x1  }
0x2dd: {  	v2 =	vmul.f32 v2, v3;
	_ =	sdelay $0x1  }
0x2de: {  	[tilespmem:v51+s29+$0x0] =	vst.idx.msk $0xffff, v2  }
0x2df: {  	v2 =	vld.idx.msk [tilespmem:v52+s26+$0x0], $0xffff;
	_ =	sdelay $0x2  }
0x2e0: {  	v53 =	vor.u32 $0xB, v1;
	_ =	sdelay $0x1  }
0x2e1: {  	v2 =	vmul.f32 v2, v3;
	_ =	sdelay $0x1  }
0x2e2: {  	[tilespmem:v52+s29+$0x0] =	vst.idx.msk $0xffff, v2  }
0x2e3: {  	v2 =	vld.idx.msk [tilespmem:v53+s26+$0x0], $0xffff;
	_ =	sdelay $0x2  }
0x2e4: {  	v54 =	vor.u32 $0xC, v1;
	_ =	sdelay $0x1  }
0x2e5: {  	v2 =	vmul.f32 v2, v3;
	_ =	sdelay $0x1  }
0x2e6: {  	[tilespmem:v53+s29+$0x0] =	vst.idx.msk $0xffff, v2  }
0x2e7: {  	v2 =	vld.idx.msk [tilespmem:v54+s26+$0x0], $0xffff;
	_ =	sdelay $0x2  }
0x2e8: {  	v55 =	vor.u32 $0xD, v1;
	_ =	sdelay $0x1  }
0x2e9: {  	v2 =	vmul.f32 v2, v3;
	_ =	sdelay $0x1  }
0x2ea: {  	[tilespmem:v54+s29+$0x0] =	vst.idx.msk $0xffff, v2  }
0x2eb: {  	v2 =	vld.idx.msk [tilespmem:v55+s26+$0x0], $0xffff;
	_ =	sdelay $0x2  }
0x2ec: {  	v56 =	vor.u32 $0xE, v1;
	_ =	sdelay $0x1  }
0x2ed: {  	v2 =	vmul.f32 v2, v3;
	_ =	sdelay $0x1  }
0x2ee: {  	[tilespmem:v55+s29+$0x0] =	vst.idx.msk $0xffff, v2  }
0x2ef: {  	v2 =	vld.idx.msk [tilespmem:v56+s26+$0x0], $0xffff;
	_ =	sdelay $0x2  }
0x2f0: {  	v57 =	vor.u32 $0xF, v1;
	_ =	sdelay $0x1  }
0x2f1: {  	v2 =	vmul.f32 v2, v3;
	_ =	sdelay $0x1  }
0x2f2: {  	[tilespmem:v56+s29+$0x0] =	vst.idx.msk $0xffff, v2  }
0x2f3: {  	v2 =	vld.idx.msk [tilespmem:v57+s26+$0x0], $0xffff;
	_ =	sdelay $0x2  }
0x2f4: {  	v58 =	vor.u32 $0x10, v1;
	_ =	sdelay $0x1  }
0x2f5: {  	v2 =	vmul.f32 v2, v3;
	_ =	sdelay $0x1  }
0x2f6: {  	[tilespmem:v57+s29+$0x0] =	vst.idx.msk $0xffff, v2  }
0x2f7: {  	v2 =	vld.idx.msk [tilespmem:v58+s26+$0x0], $0xffff;
	_ =	sdelay $0x2  }
0x2f8: {  	v59 =	vor.u32 $0x11, v1;
	_ =	sdelay $0x1  }
0x2f9: {  	v2 =	vmul.f32 v2, v3;
	_ =	sdelay $0x1  }
0x2fa: {  	[tilespmem:v58+s29+$0x0] =	vst.idx.msk $0xffff, v2  }
0x2fb: {  	v2 =	vld.idx.msk [tilespmem:v59+s26+$0x0], $0xffff;
	_ =	sdelay $0x2  }
0x2fc: {  	v60 =	vor.u32 $0x12, v1;
	_ =	sdelay $0x1  }
0x2fd: {  	v2 =	vmul.f32 v2, v3;
	_ =	sdelay $0x1  }
0x2fe: {  	[tilespmem:v59+s29+$0x0] =	vst.idx.msk $0xffff, v2  }
0x2ff: {  	v2 =	vld.idx.msk [tilespmem:v60+s26+$0x0], $0xffff;
	_ =	sdelay $0x2  }
0x300: {  	v3 =	vor.u32 $0x13, v1;
	_ =	sdelay $0x1  }
0x301: {  	v2 =	vmul.f32 v2, v44;
	_ =	sdelay $0x1  }
0x302: {  	[tilespmem:v60+s29+$0x0] =	vst.idx.msk $0xffff, v2  }
0x303: {  	v2 =	vld.idx.msk [tilespmem:v3+s26+$0x0], $0xffff;
	_ =	sdelay $0x2  }
0x304: {  	v61 =	vor.u32 $0x14, v1;
	_ =	sdelay $0x1  }
0x305: {  	v2 =	vmul.f32 v2, v44;
	_ =	sdelay $0x1  }
0x306: {  	[tilespmem:v3+s29+$0x0] =	vst.idx.msk $0xffff, v2  }
0x307: {  	v2 =	vld.idx.msk [tilespmem:v61+s26+$0x0], $0xffff;
	_ =	sdelay $0x2  }
0x308: {  	v3 =	vor.u32 $0x15, v1;
	_ =	sdelay $0x1  }
0x309: {  	v2 =	vmul.f32 v2, v44;
	_ =	sdelay $0x1  }
0x30a: {  	[tilespmem:v61+s29+$0x0] =	vst.idx.msk $0xffff, v2  }
0x30b: {  	v2 =	vld.idx.msk [tilespmem:v3+s26+$0x0], $0xffff;
	_ =	sdelay $0x2  }
0x30c: {  	v62 =	vor.u32 $0x16, v1;
	_ =	sdelay $0x1  }
0x30d: {  	v2 =	vmul.f32 v2, v44;
	_ =	sdelay $0x1  }
0x30e: {  	[tilespmem:v3+s29+$0x0] =	vst.idx.msk $0xffff, v2  }
0x30f: {  	v2 =	vld.idx.msk [tilespmem:v62+s26+$0x0], $0xffff;
	_ =	sdelay $0x2  }
0x310: {  	v3 =	vor.u32 $0x17, v1;
	_ =	sdelay $0x1  }
0x311: {  	v2 =	vmul.f32 v2, v44;
	_ =	sdelay $0x1  }
0x312: {  	[tilespmem:v62+s29+$0x0] =	vst.idx.msk $0xffff, v2  }
0x313: {  	v2 =	vld.idx.msk [tilespmem:v3+s26+$0x0], $0xffff;
	_ =	sdelay $0x2  }
0x314: {  	v63 =	vor.u32 $0x18, v1;
	_ =	sdelay $0x1  }
0x315: {  	v2 =	vmul.f32 v2, v44;
	_ =	sdelay $0x1  }
0x316: {  	[tilespmem:v3+s29+$0x0] =	vst.idx.msk $0xffff, v2  }
0x317: {  	v2 =	vld.idx.msk [tilespmem:v63+s26+$0x0], $0xffff;
	_ =	sdelay $0x2  }
0x318: {  	v1 =	vor.u32 $0x19, v1;
	_ =	sdelay $0x1  }
0x319: {  	v2 =	vmul.f32 v2, v44;
	_ =	sdelay $0x1  }
0x31a: {  	[tilespmem:v63+s29+$0x0] =	vst.idx.msk $0xffff, v2  }
0x31b: {  	v2 =	vld.idx.msk [tilespmem:v1+s26+$0x0], $0xffff;
	_ =	sdelay $0x4  }
0x31c: {  	v2 =	vmul.f32 v2, v44;
	_ =	sdelay $0x1  }
0x31d: {  	[tilespmem:v1+s29+$0x0] =	vst.idx.msk $0xffff, v2  }
0x31e: {  	[spmem:s3] =	stream.indirect.scatter.add.f32 [tilespmem:s29], [sflag:$0x2], $0x20, s22, s24, $0xb8;
	[tilespmem:$0x1D8C0] =	vst v63  }
.Ltmp6:
0x31f: {  	_ =	swait.ge [sflag:s17], $0x2000;
	(pc) =	sbr.rel .LBB2_10-.Ltmp6, $3  }
0x320: {  	[sflag:s17] =	ssyncset.done $0x0  }
0x321: {  	[sflag:s17] =	ssyncadd.s32 $0xFFFFE000  }
0x322: {  	[bflag:$0x0] =	sbarrier.arrive $0xFFFF;
	_ =	sdelay $0x1  }
.LBB2_9:
.Ltmp7:
0x323: {  	(pc) =	sbr.rel @p0 .LBB2_11-.Ltmp7, $2  }
0x324: {  	_ =	sdelay $0x1  }
0x325: {  	[bflag:$0x0] =	sbarrier.arrive $0xFFFF;
	_ =	sdelay $0x1  }
.LBB2_10:
0x326: {  	s0 =	sshll.u32 s6, $0x6  }
.Ltmp8:
0x327: {  	s0 =	sor.u32 $0x1C02, s0;
	(pc) =	sbr.rel .LBB2_12-.Ltmp8, $4  }
0x328: {  	[hbm:s14], [sflag:s0] =	dma.local [spmem:s25], $0x30E0  }
0x329: {  	_ =	swait.ge [sflag:s17], $0x30E0  }
0x32a: {  	[sflag:s17] =	ssyncset.done $0x0  }
0x32b: {  	[sflag:s17] =	ssyncadd.s32 $0xFFFFCF20  }
.LBB2_13:
0x32c: {  	_ =	sfence.sel $0x180000  }
0x32d: {  	[bflag:$0x0] =	sbarrier.arrive $0xFFFF  }
0x32e: {  	_ =	strace $0x9000004A  }
0x32f: {  	[bflag:$0x2] =	sbarrier.arrive $0xFFFF  }
0x330: {  	p0 =	sne.s32 s6, $0x0;
	s0 =	rddreg [dreg:$0x4]  }
0x331: {  	s0 =	sadd.s32 @!p0 $0x100000, s0  }
0x332: {  	[sflag:s0] =	ssyncadd.tile.s32 @!p0 $0x1;
	_ =	shalt  }
.Lfunc_end2:
_tile_overlayer_lowered:
.L_overlay_start_2:
0x333: {  	(tag) =	ssettag $0x2  }
0x334: {  	s0 =	rddreg [dreg:$0x0];
	s2 =	stileid.u32  }
0x335: {  	s1 =	rddreg [dreg:$0x1];
	p0 =	sne.s32 s2, $0x0  }
0x336: {  	s3 =	rddreg [dreg:$0x2];
	[bflag:$0x3] =	sbarrier.arrive $0xFFFF;
	s2 =	simm.s32 @!p0 $0x1C02  }
0x337: {  	[timem:s3], [sflag:s2] =	dma.local @!p0 [hbm:s0], s1  }
0x338: {  	s0 =	simm.s32 @!p0 $0x2  }
0x339: {  	_ =	swait.ge @!p0 [sflag:s0], s1  }
0x33a: {  	s1 =	ssub.s32 @!p0 $0x0, s1;
	[sflag:s0] =	ssyncset.done @!p0 $0x0  }
0x33b: {  	[sflag:s0] =	ssyncadd.s32 @!p0 s1  }
0x33c: {  	[bflag:$0x3] =	sbarrier.arrive $0xFFFF  }
0x33d: {  	_ =	shalt  }

</sc_bundles>
